<compile_context>
chip_gen: v7x
topology: tpu7x:2x2x1
jax: 0.10.2.dev20260603
libtpu: 0.0.44.dev20260713+nightly
codegen_flags: <defaults>
</compile_context>

<pallas_src>
import functools

import jax
import jax.numpy as jnp
from jax import lax
from jax.experimental import pallas as pl
from jax.experimental.pallas import tpu as pltpu
from jax.experimental.pallas import tpu_sc as plsc

NUM_EMB = 1000000
DIM = 64
B = 16384 * 20
NW = 32
B_PER_W = B // NW
CHUNK = 512
N_CHUNKS = B_PER_W // CHUNK

TBLK = 32768
HALF = TBLK // 2
HSHIFT = 14
NB = (NUM_EMB + TBLK - 1) // TBLK
LAST_BASE = (NB - 1) * TBLK
TAIL = NUM_EMB - LAST_BASE
TAILH = TAIL // 2


def _make_gather(bsub):
    b_per_w = bsub // NW
    n_chunks = b_per_w // CHUNK
    mesh = plsc.VectorSubcoreMesh(core_axis_name="c", subcore_axis_name="s")

    @functools.partial(
        pl.kernel,
        mesh=mesh,
        out_type=jax.ShapeDtypeStruct((bsub, DIM), jnp.float32),
        compiler_params=pltpu.CompilerParams(use_tc_tiling_on_sc=False),
        scratch_types=[
            pltpu.VMEM((b_per_w,), jnp.int32),
            pltpu.VMEM((b_per_w,), jnp.int32),
            pltpu.VMEM((CHUNK, DIM), jnp.float32),
            pltpu.VMEM((CHUNK, DIM), jnp.float32),
            pltpu.SemaphoreType.DMA,
            pltpu.SemaphoreType.DMA,
            pltpu.SemaphoreType.DMA,
            pltpu.SemaphoreType.DMA,
        ],
    )
    def gather_kernel(idx_hbm, table_hbm, out_hbm,
                      idx_v, idx2_v, rows0, rows1, g0, g1, o0, o1):
        wid = lax.axis_index("s") * 2 + lax.axis_index("c")
        base = wid * b_per_w
        pltpu.sync_copy(idx_hbm.at[pl.ds(base, b_per_w)], idx_v)

        bufs = (rows0, rows1)
        gsems = (g0, g1)
        osems = (o0, o1)

        def remap_chunk(i):
            def body(g, carry):
                off = i * CHUNK + g * 16
                v = idx_v[pl.ds(off, 16)]
                last = v >= LAST_BASE
                q = jnp.where(last, v - LAST_BASE, v & (TBLK - 1))
                tail_hi = q >= TAILH
                r = jnp.where(last,
                              jnp.where(tail_hi, q - TAILH, q),
                              q & (HALF - 1))
                hb = jnp.where(last,
                               jnp.where(tail_hi, 1, 0),
                               q >> HSHIFT)
                idx2_v[pl.ds(off, 16)] = (v - q) + r * 2 + hb
                return carry
            lax.fori_loop(0, CHUNK // 16, body, 0)

        def start_gather(i):
            return pltpu.async_copy(
                table_hbm.at[idx2_v.at[pl.ds(i * CHUNK, CHUNK)]],
                bufs[i % 2], gsems[i % 2])

        def start_out(i):
            return pltpu.async_copy(
                bufs[i % 2], out_hbm.at[pl.ds(base + i * CHUNK, CHUNK)],
                osems[i % 2])

        gd = [None, None]
        od = [None, None]
        remap_chunk(0)
        gd[0] = start_gather(0)
        for i in range(n_chunks):
            cur = i % 2
            nxt = 1 - cur
            if i + 1 < n_chunks:
                remap_chunk(i + 1)
                if od[nxt] is not None:
                    od[nxt].wait()
                    od[nxt] = None
                gd[nxt] = start_gather(i + 1)
            gd[cur].wait()
            od[cur] = start_out(i)
        for d in od:
            if d is not None:
                d.wait()

    return gather_kernel


_gather_half = _make_gather(B // 2)

def _transpose_body(wt_ref, out_ref):
    x = wt_ref[...]
    i = pl.program_id(0)

    @pl.when(i < NB - 1)
    def _full():
        t2 = jnp.concatenate([x[:, :HALF].T, x[:, HALF:].T], axis=1)
        out_ref[...] = t2.reshape(-1)

    @pl.when(i == NB - 1)
    def _tail():
        t2 = jnp.concatenate(
            [x[:, :TAILH].T, x[:, TAILH:TAIL].T], axis=1)
        out_ref[pl.ds(0, TAIL * DIM)] = t2.reshape(-1)


def _make_transpose():
    return pl.pallas_call(
        _transpose_body,
        grid=(NB,),
        in_specs=[pl.BlockSpec((DIM, TBLK), lambda i: (0, i))],
        out_specs=pl.BlockSpec((TBLK * DIM,), lambda i: (i,)),
        out_shape=jax.ShapeDtypeStruct((NUM_EMB * DIM,), jnp.float32),
        compiler_params=pltpu.CompilerParams(
            vmem_limit_bytes=128 * 1024 * 1024),
    )


_transpose = _make_transpose()

NSEQ = 16384
NTOK = 20
OBLK = 1024


def _out_transpose_body(flat_ref, out_ref):
    m2 = flat_ref[...].reshape(OBLK * NTOK * DIM // 128, 128)
    m2 = m2 + 0.0
    m3 = m2.reshape(OBLK, NTOK // 2, 128)
    for c in range(NTOK // 2):
        out_ref[2 * c:2 * c + 2] = m3[:, c, :].T.reshape(2, DIM, OBLK)


NGRID_H = NSEQ // (2 * OBLK)


def _out_transpose_b_body(flat_ref, prev_ref, out_ref):
    del prev_ref
    _out_transpose_body(flat_ref, out_ref)


def _make_out_transpose_a():
    return pl.pallas_call(
        _out_transpose_body,
        grid=(NGRID_H,),
        in_specs=[pl.BlockSpec((OBLK * NTOK * DIM,), lambda i: (i,))],
        out_specs=pl.BlockSpec((NTOK, DIM, OBLK), lambda i: (0, 0, i)),
        out_shape=jax.ShapeDtypeStruct((NTOK, DIM, NSEQ), jnp.float32),
        compiler_params=pltpu.CompilerParams(
            vmem_limit_bytes=60 * 1024 * 1024),
    )


def _make_out_transpose_b():
    return pl.pallas_call(
        _out_transpose_b_body,
        grid=(NGRID_H,),
        in_specs=[
            pl.BlockSpec((OBLK * NTOK * DIM,), lambda i: (i,)),
            pl.BlockSpec(memory_space=pl.ANY),
        ],
        out_specs=pl.BlockSpec((NTOK, DIM, OBLK),
                               lambda i: (0, 0, i + NGRID_H)),
        out_shape=jax.ShapeDtypeStruct((NTOK, DIM, NSEQ), jnp.float32),
        input_output_aliases={1: 0},
        compiler_params=pltpu.CompilerParams(
            vmem_limit_bytes=60 * 1024 * 1024),
    )


_out_transpose_a = _make_out_transpose_a()
_out_transpose_b = _make_out_transpose_b()


@jax.jit
def kernel(indices, weight):
    idx_flat = indices.reshape(-1).astype(jnp.int32)
    w_flat = _transpose(weight.T)
    table = w_flat.reshape(NUM_EMB, DIM)
    out1 = _gather_half(idx_flat[:B // 2], table)
    out2 = _gather_half(idx_flat[B // 2:], table)
    half = _out_transpose_a(out1.reshape(-1))
    full = _out_transpose_b(out2.reshape(-1), half)
    return jnp.transpose(full, (2, 0, 1))

# --- scband reference (transcript-rebuilt; emitter-appended) ---
"""Pipeline reference for scband-vocab-parallel-embedding-20839181320890 (READ-ONLY COPY).

The authoritative reference and input builder live on the scoring server;
editing this copy changes nothing except your own understanding.
"""

import jax, jax.numpy as jnp
import numpy as np

NUM_EMBEDDINGS = 1000000
EMBEDDING_DIM = 64
VOCAB_START = 0
VOCAB_END = NUM_EMBEDDINGS


def setup_inputs(seed: int = 0) -> dict:
    key = jax.random.key(seed)
    k1, k2 = jax.random.split(key)
    indices = jax.random.randint(k1, (16384, 20), 0, NUM_EMBEDDINGS, dtype=jnp.int64 if jax.config.jax_enable_x64 else jnp.int32).astype(jnp.int32)
    weight = jax.random.normal(k2, (NUM_EMBEDDINGS, EMBEDDING_DIM), dtype=jnp.float32)
    return {"indices": indices, "weight": weight}


def reference(indices, weight):
    # VocabParallelEmbedding forward with tp_world_size=1 (full vocab on this rank).
    # Faithful to the tensor-parallel logic: mask indices outside this rank's
    # vocab range, shift into local range, gather, zero masked rows.
    input_mask = (indices < VOCAB_START) | (indices >= VOCAB_END)
    masked_input = jnp.where(input_mask, 0, indices - VOCAB_START)
    output = jnp.take(weight, masked_input, axis=0)
    output = jnp.where(input_mask[..., None], 0.0, output)
    # (in TP>1 this would be followed by an all-reduce across TP ranks)
    return output

if __name__ == "__main__":
    import jax
    _d = setup_inputs()
    print(jax.jit(kernel)(*tuple(_d.values())))

</pallas_src>

<mosaic_0001>
#map = affine_map<(d0, d1) -> (0)>
#map1 = affine_map<(d0, d1) -> (0, 0)>
module attributes {stable_mosaic.version = 14 : i64} {
  func.func @gather_kernel(%arg0: i32, %arg1: i32, %arg2: memref<163840xi32, #tpu.memory_space<hbm>>, %arg3: memref<1000000x64xf32, #tpu.memory_space<hbm>>, %arg4: memref<163840x64xf32, #tpu.memory_space<hbm>>, %arg5: memref<5120xi32, #tpu.memory_space<vmem>>, %arg6: memref<5120xi32, #tpu.memory_space<vmem>>, %arg7: memref<512x64xf32, #tpu.memory_space<vmem>>, %arg8: memref<512x64xf32, #tpu.memory_space<vmem>>, %arg9: memref<!tpu.dma_semaphore, #tpu.memory_space<semaphore_mem>>, %arg10: memref<!tpu.dma_semaphore, #tpu.memory_space<semaphore_mem>>, %arg11: memref<!tpu.dma_semaphore, #tpu.memory_space<semaphore_mem>>, %arg12: memref<!tpu.dma_semaphore, #tpu.memory_space<semaphore_mem>>) attributes {dimension_semantics = [#tpu.dimension_semantics<core_parallel>, #tpu.dimension_semantics<subcore_parallel>], iteration_bounds = array<i64: 2, 16>, scalar_prefetch = 0 : i64, scratch_operands = 8 : i64, tpu.core_type = #tpu.core_type<sc_vector_subcore>, window_params = [{transform_indices = #map}, {transform_indices = #map1}, {transform_indices = #map1}]} {
    %mul3A = arith.constant 2 : i32
    %mul3A_0 = arith.muli %arg1, %mul3A : i32
    %add3A = arith.addi %mul3A_0, %arg0 : i32
    %mul3A_1 = arith.constant 5120 : i32
    %mul3A_2 = arith.muli %add3A, %mul3A_1 : i32
    "tpu.region"() ({
      %run_scoped3A = tpu.sem_alloc : memref<!tpu.dma_semaphore, #tpu.memory_space<semaphore_mem>>
      %dma_start3A_260 = tpu.memref_slice %arg2[%mul3A_2] : memref<163840xi32, #tpu.memory_space<hbm>> -> memref<5120xi32, #tpu.memory_space<hbm>>
      %dma_start3A_261 = tpu.memref_slice %arg2[%mul3A_2] : memref<163840xi32, #tpu.memory_space<hbm>> -> memref<5120xi32, #tpu.memory_space<hbm>>
      tpu.enqueue_dma source(%dma_start3A_261 : memref<5120xi32, #tpu.memory_space<hbm>>) target(%arg5 : memref<5120xi32, #tpu.memory_space<vmem>>) target_semaphore(%run_scoped3A : memref<!tpu.dma_semaphore, #tpu.memory_space<semaphore_mem>>)
      %dma_wait3A_262 = tpu.memref_slice %arg2[%mul3A_2] : memref<163840xi32, #tpu.memory_space<hbm>> -> memref<5120xi32, #tpu.memory_space<hbm>>
      %dma_wait3A_263 = tpu.memref_slice %arg2[%mul3A_2] : memref<163840xi32, #tpu.memory_space<hbm>> -> memref<5120xi32, #tpu.memory_space<hbm>>
      tpu.wait_dma2 semaphore(%run_scoped3A : memref<!tpu.dma_semaphore, #tpu.memory_space<semaphore_mem>>) src(%dma_wait3A_263 : memref<5120xi32, #tpu.memory_space<hbm>>) dst(%arg5 : memref<5120xi32, #tpu.memory_space<vmem>>)
      tpu.yield
    }) : () -> ()
    %scan3A = arith.constant 0 : i32
    %scan3A_3 = arith.constant 0 : i32
    %scan3A_4 = arith.constant 32 : i32
    %scan3A_5 = arith.addi %scan3A_3, %scan3A_4 : i32
    %scan3A_6 = arith.constant 1 : i32
    scf.for %scan3A_260 = %scan3A_3 to %scan3A_5 step %scan3A_6  : i32 {
      %mul3A_261 = arith.constant 16 : i32
      %mul3A_262 = arith.muli %scan3A_260, %mul3A_261 : i32
      %add3A_263 = arith.constant 0 : i32
      %add3A_264 = arith.addi %add3A_263, %mul3A_262 : i32
      %get3A = arith.index_cast %add3A_264 : i32 to index
      %get3A_265 = tpu.vector_load %arg5[%get3A] {strides = array<i32>} : memref<5120xi32, #tpu.memory_space<vmem>>, vector<16xi32>,
      %get3A_266 = vector.shape_cast %get3A_265 : vector<16xi32> to vector<16xi32>
      %ge3A = arith.constant 983040 : i32
      %ge3A_267 = vector.broadcast %ge3A : i32 to vector<16xi32>
      %ge3A_268 = arith.cmpi sge, %get3A_266, %ge3A_267 : vector<16xi32>
      %sub3A = arith.constant 983040 : i32
      %sub3A_269 = vector.broadcast %sub3A : i32 to vector<16xi32>
      %sub3A_270 = arith.subi %get3A_266, %sub3A_269 : vector<16xi32>
      %and3A = arith.constant 32767 : i32
      %and3A_271 = vector.broadcast %and3A : i32 to vector<16xi32>
      %and3A_272 = arith.andi %get3A_266, %and3A_271 : vector<16xi32>
      %select_n3A = arith.select %ge3A_268, %sub3A_270, %and3A_272 : vector<16xi1>, vector<16xi32>
      %ge3A_273 = arith.constant 8480 : i32
      %ge3A_274 = vector.broadcast %ge3A_273 : i32 to vector<16xi32>
      %ge3A_275 = arith.cmpi sge, %select_n3A, %ge3A_274 : vector<16xi32>
      %sub3A_276 = arith.constant 8480 : i32
      %sub3A_277 = vector.broadcast %sub3A_276 : i32 to vector<16xi32>
      %sub3A_278 = arith.subi %select_n3A, %sub3A_277 : vector<16xi32>
      %select_n3A_279 = arith.select %ge3A_275, %sub3A_278, %select_n3A : vector<16xi1>, vector<16xi32>
      %and3A_280 = arith.constant 16383 : i32
      %and3A_281 = vector.broadcast %and3A_280 : i32 to vector<16xi32>
      %and3A_282 = arith.andi %select_n3A, %and3A_281 : vector<16xi32>
      %select_n3A_283 = arith.select %ge3A_268, %select_n3A_279, %and3A_282 : vector<16xi1>, vector<16xi32>
      %jit3A = arith.constant 1 : i32
      %jit3A_284 = arith.constant 0 : i32
      %broadcast_in_dim3A = vector.broadcast %jit3A : i32 to vector<16xi32>
      %broadcast_in_dim3A_285 = vector.broadcast %jit3A_284 : i32 to vector<16xi32>
      %select_n3A_286 = arith.select %ge3A_275, %broadcast_in_dim3A, %broadcast_in_dim3A_285 : vector<16xi1>, vector<16xi32>
      %shift_right_arithmetic3A = arith.constant 14 : i32
      %shift_right_arithmetic3A_287 = vector.broadcast %shift_right_arithmetic3A : i32 to vector<16xi32>
      %shift_right_arithmetic3A_288 = arith.shrsi %select_n3A, %shift_right_arithmetic3A_287 : vector<16xi32>
      %select_n3A_289 = arith.select %ge3A_268, %select_n3A_286, %shift_right_arithmetic3A_288 : vector<16xi1>, vector<16xi32>
      %sub3A_290 = arith.subi %get3A_266, %select_n3A : vector<16xi32>
      %mul3A_291 = arith.constant 2 : i32
      %mul3A_292 = vector.broadcast %mul3A_291 : i32 to vector<16xi32>
      %mul3A_293 = arith.muli %select_n3A_283, %mul3A_292 : vector<16xi32>
      %add3A_294 = arith.addi %sub3A_290, %mul3A_293 : vector<16xi32>
      %add3A_295 = arith.addi %add3A_294, %select_n3A_289 : vector<16xi32>
      %swap3A = arith.index_cast %add3A_264 : i32 to index
      %swap3A_296 = tpu.vector_load %arg6[%swap3A] {strides = array<i32>} : memref<5120xi32, #tpu.memory_space<vmem>>, vector<16xi32>,
      %swap3A_297 = vector.shape_cast %swap3A_296 : vector<16xi32> to vector<16xi32>
      %swap3A_298 = vector.shape_cast %add3A_295 : vector<16xi32> to vector<16xi32>
      tpu.vector_store %arg6[%swap3A], %swap3A_298 {strides = array<i32>} : memref<5120xi32, #tpu.memory_space<vmem>>, vector<16xi32>,
    }
    %scan3A_7 = arith.constant 32 : i32
    %dma_start3A = arith.constant 0 : i32
    %dma_start3A_8 = tpu.memref_slice %arg6[%dma_start3A] : memref<5120xi32, #tpu.memory_space<vmem>> -> memref<512xi32, #tpu.memory_space<vmem>>
    %dma_start3A_9 = arith.constant 0 : i32
    %dma_start3A_10 = arith.constant 0 : i32
    %dma_start3A_11 = tpu.memref_slice %arg3[%dma_start3A_9, %dma_start3A_10] : memref<1000000x64xf32, #tpu.memory_space<hbm>> -> memref<1000000x64xf32, #tpu.memory_space<hbm>>
    tpu.enqueue_indirect_dma source(%dma_start3A_11 : memref<1000000x64xf32, #tpu.memory_space<hbm>>) target(%arg7 : memref<512x64xf32, #tpu.memory_space<vmem>>) offsets(%dma_start3A_8 : memref<512xi32, #tpu.memory_space<vmem>>) semaphore(%arg9 : memref<!tpu.dma_semaphore, #tpu.memory_space<semaphore_mem>>)
    %scan3A_12 = arith.constant 0 : i32
    %scan3A_13 = arith.constant 0 : i32
    %scan3A_14 = arith.constant 32 : i32
    %scan3A_15 = arith.addi %scan3A_13, %scan3A_14 : i32
    %scan3A_16 = arith.constant 1 : i32
    scf.for %scan3A_260 = %scan3A_13 to %scan3A_15 step %scan3A_16  : i32 {
      %mul3A_261 = arith.constant 16 : i32
      %mul3A_262 = arith.muli %scan3A_260, %mul3A_261 : i32
      %add3A_263 = arith.constant 512 : i32
      %add3A_264 = arith.addi %add3A_263, %mul3A_262 : i32
      %get3A = arith.index_cast %add3A_264 : i32 to index
      %get3A_265 = tpu.vector_load %arg5[%get3A] {strides = array<i32>} : memref<5120xi32, #tpu.memory_space<vmem>>, vector<16xi32>,
      %get3A_266 = vector.shape_cast %get3A_265 : vector<16xi32> to vector<16xi32>
      %ge3A = arith.constant 983040 : i32
      %ge3A_267 = vector.broadcast %ge3A : i32 to vector<16xi32>
      %ge3A_268 = arith.cmpi sge, %get3A_266, %ge3A_267 : vector<16xi32>
      %sub3A = arith.constant 983040 : i32
      %sub3A_269 = vector.broadcast %sub3A : i32 to vector<16xi32>
      %sub3A_270 = arith.subi %get3A_266, %sub3A_269 : vector<16xi32>
      %and3A = arith.constant 32767 : i32
      %and3A_271 = vector.broadcast %and3A : i32 to vector<16xi32>
      %and3A_272 = arith.andi %get3A_266, %and3A_271 : vector<16xi32>
      %select_n3A = arith.select %ge3A_268, %sub3A_270, %and3A_272 : vector<16xi1>, vector<16xi32>
      %ge3A_273 = arith.constant 8480 : i32
      %ge3A_274 = vector.broadcast %ge3A_273 : i32 to vector<16xi32>
      %ge3A_275 = arith.cmpi sge, %select_n3A, %ge3A_274 : vector<16xi32>
      %sub3A_276 = arith.constant 8480 : i32
      %sub3A_277 = vector.broadcast %sub3A_276 : i32 to vector<16xi32>
      %sub3A_278 = arith.subi %select_n3A, %sub3A_277 : vector<16xi32>
      %select_n3A_279 = arith.select %ge3A_275, %sub3A_278, %select_n3A : vector<16xi1>, vector<16xi32>
      %and3A_280 = arith.constant 16383 : i32
      %and3A_281 = vector.broadcast %and3A_280 : i32 to vector<16xi32>
      %and3A_282 = arith.andi %select_n3A, %and3A_281 : vector<16xi32>
      %select_n3A_283 = arith.select %ge3A_268, %select_n3A_279, %and3A_282 : vector<16xi1>, vector<16xi32>
      %jit3A = arith.constant 1 : i32
      %jit3A_284 = arith.constant 0 : i32
      %broadcast_in_dim3A = vector.broadcast %jit3A : i32 to vector<16xi32>
      %broadcast_in_dim3A_285 = vector.broadcast %jit3A_284 : i32 to vector<16xi32>
      %select_n3A_286 = arith.select %ge3A_275, %broadcast_in_dim3A, %broadcast_in_dim3A_285 : vector<16xi1>, vector<16xi32>
      %shift_right_arithmetic3A = arith.constant 14 : i32
      %shift_right_arithmetic3A_287 = vector.broadcast %shift_right_arithmetic3A : i32 to vector<16xi32>
      %shift_right_arithmetic3A_288 = arith.shrsi %select_n3A, %shift_right_arithmetic3A_287 : vector<16xi32>
      %select_n3A_289 = arith.select %ge3A_268, %select_n3A_286, %shift_right_arithmetic3A_288 : vector<16xi1>, vector<16xi32>
      %sub3A_290 = arith.subi %get3A_266, %select_n3A : vector<16xi32>
      %mul3A_291 = arith.constant 2 : i32
      %mul3A_292 = vector.broadcast %mul3A_291 : i32 to vector<16xi32>
      %mul3A_293 = arith.muli %select_n3A_283, %mul3A_292 : vector<16xi32>
      %add3A_294 = arith.addi %sub3A_290, %mul3A_293 : vector<16xi32>
      %add3A_295 = arith.addi %add3A_294, %select_n3A_289 : vector<16xi32>
      %swap3A = arith.index_cast %add3A_264 : i32 to index
      %swap3A_296 = tpu.vector_load %arg6[%swap3A] {strides = array<i32>} : memref<5120xi32, #tpu.memory_space<vmem>>, vector<16xi32>,
      %swap3A_297 = vector.shape_cast %swap3A_296 : vector<16xi32> to vector<16xi32>
      %swap3A_298 = vector.shape_cast %add3A_295 : vector<16xi32> to vector<16xi32>
      tpu.vector_store %arg6[%swap3A], %swap3A_298 {strides = array<i32>} : memref<5120xi32, #tpu.memory_space<vmem>>, vector<16xi32>,
    }
    %scan3A_17 = arith.constant 32 : i32
    %dma_start3A_18 = arith.constant 512 : i32
    %dma_start3A_19 = tpu.memref_slice %arg6[%dma_start3A_18] : memref<5120xi32, #tpu.memory_space<vmem>> -> memref<512xi32, #tpu.memory_space<vmem>>
    %dma_start3A_20 = arith.constant 0 : i32
    %dma_start3A_21 = arith.constant 0 : i32
    %dma_start3A_22 = tpu.memref_slice %arg3[%dma_start3A_20, %dma_start3A_21] : memref<1000000x64xf32, #tpu.memory_space<hbm>> -> memref<1000000x64xf32, #tpu.memory_space<hbm>>
    tpu.enqueue_indirect_dma source(%dma_start3A_22 : memref<1000000x64xf32, #tpu.memory_space<hbm>>) target(%arg8 : memref<512x64xf32, #tpu.memory_space<vmem>>) offsets(%dma_start3A_19 : memref<512xi32, #tpu.memory_space<vmem>>) semaphore(%arg10 : memref<!tpu.dma_semaphore, #tpu.memory_space<semaphore_mem>>)
    %dma_wait3A = arith.constant 0 : i32
    %dma_wait3A_23 = tpu.memref_slice %arg6[%dma_wait3A] : memref<5120xi32, #tpu.memory_space<vmem>> -> memref<512xi32, #tpu.memory_space<vmem>>
    %dma_wait3A_24 = arith.constant 0 : i32
    %dma_wait3A_25 = arith.constant 0 : i32
    %dma_wait3A_26 = tpu.memref_slice %arg3[%dma_wait3A_24, %dma_wait3A_25] : memref<1000000x64xf32, #tpu.memory_space<hbm>> -> memref<1000000x64xf32, #tpu.memory_space<hbm>>
    tpu.wait_indirect_dma semaphore(%arg9 : memref<!tpu.dma_semaphore, #tpu.memory_space<semaphore_mem>>) src(%dma_wait3A_26 : memref<1000000x64xf32, #tpu.memory_space<hbm>>) dst(%arg7 : memref<512x64xf32, #tpu.memory_space<vmem>>)
    %add3A_27 = arith.constant 0 : i32
    %add3A_28 = arith.addi %mul3A_2, %add3A_27 : i32
    %dma_start3A_29 = arith.constant 0 : i32
    %dma_start3A_30 = tpu.memref_slice %arg4[%add3A_28, %dma_start3A_29] : memref<163840x64xf32, #tpu.memory_space<hbm>> -> memref<512x64xf32, #tpu.memory_space<hbm>>
    %dma_start3A_31 = arith.constant 0 : i32
    %dma_start3A_32 = tpu.memref_slice %arg4[%add3A_28, %dma_start3A_31] : memref<163840x64xf32, #tpu.memory_space<hbm>> -> memref<512x64xf32, #tpu.memory_space<hbm>>
    tpu.enqueue_dma source(%arg7 : memref<512x64xf32, #tpu.memory_space<vmem>>) target(%dma_start3A_32 : memref<512x64xf32, #tpu.memory_space<hbm>>) target_semaphore(%arg11 : memref<!tpu.dma_semaphore, #tpu.memory_space<semaphore_mem>>)
    %scan3A_33 = arith.constant 0 : i32
    %scan3A_34 = arith.constant 0 : i32
    %scan3A_35 = arith.constant 32 : i32
    %scan3A_36 = arith.addi %scan3A_34, %scan3A_35 : i32
    %scan3A_37 = arith.constant 1 : i32
    scf.for %scan3A_260 = %scan3A_34 to %scan3A_36 step %scan3A_37  : i32 {
      %mul3A_261 = arith.constant 16 : i32
      %mul3A_262 = arith.muli %scan3A_260, %mul3A_261 : i32
      %add3A_263 = arith.constant 1024 : i32
      %add3A_264 = arith.addi %add3A_263, %mul3A_262 : i32
      %get3A = arith.index_cast %add3A_264 : i32 to index
      %get3A_265 = tpu.vector_load %arg5[%get3A] {strides = array<i32>} : memref<5120xi32, #tpu.memory_space<vmem>>, vector<16xi32>,
      %get3A_266 = vector.shape_cast %get3A_265 : vector<16xi32> to vector<16xi32>
      %ge3A = arith.constant 983040 : i32
      %ge3A_267 = vector.broadcast %ge3A : i32 to vector<16xi32>
      %ge3A_268 = arith.cmpi sge, %get3A_266, %ge3A_267 : vector<16xi32>
      %sub3A = arith.constant 983040 : i32
      %sub3A_269 = vector.broadcast %sub3A : i32 to vector<16xi32>
      %sub3A_270 = arith.subi %get3A_266, %sub3A_269 : vector<16xi32>
      %and3A = arith.constant 32767 : i32
      %and3A_271 = vector.broadcast %and3A : i32 to vector<16xi32>
      %and3A_272 = arith.andi %get3A_266, %and3A_271 : vector<16xi32>
      %select_n3A = arith.select %ge3A_268, %sub3A_270, %and3A_272 : vector<16xi1>, vector<16xi32>
      %ge3A_273 = arith.constant 8480 : i32
      %ge3A_274 = vector.broadcast %ge3A_273 : i32 to vector<16xi32>
      %ge3A_275 = arith.cmpi sge, %select_n3A, %ge3A_274 : vector<16xi32>
      %sub3A_276 = arith.constant 8480 : i32
      %sub3A_277 = vector.broadcast %sub3A_276 : i32 to vector<16xi32>
      %sub3A_278 = arith.subi %select_n3A, %sub3A_277 : vector<16xi32>
      %select_n3A_279 = arith.select %ge3A_275, %sub3A_278, %select_n3A : vector<16xi1>, vector<16xi32>
      %and3A_280 = arith.constant 16383 : i32
      %and3A_281 = vector.broadcast %and3A_280 : i32 to vector<16xi32>
      %and3A_282 = arith.andi %select_n3A, %and3A_281 : vector<16xi32>
      %select_n3A_283 = arith.select %ge3A_268, %select_n3A_279, %and3A_282 : vector<16xi1>, vector<16xi32>
      %jit3A = arith.constant 1 : i32
      %jit3A_284 = arith.constant 0 : i32
      %broadcast_in_dim3A = vector.broadcast %jit3A : i32 to vector<16xi32>
      %broadcast_in_dim3A_285 = vector.broadcast %jit3A_284 : i32 to vector<16xi32>
      %select_n3A_286 = arith.select %ge3A_275, %broadcast_in_dim3A, %broadcast_in_dim3A_285 : vector<16xi1>, vector<16xi32>
      %shift_right_arithmetic3A = arith.constant 14 : i32
      %shift_right_arithmetic3A_287 = vector.broadcast %shift_right_arithmetic3A : i32 to vector<16xi32>
      %shift_right_arithmetic3A_288 = arith.shrsi %select_n3A, %shift_right_arithmetic3A_287 : vector<16xi32>
      %select_n3A_289 = arith.select %ge3A_268, %select_n3A_286, %shift_right_arithmetic3A_288 : vector<16xi1>, vector<16xi32>
      %sub3A_290 = arith.subi %get3A_266, %select_n3A : vector<16xi32>
      %mul3A_291 = arith.constant 2 : i32
      %mul3A_292 = vector.broadcast %mul3A_291 : i32 to vector<16xi32>
      %mul3A_293 = arith.muli %select_n3A_283, %mul3A_292 : vector<16xi32>
      %add3A_294 = arith.addi %sub3A_290, %mul3A_293 : vector<16xi32>
      %add3A_295 = arith.addi %add3A_294, %select_n3A_289 : vector<16xi32>
      %swap3A = arith.index_cast %add3A_264 : i32 to index
      %swap3A_296 = tpu.vector_load %arg6[%swap3A] {strides = array<i32>} : memref<5120xi32, #tpu.memory_space<vmem>>, vector<16xi32>,
      %swap3A_297 = vector.shape_cast %swap3A_296 : vector<16xi32> to vector<16xi32>
      %swap3A_298 = vector.shape_cast %add3A_295 : vector<16xi32> to vector<16xi32>
      tpu.vector_store %arg6[%swap3A], %swap3A_298 {strides = array<i32>} : memref<5120xi32, #tpu.memory_space<vmem>>, vector<16xi32>,
    }
    %scan3A_38 = arith.constant 32 : i32
    %dma_wait3A_39 = arith.constant 0 : i32
    %dma_wait3A_40 = tpu.memref_slice %arg4[%add3A_28, %dma_wait3A_39] : memref<163840x64xf32, #tpu.memory_space<hbm>> -> memref<512x64xf32, #tpu.memory_space<hbm>>
    %dma_wait3A_41 = arith.constant 0 : i32
    %dma_wait3A_42 = tpu.memref_slice %arg4[%add3A_28, %dma_wait3A_41] : memref<163840x64xf32, #tpu.memory_space<hbm>> -> memref<512x64xf32, #tpu.memory_space<hbm>>
    tpu.wait_dma2 semaphore(%arg11 : memref<!tpu.dma_semaphore, #tpu.memory_space<semaphore_mem>>) src(%arg7 : memref<512x64xf32, #tpu.memory_space<vmem>>) dst(%dma_wait3A_42 : memref<512x64xf32, #tpu.memory_space<hbm>>)
    %dma_start3A_43 = arith.constant 1024 : i32
    %dma_start3A_44 = tpu.memref_slice %arg6[%dma_start3A_43] : memref<5120xi32, #tpu.memory_space<vmem>> -> memref<512xi32, #tpu.memory_space<vmem>>
    %dma_start3A_45 = arith.constant 0 : i32
    %dma_start3A_46 = arith.constant 0 : i32
    %dma_start3A_47 = tpu.memref_slice %arg3[%dma_start3A_45, %dma_start3A_46] : memref<1000000x64xf32, #tpu.memory_space<hbm>> -> memref<1000000x64xf32, #tpu.memory_space<hbm>>
    tpu.enqueue_indirect_dma source(%dma_start3A_47 : memref<1000000x64xf32, #tpu.memory_space<hbm>>) target(%arg7 : memref<512x64xf32, #tpu.memory_space<vmem>>) offsets(%dma_start3A_44 : memref<512xi32, #tpu.memory_space<vmem>>) semaphore(%arg9 : memref<!tpu.dma_semaphore, #tpu.memory_space<semaphore_mem>>)
    %dma_wait3A_48 = arith.constant 512 : i32
    %dma_wait3A_49 = tpu.memref_slice %arg6[%dma_wait3A_48] : memref<5120xi32, #tpu.memory_space<vmem>> -> memref<512xi32, #tpu.memory_space<vmem>>
    %dma_wait3A_50 = arith.constant 0 : i32
    %dma_wait3A_51 = arith.constant 0 : i32
    %dma_wait3A_52 = tpu.memref_slice %arg3[%dma_wait3A_50, %dma_wait3A_51] : memref<1000000x64xf32, #tpu.memory_space<hbm>> -> memref<1000000x64xf32, #tpu.memory_space<hbm>>
    tpu.wait_indirect_dma semaphore(%arg10 : memref<!tpu.dma_semaphore, #tpu.memory_space<semaphore_mem>>) src(%dma_wait3A_52 : memref<1000000x64xf32, #tpu.memory_space<hbm>>) dst(%arg8 : memref<512x64xf32, #tpu.memory_space<vmem>>)
    %add3A_53 = arith.constant 512 : i32
    %add3A_54 = arith.addi %mul3A_2, %add3A_53 : i32
    %dma_start3A_55 = arith.constant 0 : i32
    %dma_start3A_56 = tpu.memref_slice %arg4[%add3A_54, %dma_start3A_55] : memref<163840x64xf32, #tpu.memory_space<hbm>> -> memref<512x64xf32, #tpu.memory_space<hbm>>
    %dma_start3A_57 = arith.constant 0 : i32
    %dma_start3A_58 = tpu.memref_slice %arg4[%add3A_54, %dma_start3A_57] : memref<163840x64xf32, #tpu.memory_space<hbm>> -> memref<512x64xf32, #tpu.memory_space<hbm>>
    tpu.enqueue_dma source(%arg8 : memref<512x64xf32, #tpu.memory_space<vmem>>) target(%dma_start3A_58 : memref<512x64xf32, #tpu.memory_space<hbm>>) target_semaphore(%arg12 : memref<!tpu.dma_semaphore, #tpu.memory_space<semaphore_mem>>)
    %scan3A_59 = arith.constant 0 : i32
    %scan3A_60 = arith.constant 0 : i32
    %scan3A_61 = arith.constant 32 : i32
    %scan3A_62 = arith.addi %scan3A_60, %scan3A_61 : i32
    %scan3A_63 = arith.constant 1 : i32
    scf.for %scan3A_260 = %scan3A_60 to %scan3A_62 step %scan3A_63  : i32 {
      %mul3A_261 = arith.constant 16 : i32
      %mul3A_262 = arith.muli %scan3A_260, %mul3A_261 : i32
      %add3A_263 = arith.constant 1536 : i32
      %add3A_264 = arith.addi %add3A_263, %mul3A_262 : i32
      %get3A = arith.index_cast %add3A_264 : i32 to index
      %get3A_265 = tpu.vector_load %arg5[%get3A] {strides = array<i32>} : memref<5120xi32, #tpu.memory_space<vmem>>, vector<16xi32>,
      %get3A_266 = vector.shape_cast %get3A_265 : vector<16xi32> to vector<16xi32>
      %ge3A = arith.constant 983040 : i32
      %ge3A_267 = vector.broadcast %ge3A : i32 to vector<16xi32>
      %ge3A_268 = arith.cmpi sge, %get3A_266, %ge3A_267 : vector<16xi32>
      %sub3A = arith.constant 983040 : i32
      %sub3A_269 = vector.broadcast %sub3A : i32 to vector<16xi32>
      %sub3A_270 = arith.subi %get3A_266, %sub3A_269 : vector<16xi32>
      %and3A = arith.constant 32767 : i32
      %and3A_271 = vector.broadcast %and3A : i32 to vector<16xi32>
      %and3A_272 = arith.andi %get3A_266, %and3A_271 : vector<16xi32>
      %select_n3A = arith.select %ge3A_268, %sub3A_270, %and3A_272 : vector<16xi1>, vector<16xi32>
      %ge3A_273 = arith.constant 8480 : i32
      %ge3A_274 = vector.broadcast %ge3A_273 : i32 to vector<16xi32>
      %ge3A_275 = arith.cmpi sge, %select_n3A, %ge3A_274 : vector<16xi32>
      %sub3A_276 = arith.constant 8480 : i32
      %sub3A_277 = vector.broadcast %sub3A_276 : i32 to vector<16xi32>
      %sub3A_278 = arith.subi %select_n3A, %sub3A_277 : vector<16xi32>
      %select_n3A_279 = arith.select %ge3A_275, %sub3A_278, %select_n3A : vector<16xi1>, vector<16xi32>
      %and3A_280 = arith.constant 16383 : i32
      %and3A_281 = vector.broadcast %and3A_280 : i32 to vector<16xi32>
      %and3A_282 = arith.andi %select_n3A, %and3A_281 : vector<16xi32>
      %select_n3A_283 = arith.select %ge3A_268, %select_n3A_279, %and3A_282 : vector<16xi1>, vector<16xi32>
      %jit3A = arith.constant 1 : i32
      %jit3A_284 = arith.constant 0 : i32
      %broadcast_in_dim3A = vector.broadcast %jit3A : i32 to vector<16xi32>
      %broadcast_in_dim3A_285 = vector.broadcast %jit3A_284 : i32 to vector<16xi32>
      %select_n3A_286 = arith.select %ge3A_275, %broadcast_in_dim3A, %broadcast_in_dim3A_285 : vector<16xi1>, vector<16xi32>
      %shift_right_arithmetic3A = arith.constant 14 : i32
      %shift_right_arithmetic3A_287 = vector.broadcast %shift_right_arithmetic3A : i32 to vector<16xi32>
      %shift_right_arithmetic3A_288 = arith.shrsi %select_n3A, %shift_right_arithmetic3A_287 : vector<16xi32>
      %select_n3A_289 = arith.select %ge3A_268, %select_n3A_286, %shift_right_arithmetic3A_288 : vector<16xi1>, vector<16xi32>
      %sub3A_290 = arith.subi %get3A_266, %select_n3A : vector<16xi32>
      %mul3A_291 = arith.constant 2 : i32
      %mul3A_292 = vector.broadcast %mul3A_291 : i32 to vector<16xi32>
      %mul3A_293 = arith.muli %select_n3A_283, %mul3A_292 : vector<16xi32>
      %add3A_294 = arith.addi %sub3A_290, %mul3A_293 : vector<16xi32>
      %add3A_295 = arith.addi %add3A_294, %select_n3A_289 : vector<16xi32>
      %swap3A = arith.index_cast %add3A_264 : i32 to index
      %swap3A_296 = tpu.vector_load %arg6[%swap3A] {strides = array<i32>} : memref<5120xi32, #tpu.memory_space<vmem>>, vector<16xi32>,
      %swap3A_297 = vector.shape_cast %swap3A_296 : vector<16xi32> to vector<16xi32>
      %swap3A_298 = vector.shape_cast %add3A_295 : vector<16xi32> to vector<16xi32>
      tpu.vector_store %arg6[%swap3A], %swap3A_298 {strides = array<i32>} : memref<5120xi32, #tpu.memory_space<vmem>>, vector<16xi32>,
    }
    %scan3A_64 = arith.constant 32 : i32
    %dma_wait3A_65 = arith.constant 0 : i32
    %dma_wait3A_66 = tpu.memref_slice %arg4[%add3A_54, %dma_wait3A_65] : memref<163840x64xf32, #tpu.memory_space<hbm>> -> memref<512x64xf32, #tpu.memory_space<hbm>>
    %dma_wait3A_67 = arith.constant 0 : i32
    %dma_wait3A_68 = tpu.memref_slice %arg4[%add3A_54, %dma_wait3A_67] : memref<163840x64xf32, #tpu.memory_space<hbm>> -> memref<512x64xf32, #tpu.memory_space<hbm>>
    tpu.wait_dma2 semaphore(%arg12 : memref<!tpu.dma_semaphore, #tpu.memory_space<semaphore_mem>>) src(%arg8 : memref<512x64xf32, #tpu.memory_space<vmem>>) dst(%dma_wait3A_68 : memref<512x64xf32, #tpu.memory_space<hbm>>)
    %dma_start3A_69 = arith.constant 1536 : i32
    %dma_start3A_70 = tpu.memref_slice %arg6[%dma_start3A_69] : memref<5120xi32, #tpu.memory_space<vmem>> -> memref<512xi32, #tpu.memory_space<vmem>>
    %dma_start3A_71 = arith.constant 0 : i32
    %dma_start3A_72 = arith.constant 0 : i32
    %dma_start3A_73 = tpu.memref_slice %arg3[%dma_start3A_71, %dma_start3A_72] : memref<1000000x64xf32, #tpu.memory_space<hbm>> -> memref<1000000x64xf32, #tpu.memory_space<hbm>>
    tpu.enqueue_indirect_dma source(%dma_start3A_73 : memref<1000000x64xf32, #tpu.memory_space<hbm>>) target(%arg8 : memref<512x64xf32, #tpu.memory_space<vmem>>) offsets(%dma_start3A_70 : memref<512xi32, #tpu.memory_space<vmem>>) semaphore(%arg10 : memref<!tpu.dma_semaphore, #tpu.memory_space<semaphore_mem>>)
    %dma_wait3A_74 = arith.constant 1024 : i32
    %dma_wait3A_75 = tpu.memref_slice %arg6[%dma_wait3A_74] : memref<5120xi32, #tpu.memory_space<vmem>> -> memref<512xi32, #tpu.memory_space<vmem>>
    %dma_wait3A_76 = arith.constant 0 : i32
    %dma_wait3A_77 = arith.constant 0 : i32
    %dma_wait3A_78 = tpu.memref_slice %arg3[%dma_wait3A_76, %dma_wait3A_77] : memref<1000000x64xf32, #tpu.memory_space<hbm>> -> memref<1000000x64xf32, #tpu.memory_space<hbm>>
    tpu.wait_indirect_dma semaphore(%arg9 : memref<!tpu.dma_semaphore, #tpu.memory_space<semaphore_mem>>) src(%dma_wait3A_78 : memref<1000000x64xf32, #tpu.memory_space<hbm>>) dst(%arg7 : memref<512x64xf32, #tpu.memory_space<vmem>>)
    %add3A_79 = arith.constant 1024 : i32
    %add3A_80 = arith.addi %mul3A_2, %add3A_79 : i32
    %dma_start3A_81 = arith.constant 0 : i32
    %dma_start3A_82 = tpu.memref_slice %arg4[%add3A_80, %dma_start3A_81] : memref<163840x64xf32, #tpu.memory_space<hbm>> -> memref<512x64xf32, #tpu.memory_space<hbm>>
    %dma_start3A_83 = arith.constant 0 : i32
    %dma_start3A_84 = tpu.memref_slice %arg4[%add3A_80, %dma_start3A_83] : memref<163840x64xf32, #tpu.memory_space<hbm>> -> memref<512x64xf32, #tpu.memory_space<hbm>>
    tpu.enqueue_dma source(%arg7 : memref<512x64xf32, #tpu.memory_space<vmem>>) target(%dma_start3A_84 : memref<512x64xf32, #tpu.memory_space<hbm>>) target_semaphore(%arg11 : memref<!tpu.dma_semaphore, #tpu.memory_space<semaphore_mem>>)
    %scan3A_85 = arith.constant 0 : i32
    %scan3A_86 = arith.constant 0 : i32
    %scan3A_87 = arith.constant 32 : i32
    %scan3A_88 = arith.addi %scan3A_86, %scan3A_87 : i32
    %scan3A_89 = arith.constant 1 : i32
    scf.for %scan3A_260 = %scan3A_86 to %scan3A_88 step %scan3A_89  : i32 {
      %mul3A_261 = arith.constant 16 : i32
      %mul3A_262 = arith.muli %scan3A_260, %mul3A_261 : i32
      %add3A_263 = arith.constant 2048 : i32
      %add3A_264 = arith.addi %add3A_263, %mul3A_262 : i32
      %get3A = arith.index_cast %add3A_264 : i32 to index
      %get3A_265 = tpu.vector_load %arg5[%get3A] {strides = array<i32>} : memref<5120xi32, #tpu.memory_space<vmem>>, vector<16xi32>,
      %get3A_266 = vector.shape_cast %get3A_265 : vector<16xi32> to vector<16xi32>
      %ge3A = arith.constant 983040 : i32
      %ge3A_267 = vector.broadcast %ge3A : i32 to vector<16xi32>
      %ge3A_268 = arith.cmpi sge, %get3A_266, %ge3A_267 : vector<16xi32>
      %sub3A = arith.constant 983040 : i32
      %sub3A_269 = vector.broadcast %sub3A : i32 to vector<16xi32>
      %sub3A_270 = arith.subi %get3A_266, %sub3A_269 : vector<16xi32>
      %and3A = arith.constant 32767 : i32
      %and3A_271 = vector.broadcast %and3A : i32 to vector<16xi32>
      %and3A_272 = arith.andi %get3A_266, %and3A_271 : vector<16xi32>
      %select_n3A = arith.select %ge3A_268, %sub3A_270, %and3A_272 : vector<16xi1>, vector<16xi32>
      %ge3A_273 = arith.constant 8480 : i32
      %ge3A_274 = vector.broadcast %ge3A_273 : i32 to vector<16xi32>
      %ge3A_275 = arith.cmpi sge, %select_n3A, %ge3A_274 : vector<16xi32>
      %sub3A_276 = arith.constant 8480 : i32
      %sub3A_277 = vector.broadcast %sub3A_276 : i32 to vector<16xi32>
      %sub3A_278 = arith.subi %select_n3A, %sub3A_277 : vector<16xi32>
      %select_n3A_279 = arith.select %ge3A_275, %sub3A_278, %select_n3A : vector<16xi1>, vector<16xi32>
      %and3A_280 = arith.constant 16383 : i32
      %and3A_281 = vector.broadcast %and3A_280 : i32 to vector<16xi32>
      %and3A_282 = arith.andi %select_n3A, %and3A_281 : vector<16xi32>
      %select_n3A_283 = arith.select %ge3A_268, %select_n3A_279, %and3A_282 : vector<16xi1>, vector<16xi32>
      %jit3A = arith.constant 1 : i32
      %jit3A_284 = arith.constant 0 : i32
      %broadcast_in_dim3A = vector.broadcast %jit3A : i32 to vector<16xi32>
      %broadcast_in_dim3A_285 = vector.broadcast %jit3A_284 : i32 to vector<16xi32>
      %select_n3A_286 = arith.select %ge3A_275, %broadcast_in_dim3A, %broadcast_in_dim3A_285 : vector<16xi1>, vector<16xi32>
      %shift_right_arithmetic3A = arith.constant 14 : i32
      %shift_right_arithmetic3A_287 = vector.broadcast %shift_right_arithmetic3A : i32 to vector<16xi32>
      %shift_right_arithmetic3A_288 = arith.shrsi %select_n3A, %shift_right_arithmetic3A_287 : vector<16xi32>
      %select_n3A_289 = arith.select %ge3A_268, %select_n3A_286, %shift_right_arithmetic3A_288 : vector<16xi1>, vector<16xi32>
      %sub3A_290 = arith.subi %get3A_266, %select_n3A : vector<16xi32>
      %mul3A_291 = arith.constant 2 : i32
      %mul3A_292 = vector.broadcast %mul3A_291 : i32 to vector<16xi32>
      %mul3A_293 = arith.muli %select_n3A_283, %mul3A_292 : vector<16xi32>
      %add3A_294 = arith.addi %sub3A_290, %mul3A_293 : vector<16xi32>
      %add3A_295 = arith.addi %add3A_294, %select_n3A_289 : vector<16xi32>
      %swap3A = arith.index_cast %add3A_264 : i32 to index
      %swap3A_296 = tpu.vector_load %arg6[%swap3A] {strides = array<i32>} : memref<5120xi32, #tpu.memory_space<vmem>>, vector<16xi32>,
      %swap3A_297 = vector.shape_cast %swap3A_296 : vector<16xi32> to vector<16xi32>
      %swap3A_298 = vector.shape_cast %add3A_295 : vector<16xi32> to vector<16xi32>
      tpu.vector_store %arg6[%swap3A], %swap3A_298 {strides = array<i32>} : memref<5120xi32, #tpu.memory_space<vmem>>, vector<16xi32>,
    }
    %scan3A_90 = arith.constant 32 : i32
    %dma_wait3A_91 = arith.constant 0 : i32
    %dma_wait3A_92 = tpu.memref_slice %arg4[%add3A_80, %dma_wait3A_91] : memref<163840x64xf32, #tpu.memory_space<hbm>> -> memref<512x64xf32, #tpu.memory_space<hbm>>
    %dma_wait3A_93 = arith.constant 0 : i32
    %dma_wait3A_94 = tpu.memref_slice %arg4[%add3A_80, %dma_wait3A_93] : memref<163840x64xf32, #tpu.memory_space<hbm>> -> memref<512x64xf32, #tpu.memory_space<hbm>>
    tpu.wait_dma2 semaphore(%arg11 : memref<!tpu.dma_semaphore, #tpu.memory_space<semaphore_mem>>) src(%arg7 : memref<512x64xf32, #tpu.memory_space<vmem>>) dst(%dma_wait3A_94 : memref<512x64xf32, #tpu.memory_space<hbm>>)
    %dma_start3A_95 = arith.constant 2048 : i32
    %dma_start3A_96 = tpu.memref_slice %arg6[%dma_start3A_95] : memref<5120xi32, #tpu.memory_space<vmem>> -> memref<512xi32, #tpu.memory_space<vmem>>
    %dma_start3A_97 = arith.constant 0 : i32
    %dma_start3A_98 = arith.constant 0 : i32
    %dma_start3A_99 = tpu.memref_slice %arg3[%dma_start3A_97, %dma_start3A_98] : memref<1000000x64xf32, #tpu.memory_space<hbm>> -> memref<1000000x64xf32, #tpu.memory_space<hbm>>
    tpu.enqueue_indirect_dma source(%dma_start3A_99 : memref<1000000x64xf32, #tpu.memory_space<hbm>>) target(%arg7 : memref<512x64xf32, #tpu.memory_space<vmem>>) offsets(%dma_start3A_96 : memref<512xi32, #tpu.memory_space<vmem>>) semaphore(%arg9 : memref<!tpu.dma_semaphore, #tpu.memory_space<semaphore_mem>>)
    %dma_wait3A_100 = arith.constant 1536 : i32
    %dma_wait3A_101 = tpu.memref_slice %arg6[%dma_wait3A_100] : memref<5120xi32, #tpu.memory_space<vmem>> -> memref<512xi32, #tpu.memory_space<vmem>>
    %dma_wait3A_102 = arith.constant 0 : i32
    %dma_wait3A_103 = arith.constant 0 : i32
    %dma_wait3A_104 = tpu.memref_slice %arg3[%dma_wait3A_102, %dma_wait3A_103] : memref<1000000x64xf32, #tpu.memory_space<hbm>> -> memref<1000000x64xf32, #tpu.memory_space<hbm>>
    tpu.wait_indirect_dma semaphore(%arg10 : memref<!tpu.dma_semaphore, #tpu.memory_space<semaphore_mem>>) src(%dma_wait3A_104 : memref<1000000x64xf32, #tpu.memory_space<hbm>>) dst(%arg8 : memref<512x64xf32, #tpu.memory_space<vmem>>)
    %add3A_105 = arith.constant 1536 : i32
    %add3A_106 = arith.addi %mul3A_2, %add3A_105 : i32
    %dma_start3A_107 = arith.constant 0 : i32
    %dma_start3A_108 = tpu.memref_slice %arg4[%add3A_106, %dma_start3A_107] : memref<163840x64xf32, #tpu.memory_space<hbm>> -> memref<512x64xf32, #tpu.memory_space<hbm>>
    %dma_start3A_109 = arith.constant 0 : i32
    %dma_start3A_110 = tpu.memref_slice %arg4[%add3A_106, %dma_start3A_109] : memref<163840x64xf32, #tpu.memory_space<hbm>> -> memref<512x64xf32, #tpu.memory_space<hbm>>
    tpu.enqueue_dma source(%arg8 : memref<512x64xf32, #tpu.memory_space<vmem>>) target(%dma_start3A_110 : memref<512x64xf32, #tpu.memory_space<hbm>>) target_semaphore(%arg12 : memref<!tpu.dma_semaphore, #tpu.memory_space<semaphore_mem>>)
    %scan3A_111 = arith.constant 0 : i32
    %scan3A_112 = arith.constant 0 : i32
    %scan3A_113 = arith.constant 32 : i32
    %scan3A_114 = arith.addi %scan3A_112, %scan3A_113 : i32
    %scan3A_115 = arith.constant 1 : i32
    scf.for %scan3A_260 = %scan3A_112 to %scan3A_114 step %scan3A_115  : i32 {
      %mul3A_261 = arith.constant 16 : i32
      %mul3A_262 = arith.muli %scan3A_260, %mul3A_261 : i32
      %add3A_263 = arith.constant 2560 : i32
      %add3A_264 = arith.addi %add3A_263, %mul3A_262 : i32
      %get3A = arith.index_cast %add3A_264 : i32 to index
      %get3A_265 = tpu.vector_load %arg5[%get3A] {strides = array<i32>} : memref<5120xi32, #tpu.memory_space<vmem>>, vector<16xi32>,
      %get3A_266 = vector.shape_cast %get3A_265 : vector<16xi32> to vector<16xi32>
      %ge3A = arith.constant 983040 : i32
      %ge3A_267 = vector.broadcast %ge3A : i32 to vector<16xi32>
      %ge3A_268 = arith.cmpi sge, %get3A_266, %ge3A_267 : vector<16xi32>
      %sub3A = arith.constant 983040 : i32
      %sub3A_269 = vector.broadcast %sub3A : i32 to vector<16xi32>
      %sub3A_270 = arith.subi %get3A_266, %sub3A_269 : vector<16xi32>
      %and3A = arith.constant 32767 : i32
      %and3A_271 = vector.broadcast %and3A : i32 to vector<16xi32>
      %and3A_272 = arith.andi %get3A_266, %and3A_271 : vector<16xi32>
      %select_n3A = arith.select %ge3A_268, %sub3A_270, %and3A_272 : vector<16xi1>, vector<16xi32>
      %ge3A_273 = arith.constant 8480 : i32
      %ge3A_274 = vector.broadcast %ge3A_273 : i32 to vector<16xi32>
      %ge3A_275 = arith.cmpi sge, %select_n3A, %ge3A_274 : vector<16xi32>
      %sub3A_276 = arith.constant 8480 : i32
      %sub3A_277 = vector.broadcast %sub3A_276 : i32 to vector<16xi32>
      %sub3A_278 = arith.subi %select_n3A, %sub3A_277 : vector<16xi32>
      %select_n3A_279 = arith.select %ge3A_275, %sub3A_278, %select_n3A : vector<16xi1>, vector<16xi32>
      %and3A_280 = arith.constant 16383 : i32
      %and3A_281 = vector.broadcast %and3A_280 : i32 to vector<16xi32>
      %and3A_282 = arith.andi %select_n3A, %and3A_281 : vector<16xi32>
      %select_n3A_283 = arith.select %ge3A_268, %select_n3A_279, %and3A_282 : vector<16xi1>, vector<16xi32>
      %jit3A = arith.constant 1 : i32
      %jit3A_284 = arith.constant 0 : i32
      %broadcast_in_dim3A = vector.broadcast %jit3A : i32 to vector<16xi32>
      %broadcast_in_dim3A_285 = vector.broadcast %jit3A_284 : i32 to vector<16xi32>
      %select_n3A_286 = arith.select %ge3A_275, %broadcast_in_dim3A, %broadcast_in_dim3A_285 : vector<16xi1>, vector<16xi32>
      %shift_right_arithmetic3A = arith.constant 14 : i32
      %shift_right_arithmetic3A_287 = vector.broadcast %shift_right_arithmetic3A : i32 to vector<16xi32>
      %shift_right_arithmetic3A_288 = arith.shrsi %select_n3A, %shift_right_arithmetic3A_287 : vector<16xi32>
      %select_n3A_289 = arith.select %ge3A_268, %select_n3A_286, %shift_right_arithmetic3A_288 : vector<16xi1>, vector<16xi32>
      %sub3A_290 = arith.subi %get3A_266, %select_n3A : vector<16xi32>
      %mul3A_291 = arith.constant 2 : i32
      %mul3A_292 = vector.broadcast %mul3A_291 : i32 to vector<16xi32>
      %mul3A_293 = arith.muli %select_n3A_283, %mul3A_292 : vector<16xi32>
      %add3A_294 = arith.addi %sub3A_290, %mul3A_293 : vector<16xi32>
      %add3A_295 = arith.addi %add3A_294, %select_n3A_289 : vector<16xi32>
      %swap3A = arith.index_cast %add3A_264 : i32 to index
      %swap3A_296 = tpu.vector_load %arg6[%swap3A] {strides = array<i32>} : memref<5120xi32, #tpu.memory_space<vmem>>, vector<16xi32>,
      %swap3A_297 = vector.shape_cast %swap3A_296 : vector<16xi32> to vector<16xi32>
      %swap3A_298 = vector.shape_cast %add3A_295 : vector<16xi32> to vector<16xi32>
      tpu.vector_store %arg6[%swap3A], %swap3A_298 {strides = array<i32>} : memref<5120xi32, #tpu.memory_space<vmem>>, vector<16xi32>,
    }
    %scan3A_116 = arith.constant 32 : i32
    %dma_wait3A_117 = arith.constant 0 : i32
    %dma_wait3A_118 = tpu.memref_slice %arg4[%add3A_106, %dma_wait3A_117] : memref<163840x64xf32, #tpu.memory_space<hbm>> -> memref<512x64xf32, #tpu.memory_space<hbm>>
    %dma_wait3A_119 = arith.constant 0 : i32
    %dma_wait3A_120 = tpu.memref_slice %arg4[%add3A_106, %dma_wait3A_119] : memref<163840x64xf32, #tpu.memory_space<hbm>> -> memref<512x64xf32, #tpu.memory_space<hbm>>
    tpu.wait_dma2 semaphore(%arg12 : memref<!tpu.dma_semaphore, #tpu.memory_space<semaphore_mem>>) src(%arg8 : memref<512x64xf32, #tpu.memory_space<vmem>>) dst(%dma_wait3A_120 : memref<512x64xf32, #tpu.memory_space<hbm>>)
    %dma_start3A_121 = arith.constant 2560 : i32
    %dma_start3A_122 = tpu.memref_slice %arg6[%dma_start3A_121] : memref<5120xi32, #tpu.memory_space<vmem>> -> memref<512xi32, #tpu.memory_space<vmem>>
    %dma_start3A_123 = arith.constant 0 : i32
    %dma_start3A_124 = arith.constant 0 : i32
    %dma_start3A_125 = tpu.memref_slice %arg3[%dma_start3A_123, %dma_start3A_124] : memref<1000000x64xf32, #tpu.memory_space<hbm>> -> memref<1000000x64xf32, #tpu.memory_space<hbm>>
    tpu.enqueue_indirect_dma source(%dma_start3A_125 : memref<1000000x64xf32, #tpu.memory_space<hbm>>) target(%arg8 : memref<512x64xf32, #tpu.memory_space<vmem>>) offsets(%dma_start3A_122 : memref<512xi32, #tpu.memory_space<vmem>>) semaphore(%arg10 : memref<!tpu.dma_semaphore, #tpu.memory_space<semaphore_mem>>)
    %dma_wait3A_126 = arith.constant 2048 : i32
    %dma_wait3A_127 = tpu.memref_slice %arg6[%dma_wait3A_126] : memref<5120xi32, #tpu.memory_space<vmem>> -> memref<512xi32, #tpu.memory_space<vmem>>
    %dma_wait3A_128 = arith.constant 0 : i32
    %dma_wait3A_129 = arith.constant 0 : i32
    %dma_wait3A_130 = tpu.memref_slice %arg3[%dma_wait3A_128, %dma_wait3A_129] : memref<1000000x64xf32, #tpu.memory_space<hbm>> -> memref<1000000x64xf32, #tpu.memory_space<hbm>>
    tpu.wait_indirect_dma semaphore(%arg9 : memref<!tpu.dma_semaphore, #tpu.memory_space<semaphore_mem>>) src(%dma_wait3A_130 : memref<1000000x64xf32, #tpu.memory_space<hbm>>) dst(%arg7 : memref<512x64xf32, #tpu.memory_space<vmem>>)
    %add3A_131 = arith.constant 2048 : i32
    %add3A_132 = arith.addi %mul3A_2, %add3A_131 : i32
    %dma_start3A_133 = arith.constant 0 : i32
    %dma_start3A_134 = tpu.memref_slice %arg4[%add3A_132, %dma_start3A_133] : memref<163840x64xf32, #tpu.memory_space<hbm>> -> memref<512x64xf32, #tpu.memory_space<hbm>>
    %dma_start3A_135 = arith.constant 0 : i32
    %dma_start3A_136 = tpu.memref_slice %arg4[%add3A_132, %dma_start3A_135] : memref<163840x64xf32, #tpu.memory_space<hbm>> -> memref<512x64xf32, #tpu.memory_space<hbm>>
    tpu.enqueue_dma source(%arg7 : memref<512x64xf32, #tpu.memory_space<vmem>>) target(%dma_start3A_136 : memref<512x64xf32, #tpu.memory_space<hbm>>) target_semaphore(%arg11 : memref<!tpu.dma_semaphore, #tpu.memory_space<semaphore_mem>>)
    %scan3A_137 = arith.constant 0 : i32
    %scan3A_138 = arith.constant 0 : i32
    %scan3A_139 = arith.constant 32 : i32
    %scan3A_140 = arith.addi %scan3A_138, %scan3A_139 : i32
    %scan3A_141 = arith.constant 1 : i32
    scf.for %scan3A_260 = %scan3A_138 to %scan3A_140 step %scan3A_141  : i32 {
      %mul3A_261 = arith.constant 16 : i32
      %mul3A_262 = arith.muli %scan3A_260, %mul3A_261 : i32
      %add3A_263 = arith.constant 3072 : i32
      %add3A_264 = arith.addi %add3A_263, %mul3A_262 : i32
      %get3A = arith.index_cast %add3A_264 : i32 to index
      %get3A_265 = tpu.vector_load %arg5[%get3A] {strides = array<i32>} : memref<5120xi32, #tpu.memory_space<vmem>>, vector<16xi32>,
      %get3A_266 = vector.shape_cast %get3A_265 : vector<16xi32> to vector<16xi32>
      %ge3A = arith.constant 983040 : i32
      %ge3A_267 = vector.broadcast %ge3A : i32 to vector<16xi32>
      %ge3A_268 = arith.cmpi sge, %get3A_266, %ge3A_267 : vector<16xi32>
      %sub3A = arith.constant 983040 : i32
      %sub3A_269 = vector.broadcast %sub3A : i32 to vector<16xi32>
      %sub3A_270 = arith.subi %get3A_266, %sub3A_269 : vector<16xi32>
      %and3A = arith.constant 32767 : i32
      %and3A_271 = vector.broadcast %and3A : i32 to vector<16xi32>
      %and3A_272 = arith.andi %get3A_266, %and3A_271 : vector<16xi32>
      %select_n3A = arith.select %ge3A_268, %sub3A_270, %and3A_272 : vector<16xi1>, vector<16xi32>
      %ge3A_273 = arith.constant 8480 : i32
      %ge3A_274 = vector.broadcast %ge3A_273 : i32 to vector<16xi32>
      %ge3A_275 = arith.cmpi sge, %select_n3A, %ge3A_274 : vector<16xi32>
      %sub3A_276 = arith.constant 8480 : i32
      %sub3A_277 = vector.broadcast %sub3A_276 : i32 to vector<16xi32>
      %sub3A_278 = arith.subi %select_n3A, %sub3A_277 : vector<16xi32>
      %select_n3A_279 = arith.select %ge3A_275, %sub3A_278, %select_n3A : vector<16xi1>, vector<16xi32>
      %and3A_280 = arith.constant 16383 : i32
      %and3A_281 = vector.broadcast %and3A_280 : i32 to vector<16xi32>
      %and3A_282 = arith.andi %select_n3A, %and3A_281 : vector<16xi32>
      %select_n3A_283 = arith.select %ge3A_268, %select_n3A_279, %and3A_282 : vector<16xi1>, vector<16xi32>
      %jit3A = arith.constant 1 : i32
      %jit3A_284 = arith.constant 0 : i32
      %broadcast_in_dim3A = vector.broadcast %jit3A : i32 to vector<16xi32>
      %broadcast_in_dim3A_285 = vector.broadcast %jit3A_284 : i32 to vector<16xi32>
      %select_n3A_286 = arith.select %ge3A_275, %broadcast_in_dim3A, %broadcast_in_dim3A_285 : vector<16xi1>, vector<16xi32>
      %shift_right_arithmetic3A = arith.constant 14 : i32
      %shift_right_arithmetic3A_287 = vector.broadcast %shift_right_arithmetic3A : i32 to vector<16xi32>
      %shift_right_arithmetic3A_288 = arith.shrsi %select_n3A, %shift_right_arithmetic3A_287 : vector<16xi32>
      %select_n3A_289 = arith.select %ge3A_268, %select_n3A_286, %shift_right_arithmetic3A_288 : vector<16xi1>, vector<16xi32>
      %sub3A_290 = arith.subi %get3A_266, %select_n3A : vector<16xi32>
      %mul3A_291 = arith.constant 2 : i32
      %mul3A_292 = vector.broadcast %mul3A_291 : i32 to vector<16xi32>
      %mul3A_293 = arith.muli %select_n3A_283, %mul3A_292 : vector<16xi32>
      %add3A_294 = arith.addi %sub3A_290, %mul3A_293 : vector<16xi32>
      %add3A_295 = arith.addi %add3A_294, %select_n3A_289 : vector<16xi32>
      %swap3A = arith.index_cast %add3A_264 : i32 to index
      %swap3A_296 = tpu.vector_load %arg6[%swap3A] {strides = array<i32>} : memref<5120xi32, #tpu.memory_space<vmem>>, vector<16xi32>,
      %swap3A_297 = vector.shape_cast %swap3A_296 : vector<16xi32> to vector<16xi32>
      %swap3A_298 = vector.shape_cast %add3A_295 : vector<16xi32> to vector<16xi32>
      tpu.vector_store %arg6[%swap3A], %swap3A_298 {strides = array<i32>} : memref<5120xi32, #tpu.memory_space<vmem>>, vector<16xi32>,
    }
    %scan3A_142 = arith.constant 32 : i32
    %dma_wait3A_143 = arith.constant 0 : i32
    %dma_wait3A_144 = tpu.memref_slice %arg4[%add3A_132, %dma_wait3A_143] : memref<163840x64xf32, #tpu.memory_space<hbm>> -> memref<512x64xf32, #tpu.memory_space<hbm>>
    %dma_wait3A_145 = arith.constant 0 : i32
    %dma_wait3A_146 = tpu.memref_slice %arg4[%add3A_132, %dma_wait3A_145] : memref<163840x64xf32, #tpu.memory_space<hbm>> -> memref<512x64xf32, #tpu.memory_space<hbm>>
    tpu.wait_dma2 semaphore(%arg11 : memref<!tpu.dma_semaphore, #tpu.memory_space<semaphore_mem>>) src(%arg7 : memref<512x64xf32, #tpu.memory_space<vmem>>) dst(%dma_wait3A_146 : memref<512x64xf32, #tpu.memory_space<hbm>>)
    %dma_start3A_147 = arith.constant 3072 : i32
    %dma_start3A_148 = tpu.memref_slice %arg6[%dma_start3A_147] : memref<5120xi32, #tpu.memory_space<vmem>> -> memref<512xi32, #tpu.memory_space<vmem>>
    %dma_start3A_149 = arith.constant 0 : i32
    %dma_start3A_150 = arith.constant 0 : i32
    %dma_start3A_151 = tpu.memref_slice %arg3[%dma_start3A_149, %dma_start3A_150] : memref<1000000x64xf32, #tpu.memory_space<hbm>> -> memref<1000000x64xf32, #tpu.memory_space<hbm>>
    tpu.enqueue_indirect_dma source(%dma_start3A_151 : memref<1000000x64xf32, #tpu.memory_space<hbm>>) target(%arg7 : memref<512x64xf32, #tpu.memory_space<vmem>>) offsets(%dma_start3A_148 : memref<512xi32, #tpu.memory_space<vmem>>) semaphore(%arg9 : memref<!tpu.dma_semaphore, #tpu.memory_space<semaphore_mem>>)
    %dma_wait3A_152 = arith.constant 2560 : i32
    %dma_wait3A_153 = tpu.memref_slice %arg6[%dma_wait3A_152] : memref<5120xi32, #tpu.memory_space<vmem>> -> memref<512xi32, #tpu.memory_space<vmem>>
    %dma_wait3A_154 = arith.constant 0 : i32
    %dma_wait3A_155 = arith.constant 0 : i32
    %dma_wait3A_156 = tpu.memref_slice %arg3[%dma_wait3A_154, %dma_wait3A_155] : memref<1000000x64xf32, #tpu.memory_space<hbm>> -> memref<1000000x64xf32, #tpu.memory_space<hbm>>
    tpu.wait_indirect_dma semaphore(%arg10 : memref<!tpu.dma_semaphore, #tpu.memory_space<semaphore_mem>>) src(%dma_wait3A_156 : memref<1000000x64xf32, #tpu.memory_space<hbm>>) dst(%arg8 : memref<512x64xf32, #tpu.memory_space<vmem>>)
    %add3A_157 = arith.constant 2560 : i32
    %add3A_158 = arith.addi %mul3A_2, %add3A_157 : i32
    %dma_start3A_159 = arith.constant 0 : i32
    %dma_start3A_160 = tpu.memref_slice %arg4[%add3A_158, %dma_start3A_159] : memref<163840x64xf32, #tpu.memory_space<hbm>> -> memref<512x64xf32, #tpu.memory_space<hbm>>
    %dma_start3A_161 = arith.constant 0 : i32
    %dma_start3A_162 = tpu.memref_slice %arg4[%add3A_158, %dma_start3A_161] : memref<163840x64xf32, #tpu.memory_space<hbm>> -> memref<512x64xf32, #tpu.memory_space<hbm>>
    tpu.enqueue_dma source(%arg8 : memref<512x64xf32, #tpu.memory_space<vmem>>) target(%dma_start3A_162 : memref<512x64xf32, #tpu.memory_space<hbm>>) target_semaphore(%arg12 : memref<!tpu.dma_semaphore, #tpu.memory_space<semaphore_mem>>)
    %scan3A_163 = arith.constant 0 : i32
    %scan3A_164 = arith.constant 0 : i32
    %scan3A_165 = arith.constant 32 : i32
    %scan3A_166 = arith.addi %scan3A_164, %scan3A_165 : i32
    %scan3A_167 = arith.constant 1 : i32
    scf.for %scan3A_260 = %scan3A_164 to %scan3A_166 step %scan3A_167  : i32 {
      %mul3A_261 = arith.constant 16 : i32
      %mul3A_262 = arith.muli %scan3A_260, %mul3A_261 : i32
      %add3A_263 = arith.constant 3584 : i32
      %add3A_264 = arith.addi %add3A_263, %mul3A_262 : i32
      %get3A = arith.index_cast %add3A_264 : i32 to index
      %get3A_265 = tpu.vector_load %arg5[%get3A] {strides = array<i32>} : memref<5120xi32, #tpu.memory_space<vmem>>, vector<16xi32>,
      %get3A_266 = vector.shape_cast %get3A_265 : vector<16xi32> to vector<16xi32>
      %ge3A = arith.constant 983040 : i32
      %ge3A_267 = vector.broadcast %ge3A : i32 to vector<16xi32>
      %ge3A_268 = arith.cmpi sge, %get3A_266, %ge3A_267 : vector<16xi32>
      %sub3A = arith.constant 983040 : i32
      %sub3A_269 = vector.broadcast %sub3A : i32 to vector<16xi32>
      %sub3A_270 = arith.subi %get3A_266, %sub3A_269 : vector<16xi32>
      %and3A = arith.constant 32767 : i32
      %and3A_271 = vector.broadcast %and3A : i32 to vector<16xi32>
      %and3A_272 = arith.andi %get3A_266, %and3A_271 : vector<16xi32>
      %select_n3A = arith.select %ge3A_268, %sub3A_270, %and3A_272 : vector<16xi1>, vector<16xi32>
      %ge3A_273 = arith.constant 8480 : i32
      %ge3A_274 = vector.broadcast %ge3A_273 : i32 to vector<16xi32>
      %ge3A_275 = arith.cmpi sge, %select_n3A, %ge3A_274 : vector<16xi32>
      %sub3A_276 = arith.constant 8480 : i32
      %sub3A_277 = vector.broadcast %sub3A_276 : i32 to vector<16xi32>
      %sub3A_278 = arith.subi %select_n3A, %sub3A_277 : vector<16xi32>
      %select_n3A_279 = arith.select %ge3A_275, %sub3A_278, %select_n3A : vector<16xi1>, vector<16xi32>
      %and3A_280 = arith.constant 16383 : i32
      %and3A_281 = vector.broadcast %and3A_280 : i32 to vector<16xi32>
      %and3A_282 = arith.andi %select_n3A, %and3A_281 : vector<16xi32>
      %select_n3A_283 = arith.select %ge3A_268, %select_n3A_279, %and3A_282 : vector<16xi1>, vector<16xi32>
      %jit3A = arith.constant 1 : i32
      %jit3A_284 = arith.constant 0 : i32
      %broadcast_in_dim3A = vector.broadcast %jit3A : i32 to vector<16xi32>
      %broadcast_in_dim3A_285 = vector.broadcast %jit3A_284 : i32 to vector<16xi32>
      %select_n3A_286 = arith.select %ge3A_275, %broadcast_in_dim3A, %broadcast_in_dim3A_285 : vector<16xi1>, vector<16xi32>
      %shift_right_arithmetic3A = arith.constant 14 : i32
      %shift_right_arithmetic3A_287 = vector.broadcast %shift_right_arithmetic3A : i32 to vector<16xi32>
      %shift_right_arithmetic3A_288 = arith.shrsi %select_n3A, %shift_right_arithmetic3A_287 : vector<16xi32>
      %select_n3A_289 = arith.select %ge3A_268, %select_n3A_286, %shift_right_arithmetic3A_288 : vector<16xi1>, vector<16xi32>
      %sub3A_290 = arith.subi %get3A_266, %select_n3A : vector<16xi32>
      %mul3A_291 = arith.constant 2 : i32
      %mul3A_292 = vector.broadcast %mul3A_291 : i32 to vector<16xi32>
      %mul3A_293 = arith.muli %select_n3A_283, %mul3A_292 : vector<16xi32>
      %add3A_294 = arith.addi %sub3A_290, %mul3A_293 : vector<16xi32>
      %add3A_295 = arith.addi %add3A_294, %select_n3A_289 : vector<16xi32>
      %swap3A = arith.index_cast %add3A_264 : i32 to index
      %swap3A_296 = tpu.vector_load %arg6[%swap3A] {strides = array<i32>} : memref<5120xi32, #tpu.memory_space<vmem>>, vector<16xi32>,
      %swap3A_297 = vector.shape_cast %swap3A_296 : vector<16xi32> to vector<16xi32>
      %swap3A_298 = vector.shape_cast %add3A_295 : vector<16xi32> to vector<16xi32>
      tpu.vector_store %arg6[%swap3A], %swap3A_298 {strides = array<i32>} : memref<5120xi32, #tpu.memory_space<vmem>>, vector<16xi32>,
    }
    %scan3A_168 = arith.constant 32 : i32
    %dma_wait3A_169 = arith.constant 0 : i32
    %dma_wait3A_170 = tpu.memref_slice %arg4[%add3A_158, %dma_wait3A_169] : memref<163840x64xf32, #tpu.memory_space<hbm>> -> memref<512x64xf32, #tpu.memory_space<hbm>>
    %dma_wait3A_171 = arith.constant 0 : i32
    %dma_wait3A_172 = tpu.memref_slice %arg4[%add3A_158, %dma_wait3A_171] : memref<163840x64xf32, #tpu.memory_space<hbm>> -> memref<512x64xf32, #tpu.memory_space<hbm>>
    tpu.wait_dma2 semaphore(%arg12 : memref<!tpu.dma_semaphore, #tpu.memory_space<semaphore_mem>>) src(%arg8 : memref<512x64xf32, #tpu.memory_space<vmem>>) dst(%dma_wait3A_172 : memref<512x64xf32, #tpu.memory_space<hbm>>)
    %dma_start3A_173 = arith.constant 3584 : i32
    %dma_start3A_174 = tpu.memref_slice %arg6[%dma_start3A_173] : memref<5120xi32, #tpu.memory_space<vmem>> -> memref<512xi32, #tpu.memory_space<vmem>>
    %dma_start3A_175 = arith.constant 0 : i32
    %dma_start3A_176 = arith.constant 0 : i32
    %dma_start3A_177 = tpu.memref_slice %arg3[%dma_start3A_175, %dma_start3A_176] : memref<1000000x64xf32, #tpu.memory_space<hbm>> -> memref<1000000x64xf32, #tpu.memory_space<hbm>>
    tpu.enqueue_indirect_dma source(%dma_start3A_177 : memref<1000000x64xf32, #tpu.memory_space<hbm>>) target(%arg8 : memref<512x64xf32, #tpu.memory_space<vmem>>) offsets(%dma_start3A_174 : memref<512xi32, #tpu.memory_space<vmem>>) semaphore(%arg10 : memref<!tpu.dma_semaphore, #tpu.memory_space<semaphore_mem>>)
    %dma_wait3A_178 = arith.constant 3072 : i32
    %dma_wait3A_179 = tpu.memref_slice %arg6[%dma_wait3A_178] : memref<5120xi32, #tpu.memory_space<vmem>> -> memref<512xi32, #tpu.memory_space<vmem>>
    %dma_wait3A_180 = arith.constant 0 : i32
    %dma_wait3A_181 = arith.constant 0 : i32
    %dma_wait3A_182 = tpu.memref_slice %arg3[%dma_wait3A_180, %dma_wait3A_181] : memref<1000000x64xf32, #tpu.memory_space<hbm>> -> memref<1000000x64xf32, #tpu.memory_space<hbm>>
    tpu.wait_indirect_dma semaphore(%arg9 : memref<!tpu.dma_semaphore, #tpu.memory_space<semaphore_mem>>) src(%dma_wait3A_182 : memref<1000000x64xf32, #tpu.memory_space<hbm>>) dst(%arg7 : memref<512x64xf32, #tpu.memory_space<vmem>>)
    %add3A_183 = arith.constant 3072 : i32
    %add3A_184 = arith.addi %mul3A_2, %add3A_183 : i32
    %dma_start3A_185 = arith.constant 0 : i32
    %dma_start3A_186 = tpu.memref_slice %arg4[%add3A_184, %dma_start3A_185] : memref<163840x64xf32, #tpu.memory_space<hbm>> -> memref<512x64xf32, #tpu.memory_space<hbm>>
    %dma_start3A_187 = arith.constant 0 : i32
    %dma_start3A_188 = tpu.memref_slice %arg4[%add3A_184, %dma_start3A_187] : memref<163840x64xf32, #tpu.memory_space<hbm>> -> memref<512x64xf32, #tpu.memory_space<hbm>>
    tpu.enqueue_dma source(%arg7 : memref<512x64xf32, #tpu.memory_space<vmem>>) target(%dma_start3A_188 : memref<512x64xf32, #tpu.memory_space<hbm>>) target_semaphore(%arg11 : memref<!tpu.dma_semaphore, #tpu.memory_space<semaphore_mem>>)
    %scan3A_189 = arith.constant 0 : i32
    %scan3A_190 = arith.constant 0 : i32
    %scan3A_191 = arith.constant 32 : i32
    %scan3A_192 = arith.addi %scan3A_190, %scan3A_191 : i32
    %scan3A_193 = arith.constant 1 : i32
    scf.for %scan3A_260 = %scan3A_190 to %scan3A_192 step %scan3A_193  : i32 {
      %mul3A_261 = arith.constant 16 : i32
      %mul3A_262 = arith.muli %scan3A_260, %mul3A_261 : i32
      %add3A_263 = arith.constant 4096 : i32
      %add3A_264 = arith.addi %add3A_263, %mul3A_262 : i32
      %get3A = arith.index_cast %add3A_264 : i32 to index
      %get3A_265 = tpu.vector_load %arg5[%get3A] {strides = array<i32>} : memref<5120xi32, #tpu.memory_space<vmem>>, vector<16xi32>,
      %get3A_266 = vector.shape_cast %get3A_265 : vector<16xi32> to vector<16xi32>
      %ge3A = arith.constant 983040 : i32
      %ge3A_267 = vector.broadcast %ge3A : i32 to vector<16xi32>
      %ge3A_268 = arith.cmpi sge, %get3A_266, %ge3A_267 : vector<16xi32>
      %sub3A = arith.constant 983040 : i32
      %sub3A_269 = vector.broadcast %sub3A : i32 to vector<16xi32>
      %sub3A_270 = arith.subi %get3A_266, %sub3A_269 : vector<16xi32>
      %and3A = arith.constant 32767 : i32
      %and3A_271 = vector.broadcast %and3A : i32 to vector<16xi32>
      %and3A_272 = arith.andi %get3A_266, %and3A_271 : vector<16xi32>
      %select_n3A = arith.select %ge3A_268, %sub3A_270, %and3A_272 : vector<16xi1>, vector<16xi32>
      %ge3A_273 = arith.constant 8480 : i32
      %ge3A_274 = vector.broadcast %ge3A_273 : i32 to vector<16xi32>
      %ge3A_275 = arith.cmpi sge, %select_n3A, %ge3A_274 : vector<16xi32>
      %sub3A_276 = arith.constant 8480 : i32
      %sub3A_277 = vector.broadcast %sub3A_276 : i32 to vector<16xi32>
      %sub3A_278 = arith.subi %select_n3A, %sub3A_277 : vector<16xi32>
      %select_n3A_279 = arith.select %ge3A_275, %sub3A_278, %select_n3A : vector<16xi1>, vector<16xi32>
      %and3A_280 = arith.constant 16383 : i32
      %and3A_281 = vector.broadcast %and3A_280 : i32 to vector<16xi32>
      %and3A_282 = arith.andi %select_n3A, %and3A_281 : vector<16xi32>
      %select_n3A_283 = arith.select %ge3A_268, %select_n3A_279, %and3A_282 : vector<16xi1>, vector<16xi32>
      %jit3A = arith.constant 1 : i32
      %jit3A_284 = arith.constant 0 : i32
      %broadcast_in_dim3A = vector.broadcast %jit3A : i32 to vector<16xi32>
      %broadcast_in_dim3A_285 = vector.broadcast %jit3A_284 : i32 to vector<16xi32>
      %select_n3A_286 = arith.select %ge3A_275, %broadcast_in_dim3A, %broadcast_in_dim3A_285 : vector<16xi1>, vector<16xi32>
      %shift_right_arithmetic3A = arith.constant 14 : i32
      %shift_right_arithmetic3A_287 = vector.broadcast %shift_right_arithmetic3A : i32 to vector<16xi32>
      %shift_right_arithmetic3A_288 = arith.shrsi %select_n3A, %shift_right_arithmetic3A_287 : vector<16xi32>
      %select_n3A_289 = arith.select %ge3A_268, %select_n3A_286, %shift_right_arithmetic3A_288 : vector<16xi1>, vector<16xi32>
      %sub3A_290 = arith.subi %get3A_266, %select_n3A : vector<16xi32>
      %mul3A_291 = arith.constant 2 : i32
      %mul3A_292 = vector.broadcast %mul3A_291 : i32 to vector<16xi32>
      %mul3A_293 = arith.muli %select_n3A_283, %mul3A_292 : vector<16xi32>
      %add3A_294 = arith.addi %sub3A_290, %mul3A_293 : vector<16xi32>
      %add3A_295 = arith.addi %add3A_294, %select_n3A_289 : vector<16xi32>
      %swap3A = arith.index_cast %add3A_264 : i32 to index
      %swap3A_296 = tpu.vector_load %arg6[%swap3A] {strides = array<i32>} : memref<5120xi32, #tpu.memory_space<vmem>>, vector<16xi32>,
      %swap3A_297 = vector.shape_cast %swap3A_296 : vector<16xi32> to vector<16xi32>
      %swap3A_298 = vector.shape_cast %add3A_295 : vector<16xi32> to vector<16xi32>
      tpu.vector_store %arg6[%swap3A], %swap3A_298 {strides = array<i32>} : memref<5120xi32, #tpu.memory_space<vmem>>, vector<16xi32>,
    }
    %scan3A_194 = arith.constant 32 : i32
    %dma_wait3A_195 = arith.constant 0 : i32
    %dma_wait3A_196 = tpu.memref_slice %arg4[%add3A_184, %dma_wait3A_195] : memref<163840x64xf32, #tpu.memory_space<hbm>> -> memref<512x64xf32, #tpu.memory_space<hbm>>
    %dma_wait3A_197 = arith.constant 0 : i32
    %dma_wait3A_198 = tpu.memref_slice %arg4[%add3A_184, %dma_wait3A_197] : memref<163840x64xf32, #tpu.memory_space<hbm>> -> memref<512x64xf32, #tpu.memory_space<hbm>>
    tpu.wait_dma2 semaphore(%arg11 : memref<!tpu.dma_semaphore, #tpu.memory_space<semaphore_mem>>) src(%arg7 : memref<512x64xf32, #tpu.memory_space<vmem>>) dst(%dma_wait3A_198 : memref<512x64xf32, #tpu.memory_space<hbm>>)
    %dma_start3A_199 = arith.constant 4096 : i32
    %dma_start3A_200 = tpu.memref_slice %arg6[%dma_start3A_199] : memref<5120xi32, #tpu.memory_space<vmem>> -> memref<512xi32, #tpu.memory_space<vmem>>
    %dma_start3A_201 = arith.constant 0 : i32
    %dma_start3A_202 = arith.constant 0 : i32
    %dma_start3A_203 = tpu.memref_slice %arg3[%dma_start3A_201, %dma_start3A_202] : memref<1000000x64xf32, #tpu.memory_space<hbm>> -> memref<1000000x64xf32, #tpu.memory_space<hbm>>
    tpu.enqueue_indirect_dma source(%dma_start3A_203 : memref<1000000x64xf32, #tpu.memory_space<hbm>>) target(%arg7 : memref<512x64xf32, #tpu.memory_space<vmem>>) offsets(%dma_start3A_200 : memref<512xi32, #tpu.memory_space<vmem>>) semaphore(%arg9 : memref<!tpu.dma_semaphore, #tpu.memory_space<semaphore_mem>>)
    %dma_wait3A_204 = arith.constant 3584 : i32
    %dma_wait3A_205 = tpu.memref_slice %arg6[%dma_wait3A_204] : memref<5120xi32, #tpu.memory_space<vmem>> -> memref<512xi32, #tpu.memory_space<vmem>>
    %dma_wait3A_206 = arith.constant 0 : i32
    %dma_wait3A_207 = arith.constant 0 : i32
    %dma_wait3A_208 = tpu.memref_slice %arg3[%dma_wait3A_206, %dma_wait3A_207] : memref<1000000x64xf32, #tpu.memory_space<hbm>> -> memref<1000000x64xf32, #tpu.memory_space<hbm>>
    tpu.wait_indirect_dma semaphore(%arg10 : memref<!tpu.dma_semaphore, #tpu.memory_space<semaphore_mem>>) src(%dma_wait3A_208 : memref<1000000x64xf32, #tpu.memory_space<hbm>>) dst(%arg8 : memref<512x64xf32, #tpu.memory_space<vmem>>)
    %add3A_209 = arith.constant 3584 : i32
    %add3A_210 = arith.addi %mul3A_2, %add3A_209 : i32
    %dma_start3A_211 = arith.constant 0 : i32
    %dma_start3A_212 = tpu.memref_slice %arg4[%add3A_210, %dma_start3A_211] : memref<163840x64xf32, #tpu.memory_space<hbm>> -> memref<512x64xf32, #tpu.memory_space<hbm>>
    %dma_start3A_213 = arith.constant 0 : i32
    %dma_start3A_214 = tpu.memref_slice %arg4[%add3A_210, %dma_start3A_213] : memref<163840x64xf32, #tpu.memory_space<hbm>> -> memref<512x64xf32, #tpu.memory_space<hbm>>
    tpu.enqueue_dma source(%arg8 : memref<512x64xf32, #tpu.memory_space<vmem>>) target(%dma_start3A_214 : memref<512x64xf32, #tpu.memory_space<hbm>>) target_semaphore(%arg12 : memref<!tpu.dma_semaphore, #tpu.memory_space<semaphore_mem>>)
    %scan3A_215 = arith.constant 0 : i32
    %scan3A_216 = arith.constant 0 : i32
    %scan3A_217 = arith.constant 32 : i32
    %scan3A_218 = arith.addi %scan3A_216, %scan3A_217 : i32
    %scan3A_219 = arith.constant 1 : i32
    scf.for %scan3A_260 = %scan3A_216 to %scan3A_218 step %scan3A_219  : i32 {
      %mul3A_261 = arith.constant 16 : i32
      %mul3A_262 = arith.muli %scan3A_260, %mul3A_261 : i32
      %add3A_263 = arith.constant 4608 : i32
      %add3A_264 = arith.addi %add3A_263, %mul3A_262 : i32
      %get3A = arith.index_cast %add3A_264 : i32 to index
      %get3A_265 = tpu.vector_load %arg5[%get3A] {strides = array<i32>} : memref<5120xi32, #tpu.memory_space<vmem>>, vector<16xi32>,
      %get3A_266 = vector.shape_cast %get3A_265 : vector<16xi32> to vector<16xi32>
      %ge3A = arith.constant 983040 : i32
      %ge3A_267 = vector.broadcast %ge3A : i32 to vector<16xi32>
      %ge3A_268 = arith.cmpi sge, %get3A_266, %ge3A_267 : vector<16xi32>
      %sub3A = arith.constant 983040 : i32
      %sub3A_269 = vector.broadcast %sub3A : i32 to vector<16xi32>
      %sub3A_270 = arith.subi %get3A_266, %sub3A_269 : vector<16xi32>
      %and3A = arith.constant 32767 : i32
      %and3A_271 = vector.broadcast %and3A : i32 to vector<16xi32>
      %and3A_272 = arith.andi %get3A_266, %and3A_271 : vector<16xi32>
      %select_n3A = arith.select %ge3A_268, %sub3A_270, %and3A_272 : vector<16xi1>, vector<16xi32>
      %ge3A_273 = arith.constant 8480 : i32
      %ge3A_274 = vector.broadcast %ge3A_273 : i32 to vector<16xi32>
      %ge3A_275 = arith.cmpi sge, %select_n3A, %ge3A_274 : vector<16xi32>
      %sub3A_276 = arith.constant 8480 : i32
      %sub3A_277 = vector.broadcast %sub3A_276 : i32 to vector<16xi32>
      %sub3A_278 = arith.subi %select_n3A, %sub3A_277 : vector<16xi32>
      %select_n3A_279 = arith.select %ge3A_275, %sub3A_278, %select_n3A : vector<16xi1>, vector<16xi32>
      %and3A_280 = arith.constant 16383 : i32
      %and3A_281 = vector.broadcast %and3A_280 : i32 to vector<16xi32>
      %and3A_282 = arith.andi %select_n3A, %and3A_281 : vector<16xi32>
      %select_n3A_283 = arith.select %ge3A_268, %select_n3A_279, %and3A_282 : vector<16xi1>, vector<16xi32>
      %jit3A = arith.constant 1 : i32
      %jit3A_284 = arith.constant 0 : i32
      %broadcast_in_dim3A = vector.broadcast %jit3A : i32 to vector<16xi32>
      %broadcast_in_dim3A_285 = vector.broadcast %jit3A_284 : i32 to vector<16xi32>
      %select_n3A_286 = arith.select %ge3A_275, %broadcast_in_dim3A, %broadcast_in_dim3A_285 : vector<16xi1>, vector<16xi32>
      %shift_right_arithmetic3A = arith.constant 14 : i32
      %shift_right_arithmetic3A_287 = vector.broadcast %shift_right_arithmetic3A : i32 to vector<16xi32>
      %shift_right_arithmetic3A_288 = arith.shrsi %select_n3A, %shift_right_arithmetic3A_287 : vector<16xi32>
      %select_n3A_289 = arith.select %ge3A_268, %select_n3A_286, %shift_right_arithmetic3A_288 : vector<16xi1>, vector<16xi32>
      %sub3A_290 = arith.subi %get3A_266, %select_n3A : vector<16xi32>
      %mul3A_291 = arith.constant 2 : i32
      %mul3A_292 = vector.broadcast %mul3A_291 : i32 to vector<16xi32>
      %mul3A_293 = arith.muli %select_n3A_283, %mul3A_292 : vector<16xi32>
      %add3A_294 = arith.addi %sub3A_290, %mul3A_293 : vector<16xi32>
      %add3A_295 = arith.addi %add3A_294, %select_n3A_289 : vector<16xi32>
      %swap3A = arith.index_cast %add3A_264 : i32 to index
      %swap3A_296 = tpu.vector_load %arg6[%swap3A] {strides = array<i32>} : memref<5120xi32, #tpu.memory_space<vmem>>, vector<16xi32>,
      %swap3A_297 = vector.shape_cast %swap3A_296 : vector<16xi32> to vector<16xi32>
      %swap3A_298 = vector.shape_cast %add3A_295 : vector<16xi32> to vector<16xi32>
      tpu.vector_store %arg6[%swap3A], %swap3A_298 {strides = array<i32>} : memref<5120xi32, #tpu.memory_space<vmem>>, vector<16xi32>,
    }
    %scan3A_220 = arith.constant 32 : i32
    %dma_wait3A_221 = arith.constant 0 : i32
    %dma_wait3A_222 = tpu.memref_slice %arg4[%add3A_210, %dma_wait3A_221] : memref<163840x64xf32, #tpu.memory_space<hbm>> -> memref<512x64xf32, #tpu.memory_space<hbm>>
    %dma_wait3A_223 = arith.constant 0 : i32
    %dma_wait3A_224 = tpu.memref_slice %arg4[%add3A_210, %dma_wait3A_223] : memref<163840x64xf32, #tpu.memory_space<hbm>> -> memref<512x64xf32, #tpu.memory_space<hbm>>
    tpu.wait_dma2 semaphore(%arg12 : memref<!tpu.dma_semaphore, #tpu.memory_space<semaphore_mem>>) src(%arg8 : memref<512x64xf32, #tpu.memory_space<vmem>>) dst(%dma_wait3A_224 : memref<512x64xf32, #tpu.memory_space<hbm>>)
    %dma_start3A_225 = arith.constant 4608 : i32
    %dma_start3A_226 = tpu.memref_slice %arg6[%dma_start3A_225] : memref<5120xi32, #tpu.memory_space<vmem>> -> memref<512xi32, #tpu.memory_space<vmem>>
    %dma_start3A_227 = arith.constant 0 : i32
    %dma_start3A_228 = arith.constant 0 : i32
    %dma_start3A_229 = tpu.memref_slice %arg3[%dma_start3A_227, %dma_start3A_228] : memref<1000000x64xf32, #tpu.memory_space<hbm>> -> memref<1000000x64xf32, #tpu.memory_space<hbm>>
    tpu.enqueue_indirect_dma source(%dma_start3A_229 : memref<1000000x64xf32, #tpu.memory_space<hbm>>) target(%arg8 : memref<512x64xf32, #tpu.memory_space<vmem>>) offsets(%dma_start3A_226 : memref<512xi32, #tpu.memory_space<vmem>>) semaphore(%arg10 : memref<!tpu.dma_semaphore, #tpu.memory_space<semaphore_mem>>)
    %dma_wait3A_230 = arith.constant 4096 : i32
    %dma_wait3A_231 = tpu.memref_slice %arg6[%dma_wait3A_230] : memref<5120xi32, #tpu.memory_space<vmem>> -> memref<512xi32, #tpu.memory_space<vmem>>
    %dma_wait3A_232 = arith.constant 0 : i32
    %dma_wait3A_233 = arith.constant 0 : i32
    %dma_wait3A_234 = tpu.memref_slice %arg3[%dma_wait3A_232, %dma_wait3A_233] : memref<1000000x64xf32, #tpu.memory_space<hbm>> -> memref<1000000x64xf32, #tpu.memory_space<hbm>>
    tpu.wait_indirect_dma semaphore(%arg9 : memref<!tpu.dma_semaphore, #tpu.memory_space<semaphore_mem>>) src(%dma_wait3A_234 : memref<1000000x64xf32, #tpu.memory_space<hbm>>) dst(%arg7 : memref<512x64xf32, #tpu.memory_space<vmem>>)
    %add3A_235 = arith.constant 4096 : i32
    %add3A_236 = arith.addi %mul3A_2, %add3A_235 : i32
    %dma_start3A_237 = arith.constant 0 : i32
    %dma_start3A_238 = tpu.memref_slice %arg4[%add3A_236, %dma_start3A_237] : memref<163840x64xf32, #tpu.memory_space<hbm>> -> memref<512x64xf32, #tpu.memory_space<hbm>>
    %dma_start3A_239 = arith.constant 0 : i32
    %dma_start3A_240 = tpu.memref_slice %arg4[%add3A_236, %dma_start3A_239] : memref<163840x64xf32, #tpu.memory_space<hbm>> -> memref<512x64xf32, #tpu.memory_space<hbm>>
    tpu.enqueue_dma source(%arg7 : memref<512x64xf32, #tpu.memory_space<vmem>>) target(%dma_start3A_240 : memref<512x64xf32, #tpu.memory_space<hbm>>) target_semaphore(%arg11 : memref<!tpu.dma_semaphore, #tpu.memory_space<semaphore_mem>>)
    %dma_wait3A_241 = arith.constant 4608 : i32
    %dma_wait3A_242 = tpu.memref_slice %arg6[%dma_wait3A_241] : memref<5120xi32, #tpu.memory_space<vmem>> -> memref<512xi32, #tpu.memory_space<vmem>>
    %dma_wait3A_243 = arith.constant 0 : i32
    %dma_wait3A_244 = arith.constant 0 : i32
    %dma_wait3A_245 = tpu.memref_slice %arg3[%dma_wait3A_243, %dma_wait3A_244] : memref<1000000x64xf32, #tpu.memory_space<hbm>> -> memref<1000000x64xf32, #tpu.memory_space<hbm>>
    tpu.wait_indirect_dma semaphore(%arg10 : memref<!tpu.dma_semaphore, #tpu.memory_space<semaphore_mem>>) src(%dma_wait3A_245 : memref<1000000x64xf32, #tpu.memory_space<hbm>>) dst(%arg8 : memref<512x64xf32, #tpu.memory_space<vmem>>)
    %add3A_246 = arith.constant 4608 : i32
    %add3A_247 = arith.addi %mul3A_2, %add3A_246 : i32
    %dma_start3A_248 = arith.constant 0 : i32
    %dma_start3A_249 = tpu.memref_slice %arg4[%add3A_247, %dma_start3A_248] : memref<163840x64xf32, #tpu.memory_space<hbm>> -> memref<512x64xf32, #tpu.memory_space<hbm>>
    %dma_start3A_250 = arith.constant 0 : i32
    %dma_start3A_251 = tpu.memref_slice %arg4[%add3A_247, %dma_start3A_250] : memref<163840x64xf32, #tpu.memory_space<hbm>> -> memref<512x64xf32, #tpu.memory_space<hbm>>
    tpu.enqueue_dma source(%arg8 : memref<512x64xf32, #tpu.memory_space<vmem>>) target(%dma_start3A_251 : memref<512x64xf32, #tpu.memory_space<hbm>>) target_semaphore(%arg12 : memref<!tpu.dma_semaphore, #tpu.memory_space<semaphore_mem>>)
    %dma_wait3A_252 = arith.constant 0 : i32
    %dma_wait3A_253 = tpu.memref_slice %arg4[%add3A_236, %dma_wait3A_252] : memref<163840x64xf32, #tpu.memory_space<hbm>> -> memref<512x64xf32, #tpu.memory_space<hbm>>
    %dma_wait3A_254 = arith.constant 0 : i32
    %dma_wait3A_255 = tpu.memref_slice %arg4[%add3A_236, %dma_wait3A_254] : memref<163840x64xf32, #tpu.memory_space<hbm>> -> memref<512x64xf32, #tpu.memory_space<hbm>>
    tpu.wait_dma2 semaphore(%arg11 : memref<!tpu.dma_semaphore, #tpu.memory_space<semaphore_mem>>) src(%arg7 : memref<512x64xf32, #tpu.memory_space<vmem>>) dst(%dma_wait3A_255 : memref<512x64xf32, #tpu.memory_space<hbm>>)
    %dma_wait3A_256 = arith.constant 0 : i32
    %dma_wait3A_257 = tpu.memref_slice %arg4[%add3A_247, %dma_wait3A_256] : memref<163840x64xf32, #tpu.memory_space<hbm>> -> memref<512x64xf32, #tpu.memory_space<hbm>>
    %dma_wait3A_258 = arith.constant 0 : i32
    %dma_wait3A_259 = tpu.memref_slice %arg4[%add3A_247, %dma_wait3A_258] : memref<163840x64xf32, #tpu.memory_space<hbm>> -> memref<512x64xf32, #tpu.memory_space<hbm>>
    tpu.wait_dma2 semaphore(%arg12 : memref<!tpu.dma_semaphore, #tpu.memory_space<semaphore_mem>>) src(%arg8 : memref<512x64xf32, #tpu.memory_space<vmem>>) dst(%dma_wait3A_259 : memref<512x64xf32, #tpu.memory_space<hbm>>)
    return
  }
}

#map = affine_map<(d0, d1) -> (0)>
#map1 = affine_map<(d0, d1) -> (0, 0)>
module attributes {stable_mosaic.version = 14 : i64} {
  func.func @gather_kernel(%arg0: i32, %arg1: i32, %arg2: memref<163840xi32, #tpu.memory_space<hbm>>, %arg3: memref<1000000x64xf32, #tpu.memory_space<hbm>>, %arg4: memref<163840x64xf32, #tpu.memory_space<hbm>>, %arg5: memref<5120xi32, #tpu.memory_space<vmem>>, %arg6: memref<5120xi32, #tpu.memory_space<vmem>>, %arg7: memref<512x64xf32, #tpu.memory_space<vmem>>, %arg8: memref<512x64xf32, #tpu.memory_space<vmem>>, %arg9: memref<!tpu.dma_semaphore, #tpu.memory_space<semaphore_mem>>, %arg10: memref<!tpu.dma_semaphore, #tpu.memory_space<semaphore_mem>>, %arg11: memref<!tpu.dma_semaphore, #tpu.memory_space<semaphore_mem>>, %arg12: memref<!tpu.dma_semaphore, #tpu.memory_space<semaphore_mem>>) attributes {dimension_semantics = [#tpu.dimension_semantics<core_parallel>, #tpu.dimension_semantics<subcore_parallel>], iteration_bounds = array<i64: 2, 16>, scalar_prefetch = 0 : i64, scratch_operands = 8 : i64, tpu.core_type = #tpu.core_type<sc_vector_subcore>, window_params = [{transform_indices = #map}, {transform_indices = #map1}, {transform_indices = #map1}]} {
    %mul3A = arith.constant 2 : i32
    %mul3A_0 = arith.muli %arg1, %mul3A : i32
    %add3A = arith.addi %mul3A_0, %arg0 : i32
    %mul3A_1 = arith.constant 5120 : i32
    %mul3A_2 = arith.muli %add3A, %mul3A_1 : i32
    "tpu.region"() ({
      %run_scoped3A = tpu.sem_alloc : memref<!tpu.dma_semaphore, #tpu.memory_space<semaphore_mem>>
      %dma_start3A_260 = tpu.memref_slice %arg2[%mul3A_2] : memref<163840xi32, #tpu.memory_space<hbm>> -> memref<5120xi32, #tpu.memory_space<hbm>>
      %dma_start3A_261 = tpu.memref_slice %arg2[%mul3A_2] : memref<163840xi32, #tpu.memory_space<hbm>> -> memref<5120xi32, #tpu.memory_space<hbm>>
      tpu.enqueue_dma source(%dma_start3A_261 : memref<5120xi32, #tpu.memory_space<hbm>>) target(%arg5 : memref<5120xi32, #tpu.memory_space<vmem>>) target_semaphore(%run_scoped3A : memref<!tpu.dma_semaphore, #tpu.memory_space<semaphore_mem>>)
      %dma_wait3A_262 = tpu.memref_slice %arg2[%mul3A_2] : memref<163840xi32, #tpu.memory_space<hbm>> -> memref<5120xi32, #tpu.memory_space<hbm>>
      %dma_wait3A_263 = tpu.memref_slice %arg2[%mul3A_2] : memref<163840xi32, #tpu.memory_space<hbm>> -> memref<5120xi32, #tpu.memory_space<hbm>>
      tpu.wait_dma2 semaphore(%run_scoped3A : memref<!tpu.dma_semaphore, #tpu.memory_space<semaphore_mem>>) src(%dma_wait3A_263 : memref<5120xi32, #tpu.memory_space<hbm>>) dst(%arg5 : memref<5120xi32, #tpu.memory_space<vmem>>)
      tpu.yield
    }) : () -> ()
    %scan3A = arith.constant 0 : i32
    %scan3A_3 = arith.constant 0 : i32
    %scan3A_4 = arith.constant 32 : i32
    %scan3A_5 = arith.addi %scan3A_3, %scan3A_4 : i32
    %scan3A_6 = arith.constant 1 : i32
    scf.for %scan3A_260 = %scan3A_3 to %scan3A_5 step %scan3A_6  : i32 {
      %mul3A_261 = arith.constant 16 : i32
      %mul3A_262 = arith.muli %scan3A_260, %mul3A_261 : i32
      %add3A_263 = arith.constant 0 : i32
      %add3A_264 = arith.addi %add3A_263, %mul3A_262 : i32
      %get3A = arith.index_cast %add3A_264 : i32 to index
      %get3A_265 = tpu.vector_load %arg5[%get3A] {strides = array<i32>} : memref<5120xi32, #tpu.memory_space<vmem>>, vector<16xi32>,
      %get3A_266 = vector.shape_cast %get3A_265 : vector<16xi32> to vector<16xi32>
      %ge3A = arith.constant 983040 : i32
      %ge3A_267 = vector.broadcast %ge3A : i32 to vector<16xi32>
      %ge3A_268 = arith.cmpi sge, %get3A_266, %ge3A_267 : vector<16xi32>
      %sub3A = arith.constant 983040 : i32
      %sub3A_269 = vector.broadcast %sub3A : i32 to vector<16xi32>
      %sub3A_270 = arith.subi %get3A_266, %sub3A_269 : vector<16xi32>
      %and3A = arith.constant 32767 : i32
      %and3A_271 = vector.broadcast %and3A : i32 to vector<16xi32>
      %and3A_272 = arith.andi %get3A_266, %and3A_271 : vector<16xi32>
      %select_n3A = arith.select %ge3A_268, %sub3A_270, %and3A_272 : vector<16xi1>, vector<16xi32>
      %ge3A_273 = arith.constant 8480 : i32
      %ge3A_274 = vector.broadcast %ge3A_273 : i32 to vector<16xi32>
      %ge3A_275 = arith.cmpi sge, %select_n3A, %ge3A_274 : vector<16xi32>
      %sub3A_276 = arith.constant 8480 : i32
      %sub3A_277 = vector.broadcast %sub3A_276 : i32 to vector<16xi32>
      %sub3A_278 = arith.subi %select_n3A, %sub3A_277 : vector<16xi32>
      %select_n3A_279 = arith.select %ge3A_275, %sub3A_278, %select_n3A : vector<16xi1>, vector<16xi32>
      %and3A_280 = arith.constant 16383 : i32
      %and3A_281 = vector.broadcast %and3A_280 : i32 to vector<16xi32>
      %and3A_282 = arith.andi %select_n3A, %and3A_281 : vector<16xi32>
      %select_n3A_283 = arith.select %ge3A_268, %select_n3A_279, %and3A_282 : vector<16xi1>, vector<16xi32>
      %jit3A = arith.constant 1 : i32
      %jit3A_284 = arith.constant 0 : i32
      %broadcast_in_dim3A = vector.broadcast %jit3A : i32 to vector<16xi32>
      %broadcast_in_dim3A_285 = vector.broadcast %jit3A_284 : i32 to vector<16xi32>
      %select_n3A_286 = arith.select %ge3A_275, %broadcast_in_dim3A, %broadcast_in_dim3A_285 : vector<16xi1>, vector<16xi32>
      %shift_right_arithmetic3A = arith.constant 14 : i32
      %shift_right_arithmetic3A_287 = vector.broadcast %shift_right_arithmetic3A : i32 to vector<16xi32>
      %shift_right_arithmetic3A_288 = arith.shrsi %select_n3A, %shift_right_arithmetic3A_287 : vector<16xi32>
      %select_n3A_289 = arith.select %ge3A_268, %select_n3A_286, %shift_right_arithmetic3A_288 : vector<16xi1>, vector<16xi32>
      %sub3A_290 = arith.subi %get3A_266, %select_n3A : vector<16xi32>
      %mul3A_291 = arith.constant 2 : i32
      %mul3A_292 = vector.broadcast %mul3A_291 : i32 to vector<16xi32>
      %mul3A_293 = arith.muli %select_n3A_283, %mul3A_292 : vector<16xi32>
      %add3A_294 = arith.addi %sub3A_290, %mul3A_293 : vector<16xi32>
      %add3A_295 = arith.addi %add3A_294, %select_n3A_289 : vector<16xi32>
      %swap3A = arith.index_cast %add3A_264 : i32 to index
      %swap3A_296 = tpu.vector_load %arg6[%swap3A] {strides = array<i32>} : memref<5120xi32, #tpu.memory_space<vmem>>, vector<16xi32>,
      %swap3A_297 = vector.shape_cast %swap3A_296 : vector<16xi32> to vector<16xi32>
      %swap3A_298 = vector.shape_cast %add3A_295 : vector<16xi32> to vector<16xi32>
      tpu.vector_store %arg6[%swap3A], %swap3A_298 {strides = array<i32>} : memref<5120xi32, #tpu.memory_space<vmem>>, vector<16xi32>,
    }
    %scan3A_7 = arith.constant 32 : i32
    %dma_start3A = arith.constant 0 : i32
    %dma_start3A_8 = tpu.memref_slice %arg6[%dma_start3A] : memref<5120xi32, #tpu.memory_space<vmem>> -> memref<512xi32, #tpu.memory_space<vmem>>
    %dma_start3A_9 = arith.constant 0 : i32
    %dma_start3A_10 = arith.constant 0 : i32
    %dma_start3A_11 = tpu.memref_slice %arg3[%dma_start3A_9, %dma_start3A_10] : memref<1000000x64xf32, #tpu.memory_space<hbm>> -> memref<1000000x64xf32, #tpu.memory_space<hbm>>
    tpu.enqueue_indirect_dma source(%dma_start3A_11 : memref<1000000x64xf32, #tpu.memory_space<hbm>>) target(%arg7 : memref<512x64xf32, #tpu.memory_space<vmem>>) offsets(%dma_start3A_8 : memref<512xi32, #tpu.memory_space<vmem>>) semaphore(%arg9 : memref<!tpu.dma_semaphore, #tpu.memory_space<semaphore_mem>>)
    %scan3A_12 = arith.constant 0 : i32
    %scan3A_13 = arith.constant 0 : i32
    %scan3A_14 = arith.constant 32 : i32
    %scan3A_15 = arith.addi %scan3A_13, %scan3A_14 : i32
    %scan3A_16 = arith.constant 1 : i32
    scf.for %scan3A_260 = %scan3A_13 to %scan3A_15 step %scan3A_16  : i32 {
      %mul3A_261 = arith.constant 16 : i32
      %mul3A_262 = arith.muli %scan3A_260, %mul3A_261 : i32
      %add3A_263 = arith.constant 512 : i32
      %add3A_264 = arith.addi %add3A_263, %mul3A_262 : i32
      %get3A = arith.index_cast %add3A_264 : i32 to index
      %get3A_265 = tpu.vector_load %arg5[%get3A] {strides = array<i32>} : memref<5120xi32, #tpu.memory_space<vmem>>, vector<16xi32>,
      %get3A_266 = vector.shape_cast %get3A_265 : vector<16xi32> to vector<16xi32>
      %ge3A = arith.constant 983040 : i32
      %ge3A_267 = vector.broadcast %ge3A : i32 to vector<16xi32>
      %ge3A_268 = arith.cmpi sge, %get3A_266, %ge3A_267 : vector<16xi32>
      %sub3A = arith.constant 983040 : i32
      %sub3A_269 = vector.broadcast %sub3A : i32 to vector<16xi32>
      %sub3A_270 = arith.subi %get3A_266, %sub3A_269 : vector<16xi32>
      %and3A = arith.constant 32767 : i32
      %and3A_271 = vector.broadcast %and3A : i32 to vector<16xi32>
      %and3A_272 = arith.andi %get3A_266, %and3A_271 : vector<16xi32>
      %select_n3A = arith.select %ge3A_268, %sub3A_270, %and3A_272 : vector<16xi1>, vector<16xi32>
      %ge3A_273 = arith.constant 8480 : i32
      %ge3A_274 = vector.broadcast %ge3A_273 : i32 to vector<16xi32>
      %ge3A_275 = arith.cmpi sge, %select_n3A, %ge3A_274 : vector<16xi32>
      %sub3A_276 = arith.constant 8480 : i32
      %sub3A_277 = vector.broadcast %sub3A_276 : i32 to vector<16xi32>
      %sub3A_278 = arith.subi %select_n3A, %sub3A_277 : vector<16xi32>
      %select_n3A_279 = arith.select %ge3A_275, %sub3A_278, %select_n3A : vector<16xi1>, vector<16xi32>
      %and3A_280 = arith.constant 16383 : i32
      %and3A_281 = vector.broadcast %and3A_280 : i32 to vector<16xi32>
      %and3A_282 = arith.andi %select_n3A, %and3A_281 : vector<16xi32>
      %select_n3A_283 = arith.select %ge3A_268, %select_n3A_279, %and3A_282 : vector<16xi1>, vector<16xi32>
      %jit3A = arith.constant 1 : i32
      %jit3A_284 = arith.constant 0 : i32
      %broadcast_in_dim3A = vector.broadcast %jit3A : i32 to vector<16xi32>
      %broadcast_in_dim3A_285 = vector.broadcast %jit3A_284 : i32 to vector<16xi32>
      %select_n3A_286 = arith.select %ge3A_275, %broadcast_in_dim3A, %broadcast_in_dim3A_285 : vector<16xi1>, vector<16xi32>
      %shift_right_arithmetic3A = arith.constant 14 : i32
      %shift_right_arithmetic3A_287 = vector.broadcast %shift_right_arithmetic3A : i32 to vector<16xi32>
      %shift_right_arithmetic3A_288 = arith.shrsi %select_n3A, %shift_right_arithmetic3A_287 : vector<16xi32>
      %select_n3A_289 = arith.select %ge3A_268, %select_n3A_286, %shift_right_arithmetic3A_288 : vector<16xi1>, vector<16xi32>
      %sub3A_290 = arith.subi %get3A_266, %select_n3A : vector<16xi32>
      %mul3A_291 = arith.constant 2 : i32
      %mul3A_292 = vector.broadcast %mul3A_291 : i32 to vector<16xi32>
      %mul3A_293 = arith.muli %select_n3A_283, %mul3A_292 : vector<16xi32>
      %add3A_294 = arith.addi %sub3A_290, %mul3A_293 : vector<16xi32>
      %add3A_295 = arith.addi %add3A_294, %select_n3A_289 : vector<16xi32>
      %swap3A = arith.index_cast %add3A_264 : i32 to index
      %swap3A_296 = tpu.vector_load %arg6[%swap3A] {strides = array<i32>} : memref<5120xi32, #tpu.memory_space<vmem>>, vector<16xi32>,
      %swap3A_297 = vector.shape_cast %swap3A_296 : vector<16xi32> to vector<16xi32>
      %swap3A_298 = vector.shape_cast %add3A_295 : vector<16xi32> to vector<16xi32>
      tpu.vector_store %arg6[%swap3A], %swap3A_298 {strides = array<i32>} : memref<5120xi32, #tpu.memory_space<vmem>>, vector<16xi32>,
    }
    %scan3A_17 = arith.constant 32 : i32
    %dma_start3A_18 = arith.constant 512 : i32
    %dma_start3A_19 = tpu.memref_slice %arg6[%dma_start3A_18] : memref<5120xi32, #tpu.memory_space<vmem>> -> memref<512xi32, #tpu.memory_space<vmem>>
    %dma_start3A_20 = arith.constant 0 : i32
    %dma_start3A_21 = arith.constant 0 : i32
    %dma_start3A_22 = tpu.memref_slice %arg3[%dma_start3A_20, %dma_start3A_21] : memref<1000000x64xf32, #tpu.memory_space<hbm>> -> memref<1000000x64xf32, #tpu.memory_space<hbm>>
    tpu.enqueue_indirect_dma source(%dma_start3A_22 : memref<1000000x64xf32, #tpu.memory_space<hbm>>) target(%arg8 : memref<512x64xf32, #tpu.memory_space<vmem>>) offsets(%dma_start3A_19 : memref<512xi32, #tpu.memory_space<vmem>>) semaphore(%arg10 : memref<!tpu.dma_semaphore, #tpu.memory_space<semaphore_mem>>)
    %dma_wait3A = arith.constant 0 : i32
    %dma_wait3A_23 = tpu.memref_slice %arg6[%dma_wait3A] : memref<5120xi32, #tpu.memory_space<vmem>> -> memref<512xi32, #tpu.memory_space<vmem>>
    %dma_wait3A_24 = arith.constant 0 : i32
    %dma_wait3A_25 = arith.constant 0 : i32
    %dma_wait3A_26 = tpu.memref_slice %arg3[%dma_wait3A_24, %dma_wait3A_25] : memref<1000000x64xf32, #tpu.memory_space<hbm>> -> memref<1000000x64xf32, #tpu.memory_space<hbm>>
    tpu.wait_indirect_dma semaphore(%arg9 : memref<!tpu.dma_semaphore, #tpu.memory_space<semaphore_mem>>) src(%dma_wait3A_26 : memref<1000000x64xf32, #tpu.memory_space<hbm>>) dst(%arg7 : memref<512x64xf32, #tpu.memory_space<vmem>>)
    %add3A_27 = arith.constant 0 : i32
    %add3A_28 = arith.addi %mul3A_2, %add3A_27 : i32
    %dma_start3A_29 = arith.constant 0 : i32
    %dma_start3A_30 = tpu.memref_slice %arg4[%add3A_28, %dma_start3A_29] : memref<163840x64xf32, #tpu.memory_space<hbm>> -> memref<512x64xf32, #tpu.memory_space<hbm>>
    %dma_start3A_31 = arith.constant 0 : i32
    %dma_start3A_32 = tpu.memref_slice %arg4[%add3A_28, %dma_start3A_31] : memref<163840x64xf32, #tpu.memory_space<hbm>> -> memref<512x64xf32, #tpu.memory_space<hbm>>
    tpu.enqueue_dma source(%arg7 : memref<512x64xf32, #tpu.memory_space<vmem>>) target(%dma_start3A_32 : memref<512x64xf32, #tpu.memory_space<hbm>>) target_semaphore(%arg11 : memref<!tpu.dma_semaphore, #tpu.memory_space<semaphore_mem>>)
    %scan3A_33 = arith.constant 0 : i32
    %scan3A_34 = arith.constant 0 : i32
    %scan3A_35 = arith.constant 32 : i32
    %scan3A_36 = arith.addi %scan3A_34, %scan3A_35 : i32
    %scan3A_37 = arith.constant 1 : i32
    scf.for %scan3A_260 = %scan3A_34 to %scan3A_36 step %scan3A_37  : i32 {
      %mul3A_261 = arith.constant 16 : i32
      %mul3A_262 = arith.muli %scan3A_260, %mul3A_261 : i32
      %add3A_263 = arith.constant 1024 : i32
      %add3A_264 = arith.addi %add3A_263, %mul3A_262 : i32
      %get3A = arith.index_cast %add3A_264 : i32 to index
      %get3A_265 = tpu.vector_load %arg5[%get3A] {strides = array<i32>} : memref<5120xi32, #tpu.memory_space<vmem>>, vector<16xi32>,
      %get3A_266 = vector.shape_cast %get3A_265 : vector<16xi32> to vector<16xi32>
      %ge3A = arith.constant 983040 : i32
      %ge3A_267 = vector.broadcast %ge3A : i32 to vector<16xi32>
      %ge3A_268 = arith.cmpi sge, %get3A_266, %ge3A_267 : vector<16xi32>
      %sub3A = arith.constant 983040 : i32
      %sub3A_269 = vector.broadcast %sub3A : i32 to vector<16xi32>
      %sub3A_270 = arith.subi %get3A_266, %sub3A_269 : vector<16xi32>
      %and3A = arith.constant 32767 : i32
      %and3A_271 = vector.broadcast %and3A : i32 to vector<16xi32>
      %and3A_272 = arith.andi %get3A_266, %and3A_271 : vector<16xi32>
      %select_n3A = arith.select %ge3A_268, %sub3A_270, %and3A_272 : vector<16xi1>, vector<16xi32>
      %ge3A_273 = arith.constant 8480 : i32
      %ge3A_274 = vector.broadcast %ge3A_273 : i32 to vector<16xi32>
      %ge3A_275 = arith.cmpi sge, %select_n3A, %ge3A_274 : vector<16xi32>
      %sub3A_276 = arith.constant 8480 : i32
      %sub3A_277 = vector.broadcast %sub3A_276 : i32 to vector<16xi32>
      %sub3A_278 = arith.subi %select_n3A, %sub3A_277 : vector<16xi32>
      %select_n3A_279 = arith.select %ge3A_275, %sub3A_278, %select_n3A : vector<16xi1>, vector<16xi32>
      %and3A_280 = arith.constant 16383 : i32
      %and3A_281 = vector.broadcast %and3A_280 : i32 to vector<16xi32>
      %and3A_282 = arith.andi %select_n3A, %and3A_281 : vector<16xi32>
      %select_n3A_283 = arith.select %ge3A_268, %select_n3A_279, %and3A_282 : vector<16xi1>, vector<16xi32>
      %jit3A = arith.constant 1 : i32
      %jit3A_284 = arith.constant 0 : i32
      %broadcast_in_dim3A = vector.broadcast %jit3A : i32 to vector<16xi32>
      %broadcast_in_dim3A_285 = vector.broadcast %jit3A_284 : i32 to vector<16xi32>
      %select_n3A_286 = arith.select %ge3A_275, %broadcast_in_dim3A, %broadcast_in_dim3A_285 : vector<16xi1>, vector<16xi32>
      %shift_right_arithmetic3A = arith.constant 14 : i32
      %shift_right_arithmetic3A_287 = vector.broadcast %shift_right_arithmetic3A : i32 to vector<16xi32>
      %shift_right_arithmetic3A_288 = arith.shrsi %select_n3A, %shift_right_arithmetic3A_287 : vector<16xi32>
      %select_n3A_289 = arith.select %ge3A_268, %select_n3A_286, %shift_right_arithmetic3A_288 : vector<16xi1>, vector<16xi32>
      %sub3A_290 = arith.subi %get3A_266, %select_n3A : vector<16xi32>
      %mul3A_291 = arith.constant 2 : i32
      %mul3A_292 = vector.broadcast %mul3A_291 : i32 to vector<16xi32>
      %mul3A_293 = arith.muli %select_n3A_283, %mul3A_292 : vector<16xi32>
      %add3A_294 = arith.addi %sub3A_290, %mul3A_293 : vector<16xi32>
      %add3A_295 = arith.addi %add3A_294, %select_n3A_289 : vector<16xi32>
      %swap3A = arith.index_cast %add3A_264 : i32 to index
      %swap3A_296 = tpu.vector_load %arg6[%swap3A] {strides = array<i32>} : memref<5120xi32, #tpu.memory_space<vmem>>, vector<16xi32>,
      %swap3A_297 = vector.shape_cast %swap3A_296 : vector<16xi32> to vector<16xi32>
      %swap3A_298 = vector.shape_cast %add3A_295 : vector<16xi32> to vector<16xi32>
      tpu.vector_store %arg6[%swap3A], %swap3A_298 {strides = array<i32>} : memref<5120xi32, #tpu.memory_space<vmem>>, vector<16xi32>,
    }
    %scan3A_38 = arith.constant 32 : i32
    %dma_wait3A_39 = arith.constant 0 : i32
    %dma_wait3A_40 = tpu.memref_slice %arg4[%add3A_28, %dma_wait3A_39] : memref<163840x64xf32, #tpu.memory_space<hbm>> -> memref<512x64xf32, #tpu.memory_space<hbm>>
    %dma_wait3A_41 = arith.constant 0 : i32
    %dma_wait3A_42 = tpu.memref_slice %arg4[%add3A_28, %dma_wait3A_41] : memref<163840x64xf32, #tpu.memory_space<hbm>> -> memref<512x64xf32, #tpu.memory_space<hbm>>
    tpu.wait_dma2 semaphore(%arg11 : memref<!tpu.dma_semaphore, #tpu.memory_space<semaphore_mem>>) src(%arg7 : memref<512x64xf32, #tpu.memory_space<vmem>>) dst(%dma_wait3A_42 : memref<512x64xf32, #tpu.memory_space<hbm>>)
    %dma_start3A_43 = arith.constant 1024 : i32
    %dma_start3A_44 = tpu.memref_slice %arg6[%dma_start3A_43] : memref<5120xi32, #tpu.memory_space<vmem>> -> memref<512xi32, #tpu.memory_space<vmem>>
    %dma_start3A_45 = arith.constant 0 : i32
    %dma_start3A_46 = arith.constant 0 : i32
    %dma_start3A_47 = tpu.memref_slice %arg3[%dma_start3A_45, %dma_start3A_46] : memref<1000000x64xf32, #tpu.memory_space<hbm>> -> memref<1000000x64xf32, #tpu.memory_space<hbm>>
    tpu.enqueue_indirect_dma source(%dma_start3A_47 : memref<1000000x64xf32, #tpu.memory_space<hbm>>) target(%arg7 : memref<512x64xf32, #tpu.memory_space<vmem>>) offsets(%dma_start3A_44 : memref<512xi32, #tpu.memory_space<vmem>>) semaphore(%arg9 : memref<!tpu.dma_semaphore, #tpu.memory_space<semaphore_mem>>)
    %dma_wait3A_48 = arith.constant 512 : i32
    %dma_wait3A_49 = tpu.memref_slice %arg6[%dma_wait3A_48] : memref<5120xi32, #tpu.memory_space<vmem>> -> memref<512xi32, #tpu.memory_space<vmem>>
    %dma_wait3A_50 = arith.constant 0 : i32
    %dma_wait3A_51 = arith.constant 0 : i32
    %dma_wait3A_52 = tpu.memref_slice %arg3[%dma_wait3A_50, %dma_wait3A_51] : memref<1000000x64xf32, #tpu.memory_space<hbm>> -> memref<1000000x64xf32, #tpu.memory_space<hbm>>
    tpu.wait_indirect_dma semaphore(%arg10 : memref<!tpu.dma_semaphore, #tpu.memory_space<semaphore_mem>>) src(%dma_wait3A_52 : memref<1000000x64xf32, #tpu.memory_space<hbm>>) dst(%arg8 : memref<512x64xf32, #tpu.memory_space<vmem>>)
    %add3A_53 = arith.constant 512 : i32
    %add3A_54 = arith.addi %mul3A_2, %add3A_53 : i32
    %dma_start3A_55 = arith.constant 0 : i32
    %dma_start3A_56 = tpu.memref_slice %arg4[%add3A_54, %dma_start3A_55] : memref<163840x64xf32, #tpu.memory_space<hbm>> -> memref<512x64xf32, #tpu.memory_space<hbm>>
    %dma_start3A_57 = arith.constant 0 : i32
    %dma_start3A_58 = tpu.memref_slice %arg4[%add3A_54, %dma_start3A_57] : memref<163840x64xf32, #tpu.memory_space<hbm>> -> memref<512x64xf32, #tpu.memory_space<hbm>>
    tpu.enqueue_dma source(%arg8 : memref<512x64xf32, #tpu.memory_space<vmem>>) target(%dma_start3A_58 : memref<512x64xf32, #tpu.memory_space<hbm>>) target_semaphore(%arg12 : memref<!tpu.dma_semaphore, #tpu.memory_space<semaphore_mem>>)
    %scan3A_59 = arith.constant 0 : i32
    %scan3A_60 = arith.constant 0 : i32
    %scan3A_61 = arith.constant 32 : i32
    %scan3A_62 = arith.addi %scan3A_60, %scan3A_61 : i32
    %scan3A_63 = arith.constant 1 : i32
    scf.for %scan3A_260 = %scan3A_60 to %scan3A_62 step %scan3A_63  : i32 {
      %mul3A_261 = arith.constant 16 : i32
      %mul3A_262 = arith.muli %scan3A_260, %mul3A_261 : i32
      %add3A_263 = arith.constant 1536 : i32
      %add3A_264 = arith.addi %add3A_263, %mul3A_262 : i32
      %get3A = arith.index_cast %add3A_264 : i32 to index
      %get3A_265 = tpu.vector_load %arg5[%get3A] {strides = array<i32>} : memref<5120xi32, #tpu.memory_space<vmem>>, vector<16xi32>,
      %get3A_266 = vector.shape_cast %get3A_265 : vector<16xi32> to vector<16xi32>
      %ge3A = arith.constant 983040 : i32
      %ge3A_267 = vector.broadcast %ge3A : i32 to vector<16xi32>
      %ge3A_268 = arith.cmpi sge, %get3A_266, %ge3A_267 : vector<16xi32>
      %sub3A = arith.constant 983040 : i32
      %sub3A_269 = vector.broadcast %sub3A : i32 to vector<16xi32>
      %sub3A_270 = arith.subi %get3A_266, %sub3A_269 : vector<16xi32>
      %and3A = arith.constant 32767 : i32
      %and3A_271 = vector.broadcast %and3A : i32 to vector<16xi32>
      %and3A_272 = arith.andi %get3A_266, %and3A_271 : vector<16xi32>
      %select_n3A = arith.select %ge3A_268, %sub3A_270, %and3A_272 : vector<16xi1>, vector<16xi32>
      %ge3A_273 = arith.constant 8480 : i32
      %ge3A_274 = vector.broadcast %ge3A_273 : i32 to vector<16xi32>
      %ge3A_275 = arith.cmpi sge, %select_n3A, %ge3A_274 : vector<16xi32>
      %sub3A_276 = arith.constant 8480 : i32
      %sub3A_277 = vector.broadcast %sub3A_276 : i32 to vector<16xi32>
      %sub3A_278 = arith.subi %select_n3A, %sub3A_277 : vector<16xi32>
      %select_n3A_279 = arith.select %ge3A_275, %sub3A_278, %select_n3A : vector<16xi1>, vector<16xi32>
      %and3A_280 = arith.constant 16383 : i32
      %and3A_281 = vector.broadcast %and3A_280 : i32 to vector<16xi32>
      %and3A_282 = arith.andi %select_n3A, %and3A_281 : vector<16xi32>
      %select_n3A_283 = arith.select %ge3A_268, %select_n3A_279, %and3A_282 : vector<16xi1>, vector<16xi32>
      %jit3A = arith.constant 1 : i32
      %jit3A_284 = arith.constant 0 : i32
      %broadcast_in_dim3A = vector.broadcast %jit3A : i32 to vector<16xi32>
      %broadcast_in_dim3A_285 = vector.broadcast %jit3A_284 : i32 to vector<16xi32>
      %select_n3A_286 = arith.select %ge3A_275, %broadcast_in_dim3A, %broadcast_in_dim3A_285 : vector<16xi1>, vector<16xi32>
      %shift_right_arithmetic3A = arith.constant 14 : i32
      %shift_right_arithmetic3A_287 = vector.broadcast %shift_right_arithmetic3A : i32 to vector<16xi32>
      %shift_right_arithmetic3A_288 = arith.shrsi %select_n3A, %shift_right_arithmetic3A_287 : vector<16xi32>
      %select_n3A_289 = arith.select %ge3A_268, %select_n3A_286, %shift_right_arithmetic3A_288 : vector<16xi1>, vector<16xi32>
      %sub3A_290 = arith.subi %get3A_266, %select_n3A : vector<16xi32>
      %mul3A_291 = arith.constant 2 : i32
      %mul3A_292 = vector.broadcast %mul3A_291 : i32 to vector<16xi32>
      %mul3A_293 = arith.muli %select_n3A_283, %mul3A_292 : vector<16xi32>
      %add3A_294 = arith.addi %sub3A_290, %mul3A_293 : vector<16xi32>
      %add3A_295 = arith.addi %add3A_294, %select_n3A_289 : vector<16xi32>
      %swap3A = arith.index_cast %add3A_264 : i32 to index
      %swap3A_296 = tpu.vector_load %arg6[%swap3A] {strides = array<i32>} : memref<5120xi32, #tpu.memory_space<vmem>>, vector<16xi32>,
      %swap3A_297 = vector.shape_cast %swap3A_296 : vector<16xi32> to vector<16xi32>
      %swap3A_298 = vector.shape_cast %add3A_295 : vector<16xi32> to vector<16xi32>
      tpu.vector_store %arg6[%swap3A], %swap3A_298 {strides = array<i32>} : memref<5120xi32, #tpu.memory_space<vmem>>, vector<16xi32>,
    }
    %scan3A_64 = arith.constant 32 : i32
    %dma_wait3A_65 = arith.constant 0 : i32
    %dma_wait3A_66 = tpu.memref_slice %arg4[%add3A_54, %dma_wait3A_65] : memref<163840x64xf32, #tpu.memory_space<hbm>> -> memref<512x64xf32, #tpu.memory_space<hbm>>
    %dma_wait3A_67 = arith.constant 0 : i32
    %dma_wait3A_68 = tpu.memref_slice %arg4[%add3A_54, %dma_wait3A_67] : memref<163840x64xf32, #tpu.memory_space<hbm>> -> memref<512x64xf32, #tpu.memory_space<hbm>>
    tpu.wait_dma2 semaphore(%arg12 : memref<!tpu.dma_semaphore, #tpu.memory_space<semaphore_mem>>) src(%arg8 : memref<512x64xf32, #tpu.memory_space<vmem>>) dst(%dma_wait3A_68 : memref<512x64xf32, #tpu.memory_space<hbm>>)
    %dma_start3A_69 = arith.constant 1536 : i32
    %dma_start3A_70 = tpu.memref_slice %arg6[%dma_start3A_69] : memref<5120xi32, #tpu.memory_space<vmem>> -> memref<512xi32, #tpu.memory_space<vmem>>
    %dma_start3A_71 = arith.constant 0 : i32
    %dma_start3A_72 = arith.constant 0 : i32
    %dma_start3A_73 = tpu.memref_slice %arg3[%dma_start3A_71, %dma_start3A_72] : memref<1000000x64xf32, #tpu.memory_space<hbm>> -> memref<1000000x64xf32, #tpu.memory_space<hbm>>
    tpu.enqueue_indirect_dma source(%dma_start3A_73 : memref<1000000x64xf32, #tpu.memory_space<hbm>>) target(%arg8 : memref<512x64xf32, #tpu.memory_space<vmem>>) offsets(%dma_start3A_70 : memref<512xi32, #tpu.memory_space<vmem>>) semaphore(%arg10 : memref<!tpu.dma_semaphore, #tpu.memory_space<semaphore_mem>>)
    %dma_wait3A_74 = arith.constant 1024 : i32
    %dma_wait3A_75 = tpu.memref_slice %arg6[%dma_wait3A_74] : memref<5120xi32, #tpu.memory_space<vmem>> -> memref<512xi32, #tpu.memory_space<vmem>>
    %dma_wait3A_76 = arith.constant 0 : i32
    %dma_wait3A_77 = arith.constant 0 : i32
    %dma_wait3A_78 = tpu.memref_slice %arg3[%dma_wait3A_76, %dma_wait3A_77] : memref<1000000x64xf32, #tpu.memory_space<hbm>> -> memref<1000000x64xf32, #tpu.memory_space<hbm>>
    tpu.wait_indirect_dma semaphore(%arg9 : memref<!tpu.dma_semaphore, #tpu.memory_space<semaphore_mem>>) src(%dma_wait3A_78 : memref<1000000x64xf32, #tpu.memory_space<hbm>>) dst(%arg7 : memref<512x64xf32, #tpu.memory_space<vmem>>)
    %add3A_79 = arith.constant 1024 : i32
    %add3A_80 = arith.addi %mul3A_2, %add3A_79 : i32
    %dma_start3A_81 = arith.constant 0 : i32
    %dma_start3A_82 = tpu.memref_slice %arg4[%add3A_80, %dma_start3A_81] : memref<163840x64xf32, #tpu.memory_space<hbm>> -> memref<512x64xf32, #tpu.memory_space<hbm>>
    %dma_start3A_83 = arith.constant 0 : i32
    %dma_start3A_84 = tpu.memref_slice %arg4[%add3A_80, %dma_start3A_83] : memref<163840x64xf32, #tpu.memory_space<hbm>> -> memref<512x64xf32, #tpu.memory_space<hbm>>
    tpu.enqueue_dma source(%arg7 : memref<512x64xf32, #tpu.memory_space<vmem>>) target(%dma_start3A_84 : memref<512x64xf32, #tpu.memory_space<hbm>>) target_semaphore(%arg11 : memref<!tpu.dma_semaphore, #tpu.memory_space<semaphore_mem>>)
    %scan3A_85 = arith.constant 0 : i32
    %scan3A_86 = arith.constant 0 : i32
    %scan3A_87 = arith.constant 32 : i32
    %scan3A_88 = arith.addi %scan3A_86, %scan3A_87 : i32
    %scan3A_89 = arith.constant 1 : i32
    scf.for %scan3A_260 = %scan3A_86 to %scan3A_88 step %scan3A_89  : i32 {
      %mul3A_261 = arith.constant 16 : i32
      %mul3A_262 = arith.muli %scan3A_260, %mul3A_261 : i32
      %add3A_263 = arith.constant 2048 : i32
      %add3A_264 = arith.addi %add3A_263, %mul3A_262 : i32
      %get3A = arith.index_cast %add3A_264 : i32 to index
      %get3A_265 = tpu.vector_load %arg5[%get3A] {strides = array<i32>} : memref<5120xi32, #tpu.memory_space<vmem>>, vector<16xi32>,
      %get3A_266 = vector.shape_cast %get3A_265 : vector<16xi32> to vector<16xi32>
      %ge3A = arith.constant 983040 : i32
      %ge3A_267 = vector.broadcast %ge3A : i32 to vector<16xi32>
      %ge3A_268 = arith.cmpi sge, %get3A_266, %ge3A_267 : vector<16xi32>
      %sub3A = arith.constant 983040 : i32
      %sub3A_269 = vector.broadcast %sub3A : i32 to vector<16xi32>
      %sub3A_270 = arith.subi %get3A_266, %sub3A_269 : vector<16xi32>
      %and3A = arith.constant 32767 : i32
      %and3A_271 = vector.broadcast %and3A : i32 to vector<16xi32>
      %and3A_272 = arith.andi %get3A_266, %and3A_271 : vector<16xi32>
      %select_n3A = arith.select %ge3A_268, %sub3A_270, %and3A_272 : vector<16xi1>, vector<16xi32>
      %ge3A_273 = arith.constant 8480 : i32
      %ge3A_274 = vector.broadcast %ge3A_273 : i32 to vector<16xi32>
      %ge3A_275 = arith.cmpi sge, %select_n3A, %ge3A_274 : vector<16xi32>
      %sub3A_276 = arith.constant 8480 : i32
      %sub3A_277 = vector.broadcast %sub3A_276 : i32 to vector<16xi32>
      %sub3A_278 = arith.subi %select_n3A, %sub3A_277 : vector<16xi32>
      %select_n3A_279 = arith.select %ge3A_275, %sub3A_278, %select_n3A : vector<16xi1>, vector<16xi32>
      %and3A_280 = arith.constant 16383 : i32
      %and3A_281 = vector.broadcast %and3A_280 : i32 to vector<16xi32>
      %and3A_282 = arith.andi %select_n3A, %and3A_281 : vector<16xi32>
      %select_n3A_283 = arith.select %ge3A_268, %select_n3A_279, %and3A_282 : vector<16xi1>, vector<16xi32>
      %jit3A = arith.constant 1 : i32
      %jit3A_284 = arith.constant 0 : i32
      %broadcast_in_dim3A = vector.broadcast %jit3A : i32 to vector<16xi32>
      %broadcast_in_dim3A_285 = vector.broadcast %jit3A_284 : i32 to vector<16xi32>
      %select_n3A_286 = arith.select %ge3A_275, %broadcast_in_dim3A, %broadcast_in_dim3A_285 : vector<16xi1>, vector<16xi32>
      %shift_right_arithmetic3A = arith.constant 14 : i32
      %shift_right_arithmetic3A_287 = vector.broadcast %shift_right_arithmetic3A : i32 to vector<16xi32>
      %shift_right_arithmetic3A_288 = arith.shrsi %select_n3A, %shift_right_arithmetic3A_287 : vector<16xi32>
      %select_n3A_289 = arith.select %ge3A_268, %select_n3A_286, %shift_right_arithmetic3A_288 : vector<16xi1>, vector<16xi32>
      %sub3A_290 = arith.subi %get3A_266, %select_n3A : vector<16xi32>
      %mul3A_291 = arith.constant 2 : i32
      %mul3A_292 = vector.broadcast %mul3A_291 : i32 to vector<16xi32>
      %mul3A_293 = arith.muli %select_n3A_283, %mul3A_292 : vector<16xi32>
      %add3A_294 = arith.addi %sub3A_290, %mul3A_293 : vector<16xi32>
      %add3A_295 = arith.addi %add3A_294, %select_n3A_289 : vector<16xi32>
      %swap3A = arith.index_cast %add3A_264 : i32 to index
      %swap3A_296 = tpu.vector_load %arg6[%swap3A] {strides = array<i32>} : memref<5120xi32, #tpu.memory_space<vmem>>, vector<16xi32>,
      %swap3A_297 = vector.shape_cast %swap3A_296 : vector<16xi32> to vector<16xi32>
      %swap3A_298 = vector.shape_cast %add3A_295 : vector<16xi32> to vector<16xi32>
      tpu.vector_store %arg6[%swap3A], %swap3A_298 {strides = array<i32>} : memref<5120xi32, #tpu.memory_space<vmem>>, vector<16xi32>,
    }
    %scan3A_90 = arith.constant 32 : i32
    %dma_wait3A_91 = arith.constant 0 : i32
    %dma_wait3A_92 = tpu.memref_slice %arg4[%add3A_80, %dma_wait3A_91] : memref<163840x64xf32, #tpu.memory_space<hbm>> -> memref<512x64xf32, #tpu.memory_space<hbm>>
    %dma_wait3A_93 = arith.constant 0 : i32
    %dma_wait3A_94 = tpu.memref_slice %arg4[%add3A_80, %dma_wait3A_93] : memref<163840x64xf32, #tpu.memory_space<hbm>> -> memref<512x64xf32, #tpu.memory_space<hbm>>
    tpu.wait_dma2 semaphore(%arg11 : memref<!tpu.dma_semaphore, #tpu.memory_space<semaphore_mem>>) src(%arg7 : memref<512x64xf32, #tpu.memory_space<vmem>>) dst(%dma_wait3A_94 : memref<512x64xf32, #tpu.memory_space<hbm>>)
    %dma_start3A_95 = arith.constant 2048 : i32
    %dma_start3A_96 = tpu.memref_slice %arg6[%dma_start3A_95] : memref<5120xi32, #tpu.memory_space<vmem>> -> memref<512xi32, #tpu.memory_space<vmem>>
    %dma_start3A_97 = arith.constant 0 : i32
    %dma_start3A_98 = arith.constant 0 : i32
    %dma_start3A_99 = tpu.memref_slice %arg3[%dma_start3A_97, %dma_start3A_98] : memref<1000000x64xf32, #tpu.memory_space<hbm>> -> memref<1000000x64xf32, #tpu.memory_space<hbm>>
    tpu.enqueue_indirect_dma source(%dma_start3A_99 : memref<1000000x64xf32, #tpu.memory_space<hbm>>) target(%arg7 : memref<512x64xf32, #tpu.memory_space<vmem>>) offsets(%dma_start3A_96 : memref<512xi32, #tpu.memory_space<vmem>>) semaphore(%arg9 : memref<!tpu.dma_semaphore, #tpu.memory_space<semaphore_mem>>)
    %dma_wait3A_100 = arith.constant 1536 : i32
    %dma_wait3A_101 = tpu.memref_slice %arg6[%dma_wait3A_100] : memref<5120xi32, #tpu.memory_space<vmem>> -> memref<512xi32, #tpu.memory_space<vmem>>
    %dma_wait3A_102 = arith.constant 0 : i32
    %dma_wait3A_103 = arith.constant 0 : i32
    %dma_wait3A_104 = tpu.memref_slice %arg3[%dma_wait3A_102, %dma_wait3A_103] : memref<1000000x64xf32, #tpu.memory_space<hbm>> -> memref<1000000x64xf32, #tpu.memory_space<hbm>>
    tpu.wait_indirect_dma semaphore(%arg10 : memref<!tpu.dma_semaphore, #tpu.memory_space<semaphore_mem>>) src(%dma_wait3A_104 : memref<1000000x64xf32, #tpu.memory_space<hbm>>) dst(%arg8 : memref<512x64xf32, #tpu.memory_space<vmem>>)
    %add3A_105 = arith.constant 1536 : i32
    %add3A_106 = arith.addi %mul3A_2, %add3A_105 : i32
    %dma_start3A_107 = arith.constant 0 : i32
    %dma_start3A_108 = tpu.memref_slice %arg4[%add3A_106, %dma_start3A_107] : memref<163840x64xf32, #tpu.memory_space<hbm>> -> memref<512x64xf32, #tpu.memory_space<hbm>>
    %dma_start3A_109 = arith.constant 0 : i32
    %dma_start3A_110 = tpu.memref_slice %arg4[%add3A_106, %dma_start3A_109] : memref<163840x64xf32, #tpu.memory_space<hbm>> -> memref<512x64xf32, #tpu.memory_space<hbm>>
    tpu.enqueue_dma source(%arg8 : memref<512x64xf32, #tpu.memory_space<vmem>>) target(%dma_start3A_110 : memref<512x64xf32, #tpu.memory_space<hbm>>) target_semaphore(%arg12 : memref<!tpu.dma_semaphore, #tpu.memory_space<semaphore_mem>>)
    %scan3A_111 = arith.constant 0 : i32
    %scan3A_112 = arith.constant 0 : i32
    %scan3A_113 = arith.constant 32 : i32
    %scan3A_114 = arith.addi %scan3A_112, %scan3A_113 : i32
    %scan3A_115 = arith.constant 1 : i32
    scf.for %scan3A_260 = %scan3A_112 to %scan3A_114 step %scan3A_115  : i32 {
      %mul3A_261 = arith.constant 16 : i32
      %mul3A_262 = arith.muli %scan3A_260, %mul3A_261 : i32
      %add3A_263 = arith.constant 2560 : i32
      %add3A_264 = arith.addi %add3A_263, %mul3A_262 : i32
      %get3A = arith.index_cast %add3A_264 : i32 to index
      %get3A_265 = tpu.vector_load %arg5[%get3A] {strides = array<i32>} : memref<5120xi32, #tpu.memory_space<vmem>>, vector<16xi32>,
      %get3A_266 = vector.shape_cast %get3A_265 : vector<16xi32> to vector<16xi32>
      %ge3A = arith.constant 983040 : i32
      %ge3A_267 = vector.broadcast %ge3A : i32 to vector<16xi32>
      %ge3A_268 = arith.cmpi sge, %get3A_266, %ge3A_267 : vector<16xi32>
      %sub3A = arith.constant 983040 : i32
      %sub3A_269 = vector.broadcast %sub3A : i32 to vector<16xi32>
      %sub3A_270 = arith.subi %get3A_266, %sub3A_269 : vector<16xi32>
      %and3A = arith.constant 32767 : i32
      %and3A_271 = vector.broadcast %and3A : i32 to vector<16xi32>
      %and3A_272 = arith.andi %get3A_266, %and3A_271 : vector<16xi32>
      %select_n3A = arith.select %ge3A_268, %sub3A_270, %and3A_272 : vector<16xi1>, vector<16xi32>
      %ge3A_273 = arith.constant 8480 : i32
      %ge3A_274 = vector.broadcast %ge3A_273 : i32 to vector<16xi32>
      %ge3A_275 = arith.cmpi sge, %select_n3A, %ge3A_274 : vector<16xi32>
      %sub3A_276 = arith.constant 8480 : i32
      %sub3A_277 = vector.broadcast %sub3A_276 : i32 to vector<16xi32>
      %sub3A_278 = arith.subi %select_n3A, %sub3A_277 : vector<16xi32>
      %select_n3A_279 = arith.select %ge3A_275, %sub3A_278, %select_n3A : vector<16xi1>, vector<16xi32>
      %and3A_280 = arith.constant 16383 : i32
      %and3A_281 = vector.broadcast %and3A_280 : i32 to vector<16xi32>
      %and3A_282 = arith.andi %select_n3A, %and3A_281 : vector<16xi32>
      %select_n3A_283 = arith.select %ge3A_268, %select_n3A_279, %and3A_282 : vector<16xi1>, vector<16xi32>
      %jit3A = arith.constant 1 : i32
      %jit3A_284 = arith.constant 0 : i32
      %broadcast_in_dim3A = vector.broadcast %jit3A : i32 to vector<16xi32>
      %broadcast_in_dim3A_285 = vector.broadcast %jit3A_284 : i32 to vector<16xi32>
      %select_n3A_286 = arith.select %ge3A_275, %broadcast_in_dim3A, %broadcast_in_dim3A_285 : vector<16xi1>, vector<16xi32>
      %shift_right_arithmetic3A = arith.constant 14 : i32
      %shift_right_arithmetic3A_287 = vector.broadcast %shift_right_arithmetic3A : i32 to vector<16xi32>
      %shift_right_arithmetic3A_288 = arith.shrsi %select_n3A, %shift_right_arithmetic3A_287 : vector<16xi32>
      %select_n3A_289 = arith.select %ge3A_268, %select_n3A_286, %shift_right_arithmetic3A_288 : vector<16xi1>, vector<16xi32>
      %sub3A_290 = arith.subi %get3A_266, %select_n3A : vector<16xi32>
      %mul3A_291 = arith.constant 2 : i32
      %mul3A_292 = vector.broadcast %mul3A_291 : i32 to vector<16xi32>
      %mul3A_293 = arith.muli %select_n3A_283, %mul3A_292 : vector<16xi32>
      %add3A_294 = arith.addi %sub3A_290, %mul3A_293 : vector<16xi32>
      %add3A_295 = arith.addi %add3A_294, %select_n3A_289 : vector<16xi32>
      %swap3A = arith.index_cast %add3A_264 : i32 to index
      %swap3A_296 = tpu.vector_load %arg6[%swap3A] {strides = array<i32>} : memref<5120xi32, #tpu.memory_space<vmem>>, vector<16xi32>,
      %swap3A_297 = vector.shape_cast %swap3A_296 : vector<16xi32> to vector<16xi32>
      %swap3A_298 = vector.shape_cast %add3A_295 : vector<16xi32> to vector<16xi32>
      tpu.vector_store %arg6[%swap3A], %swap3A_298 {strides = array<i32>} : memref<5120xi32, #tpu.memory_space<vmem>>, vector<16xi32>,
    }
    %scan3A_116 = arith.constant 32 : i32
    %dma_wait3A_117 = arith.constant 0 : i32
    %dma_wait3A_118 = tpu.memref_slice %arg4[%add3A_106, %dma_wait3A_117] : memref<163840x64xf32, #tpu.memory_space<hbm>> -> memref<512x64xf32, #tpu.memory_space<hbm>>
    %dma_wait3A_119 = arith.constant 0 : i32
    %dma_wait3A_120 = tpu.memref_slice %arg4[%add3A_106, %dma_wait3A_119] : memref<163840x64xf32, #tpu.memory_space<hbm>> -> memref<512x64xf32, #tpu.memory_space<hbm>>
    tpu.wait_dma2 semaphore(%arg12 : memref<!tpu.dma_semaphore, #tpu.memory_space<semaphore_mem>>) src(%arg8 : memref<512x64xf32, #tpu.memory_space<vmem>>) dst(%dma_wait3A_120 : memref<512x64xf32, #tpu.memory_space<hbm>>)
    %dma_start3A_121 = arith.constant 2560 : i32
    %dma_start3A_122 = tpu.memref_slice %arg6[%dma_start3A_121] : memref<5120xi32, #tpu.memory_space<vmem>> -> memref<512xi32, #tpu.memory_space<vmem>>
    %dma_start3A_123 = arith.constant 0 : i32
    %dma_start3A_124 = arith.constant 0 : i32
    %dma_start3A_125 = tpu.memref_slice %arg3[%dma_start3A_123, %dma_start3A_124] : memref<1000000x64xf32, #tpu.memory_space<hbm>> -> memref<1000000x64xf32, #tpu.memory_space<hbm>>
    tpu.enqueue_indirect_dma source(%dma_start3A_125 : memref<1000000x64xf32, #tpu.memory_space<hbm>>) target(%arg8 : memref<512x64xf32, #tpu.memory_space<vmem>>) offsets(%dma_start3A_122 : memref<512xi32, #tpu.memory_space<vmem>>) semaphore(%arg10 : memref<!tpu.dma_semaphore, #tpu.memory_space<semaphore_mem>>)
    %dma_wait3A_126 = arith.constant 2048 : i32
    %dma_wait3A_127 = tpu.memref_slice %arg6[%dma_wait3A_126] : memref<5120xi32, #tpu.memory_space<vmem>> -> memref<512xi32, #tpu.memory_space<vmem>>
    %dma_wait3A_128 = arith.constant 0 : i32
    %dma_wait3A_129 = arith.constant 0 : i32
    %dma_wait3A_130 = tpu.memref_slice %arg3[%dma_wait3A_128, %dma_wait3A_129] : memref<1000000x64xf32, #tpu.memory_space<hbm>> -> memref<1000000x64xf32, #tpu.memory_space<hbm>>
    tpu.wait_indirect_dma semaphore(%arg9 : memref<!tpu.dma_semaphore, #tpu.memory_space<semaphore_mem>>) src(%dma_wait3A_130 : memref<1000000x64xf32, #tpu.memory_space<hbm>>) dst(%arg7 : memref<512x64xf32, #tpu.memory_space<vmem>>)
    %add3A_131 = arith.constant 2048 : i32
    %add3A_132 = arith.addi %mul3A_2, %add3A_131 : i32
    %dma_start3A_133 = arith.constant 0 : i32
    %dma_start3A_134 = tpu.memref_slice %arg4[%add3A_132, %dma_start3A_133] : memref<163840x64xf32, #tpu.memory_space<hbm>> -> memref<512x64xf32, #tpu.memory_space<hbm>>
    %dma_start3A_135 = arith.constant 0 : i32
    %dma_start3A_136 = tpu.memref_slice %arg4[%add3A_132, %dma_start3A_135] : memref<163840x64xf32, #tpu.memory_space<hbm>> -> memref<512x64xf32, #tpu.memory_space<hbm>>
    tpu.enqueue_dma source(%arg7 : memref<512x64xf32, #tpu.memory_space<vmem>>) target(%dma_start3A_136 : memref<512x64xf32, #tpu.memory_space<hbm>>) target_semaphore(%arg11 : memref<!tpu.dma_semaphore, #tpu.memory_space<semaphore_mem>>)
    %scan3A_137 = arith.constant 0 : i32
    %scan3A_138 = arith.constant 0 : i32
    %scan3A_139 = arith.constant 32 : i32
    %scan3A_140 = arith.addi %scan3A_138, %scan3A_139 : i32
    %scan3A_141 = arith.constant 1 : i32
    scf.for %scan3A_260 = %scan3A_138 to %scan3A_140 step %scan3A_141  : i32 {
      %mul3A_261 = arith.constant 16 : i32
      %mul3A_262 = arith.muli %scan3A_260, %mul3A_261 : i32
      %add3A_263 = arith.constant 3072 : i32
      %add3A_264 = arith.addi %add3A_263, %mul3A_262 : i32
      %get3A = arith.index_cast %add3A_264 : i32 to index
      %get3A_265 = tpu.vector_load %arg5[%get3A] {strides = array<i32>} : memref<5120xi32, #tpu.memory_space<vmem>>, vector<16xi32>,
      %get3A_266 = vector.shape_cast %get3A_265 : vector<16xi32> to vector<16xi32>
      %ge3A = arith.constant 983040 : i32
      %ge3A_267 = vector.broadcast %ge3A : i32 to vector<16xi32>
      %ge3A_268 = arith.cmpi sge, %get3A_266, %ge3A_267 : vector<16xi32>
      %sub3A = arith.constant 983040 : i32
      %sub3A_269 = vector.broadcast %sub3A : i32 to vector<16xi32>
      %sub3A_270 = arith.subi %get3A_266, %sub3A_269 : vector<16xi32>
      %and3A = arith.constant 32767 : i32
      %and3A_271 = vector.broadcast %and3A : i32 to vector<16xi32>
      %and3A_272 = arith.andi %get3A_266, %and3A_271 : vector<16xi32>
      %select_n3A = arith.select %ge3A_268, %sub3A_270, %and3A_272 : vector<16xi1>, vector<16xi32>
      %ge3A_273 = arith.constant 8480 : i32
      %ge3A_274 = vector.broadcast %ge3A_273 : i32 to vector<16xi32>
      %ge3A_275 = arith.cmpi sge, %select_n3A, %ge3A_274 : vector<16xi32>
      %sub3A_276 = arith.constant 8480 : i32
      %sub3A_277 = vector.broadcast %sub3A_276 : i32 to vector<16xi32>
      %sub3A_278 = arith.subi %select_n3A, %sub3A_277 : vector<16xi32>
      %select_n3A_279 = arith.select %ge3A_275, %sub3A_278, %select_n3A : vector<16xi1>, vector<16xi32>
      %and3A_280 = arith.constant 16383 : i32
      %and3A_281 = vector.broadcast %and3A_280 : i32 to vector<16xi32>
      %and3A_282 = arith.andi %select_n3A, %and3A_281 : vector<16xi32>
      %select_n3A_283 = arith.select %ge3A_268, %select_n3A_279, %and3A_282 : vector<16xi1>, vector<16xi32>
      %jit3A = arith.constant 1 : i32
      %jit3A_284 = arith.constant 0 : i32
      %broadcast_in_dim3A = vector.broadcast %jit3A : i32 to vector<16xi32>
      %broadcast_in_dim3A_285 = vector.broadcast %jit3A_284 : i32 to vector<16xi32>
      %select_n3A_286 = arith.select %ge3A_275, %broadcast_in_dim3A, %broadcast_in_dim3A_285 : vector<16xi1>, vector<16xi32>
      %shift_right_arithmetic3A = arith.constant 14 : i32
      %shift_right_arithmetic3A_287 = vector.broadcast %shift_right_arithmetic3A : i32 to vector<16xi32>
      %shift_right_arithmetic3A_288 = arith.shrsi %select_n3A, %shift_right_arithmetic3A_287 : vector<16xi32>
      %select_n3A_289 = arith.select %ge3A_268, %select_n3A_286, %shift_right_arithmetic3A_288 : vector<16xi1>, vector<16xi32>
      %sub3A_290 = arith.subi %get3A_266, %select_n3A : vector<16xi32>
      %mul3A_291 = arith.constant 2 : i32
      %mul3A_292 = vector.broadcast %mul3A_291 : i32 to vector<16xi32>
      %mul3A_293 = arith.muli %select_n3A_283, %mul3A_292 : vector<16xi32>
      %add3A_294 = arith.addi %sub3A_290, %mul3A_293 : vector<16xi32>
      %add3A_295 = arith.addi %add3A_294, %select_n3A_289 : vector<16xi32>
      %swap3A = arith.index_cast %add3A_264 : i32 to index
      %swap3A_296 = tpu.vector_load %arg6[%swap3A] {strides = array<i32>} : memref<5120xi32, #tpu.memory_space<vmem>>, vector<16xi32>,
      %swap3A_297 = vector.shape_cast %swap3A_296 : vector<16xi32> to vector<16xi32>
      %swap3A_298 = vector.shape_cast %add3A_295 : vector<16xi32> to vector<16xi32>
      tpu.vector_store %arg6[%swap3A], %swap3A_298 {strides = array<i32>} : memref<5120xi32, #tpu.memory_space<vmem>>, vector<16xi32>,
    }
    %scan3A_142 = arith.constant 32 : i32
    %dma_wait3A_143 = arith.constant 0 : i32
    %dma_wait3A_144 = tpu.memref_slice %arg4[%add3A_132, %dma_wait3A_143] : memref<163840x64xf32, #tpu.memory_space<hbm>> -> memref<512x64xf32, #tpu.memory_space<hbm>>
    %dma_wait3A_145 = arith.constant 0 : i32
    %dma_wait3A_146 = tpu.memref_slice %arg4[%add3A_132, %dma_wait3A_145] : memref<163840x64xf32, #tpu.memory_space<hbm>> -> memref<512x64xf32, #tpu.memory_space<hbm>>
    tpu.wait_dma2 semaphore(%arg11 : memref<!tpu.dma_semaphore, #tpu.memory_space<semaphore_mem>>) src(%arg7 : memref<512x64xf32, #tpu.memory_space<vmem>>) dst(%dma_wait3A_146 : memref<512x64xf32, #tpu.memory_space<hbm>>)
    %dma_start3A_147 = arith.constant 3072 : i32
    %dma_start3A_148 = tpu.memref_slice %arg6[%dma_start3A_147] : memref<5120xi32, #tpu.memory_space<vmem>> -> memref<512xi32, #tpu.memory_space<vmem>>
    %dma_start3A_149 = arith.constant 0 : i32
    %dma_start3A_150 = arith.constant 0 : i32
    %dma_start3A_151 = tpu.memref_slice %arg3[%dma_start3A_149, %dma_start3A_150] : memref<1000000x64xf32, #tpu.memory_space<hbm>> -> memref<1000000x64xf32, #tpu.memory_space<hbm>>
    tpu.enqueue_indirect_dma source(%dma_start3A_151 : memref<1000000x64xf32, #tpu.memory_space<hbm>>) target(%arg7 : memref<512x64xf32, #tpu.memory_space<vmem>>) offsets(%dma_start3A_148 : memref<512xi32, #tpu.memory_space<vmem>>) semaphore(%arg9 : memref<!tpu.dma_semaphore, #tpu.memory_space<semaphore_mem>>)
    %dma_wait3A_152 = arith.constant 2560 : i32
    %dma_wait3A_153 = tpu.memref_slice %arg6[%dma_wait3A_152] : memref<5120xi32, #tpu.memory_space<vmem>> -> memref<512xi32, #tpu.memory_space<vmem>>
    %dma_wait3A_154 = arith.constant 0 : i32
    %dma_wait3A_155 = arith.constant 0 : i32
    %dma_wait3A_156 = tpu.memref_slice %arg3[%dma_wait3A_154, %dma_wait3A_155] : memref<1000000x64xf32, #tpu.memory_space<hbm>> -> memref<1000000x64xf32, #tpu.memory_space<hbm>>
    tpu.wait_indirect_dma semaphore(%arg10 : memref<!tpu.dma_semaphore, #tpu.memory_space<semaphore_mem>>) src(%dma_wait3A_156 : memref<1000000x64xf32, #tpu.memory_space<hbm>>) dst(%arg8 : memref<512x64xf32, #tpu.memory_space<vmem>>)
    %add3A_157 = arith.constant 2560 : i32
    %add3A_158 = arith.addi %mul3A_2, %add3A_157 : i32
    %dma_start3A_159 = arith.constant 0 : i32
    %dma_start3A_160 = tpu.memref_slice %arg4[%add3A_158, %dma_start3A_159] : memref<163840x64xf32, #tpu.memory_space<hbm>> -> memref<512x64xf32, #tpu.memory_space<hbm>>
    %dma_start3A_161 = arith.constant 0 : i32
    %dma_start3A_162 = tpu.memref_slice %arg4[%add3A_158, %dma_start3A_161] : memref<163840x64xf32, #tpu.memory_space<hbm>> -> memref<512x64xf32, #tpu.memory_space<hbm>>
    tpu.enqueue_dma source(%arg8 : memref<512x64xf32, #tpu.memory_space<vmem>>) target(%dma_start3A_162 : memref<512x64xf32, #tpu.memory_space<hbm>>) target_semaphore(%arg12 : memref<!tpu.dma_semaphore, #tpu.memory_space<semaphore_mem>>)
    %scan3A_163 = arith.constant 0 : i32
    %scan3A_164 = arith.constant 0 : i32
    %scan3A_165 = arith.constant 32 : i32
    %scan3A_166 = arith.addi %scan3A_164, %scan3A_165 : i32
    %scan3A_167 = arith.constant 1 : i32
    scf.for %scan3A_260 = %scan3A_164 to %scan3A_166 step %scan3A_167  : i32 {
      %mul3A_261 = arith.constant 16 : i32
      %mul3A_262 = arith.muli %scan3A_260, %mul3A_261 : i32
      %add3A_263 = arith.constant 3584 : i32
      %add3A_264 = arith.addi %add3A_263, %mul3A_262 : i32
      %get3A = arith.index_cast %add3A_264 : i32 to index
      %get3A_265 = tpu.vector_load %arg5[%get3A] {strides = array<i32>} : memref<5120xi32, #tpu.memory_space<vmem>>, vector<16xi32>,
      %get3A_266 = vector.shape_cast %get3A_265 : vector<16xi32> to vector<16xi32>
      %ge3A = arith.constant 983040 : i32
      %ge3A_267 = vector.broadcast %ge3A : i32 to vector<16xi32>
      %ge3A_268 = arith.cmpi sge, %get3A_266, %ge3A_267 : vector<16xi32>
      %sub3A = arith.constant 983040 : i32
      %sub3A_269 = vector.broadcast %sub3A : i32 to vector<16xi32>
      %sub3A_270 = arith.subi %get3A_266, %sub3A_269 : vector<16xi32>
      %and3A = arith.constant 32767 : i32
      %and3A_271 = vector.broadcast %and3A : i32 to vector<16xi32>
      %and3A_272 = arith.andi %get3A_266, %and3A_271 : vector<16xi32>
      %select_n3A = arith.select %ge3A_268, %sub3A_270, %and3A_272 : vector<16xi1>, vector<16xi32>
      %ge3A_273 = arith.constant 8480 : i32
      %ge3A_274 = vector.broadcast %ge3A_273 : i32 to vector<16xi32>
      %ge3A_275 = arith.cmpi sge, %select_n3A, %ge3A_274 : vector<16xi32>
      %sub3A_276 = arith.constant 8480 : i32
      %sub3A_277 = vector.broadcast %sub3A_276 : i32 to vector<16xi32>
      %sub3A_278 = arith.subi %select_n3A, %sub3A_277 : vector<16xi32>
      %select_n3A_279 = arith.select %ge3A_275, %sub3A_278, %select_n3A : vector<16xi1>, vector<16xi32>
      %and3A_280 = arith.constant 16383 : i32
      %and3A_281 = vector.broadcast %and3A_280 : i32 to vector<16xi32>
      %and3A_282 = arith.andi %select_n3A, %and3A_281 : vector<16xi32>
      %select_n3A_283 = arith.select %ge3A_268, %select_n3A_279, %and3A_282 : vector<16xi1>, vector<16xi32>
      %jit3A = arith.constant 1 : i32
      %jit3A_284 = arith.constant 0 : i32
      %broadcast_in_dim3A = vector.broadcast %jit3A : i32 to vector<16xi32>
      %broadcast_in_dim3A_285 = vector.broadcast %jit3A_284 : i32 to vector<16xi32>
      %select_n3A_286 = arith.select %ge3A_275, %broadcast_in_dim3A, %broadcast_in_dim3A_285 : vector<16xi1>, vector<16xi32>
      %shift_right_arithmetic3A = arith.constant 14 : i32
      %shift_right_arithmetic3A_287 = vector.broadcast %shift_right_arithmetic3A : i32 to vector<16xi32>
      %shift_right_arithmetic3A_288 = arith.shrsi %select_n3A, %shift_right_arithmetic3A_287 : vector<16xi32>
      %select_n3A_289 = arith.select %ge3A_268, %select_n3A_286, %shift_right_arithmetic3A_288 : vector<16xi1>, vector<16xi32>
      %sub3A_290 = arith.subi %get3A_266, %select_n3A : vector<16xi32>
      %mul3A_291 = arith.constant 2 : i32
      %mul3A_292 = vector.broadcast %mul3A_291 : i32 to vector<16xi32>
      %mul3A_293 = arith.muli %select_n3A_283, %mul3A_292 : vector<16xi32>
      %add3A_294 = arith.addi %sub3A_290, %mul3A_293 : vector<16xi32>
      %add3A_295 = arith.addi %add3A_294, %select_n3A_289 : vector<16xi32>
      %swap3A = arith.index_cast %add3A_264 : i32 to index
      %swap3A_296 = tpu.vector_load %arg6[%swap3A] {strides = array<i32>} : memref<5120xi32, #tpu.memory_space<vmem>>, vector<16xi32>,
      %swap3A_297 = vector.shape_cast %swap3A_296 : vector<16xi32> to vector<16xi32>
      %swap3A_298 = vector.shape_cast %add3A_295 : vector<16xi32> to vector<16xi32>
      tpu.vector_store %arg6[%swap3A], %swap3A_298 {strides = array<i32>} : memref<5120xi32, #tpu.memory_space<vmem>>, vector<16xi32>,
    }
    %scan3A_168 = arith.constant 32 : i32
    %dma_wait3A_169 = arith.constant 0 : i32
    %dma_wait3A_170 = tpu.memref_slice %arg4[%add3A_158, %dma_wait3A_169] : memref<163840x64xf32, #tpu.memory_space<hbm>> -> memref<512x64xf32, #tpu.memory_space<hbm>>
    %dma_wait3A_171 = arith.constant 0 : i32
    %dma_wait3A_172 = tpu.memref_slice %arg4[%add3A_158, %dma_wait3A_171] : memref<163840x64xf32, #tpu.memory_space<hbm>> -> memref<512x64xf32, #tpu.memory_space<hbm>>
    tpu.wait_dma2 semaphore(%arg12 : memref<!tpu.dma_semaphore, #tpu.memory_space<semaphore_mem>>) src(%arg8 : memref<512x64xf32, #tpu.memory_space<vmem>>) dst(%dma_wait3A_172 : memref<512x64xf32, #tpu.memory_space<hbm>>)
    %dma_start3A_173 = arith.constant 3584 : i32
    %dma_start3A_174 = tpu.memref_slice %arg6[%dma_start3A_173] : memref<5120xi32, #tpu.memory_space<vmem>> -> memref<512xi32, #tpu.memory_space<vmem>>
    %dma_start3A_175 = arith.constant 0 : i32
    %dma_start3A_176 = arith.constant 0 : i32
    %dma_start3A_177 = tpu.memref_slice %arg3[%dma_start3A_175, %dma_start3A_176] : memref<1000000x64xf32, #tpu.memory_space<hbm>> -> memref<1000000x64xf32, #tpu.memory_space<hbm>>
    tpu.enqueue_indirect_dma source(%dma_start3A_177 : memref<1000000x64xf32, #tpu.memory_space<hbm>>) target(%arg8 : memref<512x64xf32, #tpu.memory_space<vmem>>) offsets(%dma_start3A_174 : memref<512xi32, #tpu.memory_space<vmem>>) semaphore(%arg10 : memref<!tpu.dma_semaphore, #tpu.memory_space<semaphore_mem>>)
    %dma_wait3A_178 = arith.constant 3072 : i32
    %dma_wait3A_179 = tpu.memref_slice %arg6[%dma_wait3A_178] : memref<5120xi32, #tpu.memory_space<vmem>> -> memref<512xi32, #tpu.memory_space<vmem>>
    %dma_wait3A_180 = arith.constant 0 : i32
    %dma_wait3A_181 = arith.constant 0 : i32
    %dma_wait3A_182 = tpu.memref_slice %arg3[%dma_wait3A_180, %dma_wait3A_181] : memref<1000000x64xf32, #tpu.memory_space<hbm>> -> memref<1000000x64xf32, #tpu.memory_space<hbm>>
    tpu.wait_indirect_dma semaphore(%arg9 : memref<!tpu.dma_semaphore, #tpu.memory_space<semaphore_mem>>) src(%dma_wait3A_182 : memref<1000000x64xf32, #tpu.memory_space<hbm>>) dst(%arg7 : memref<512x64xf32, #tpu.memory_space<vmem>>)
    %add3A_183 = arith.constant 3072 : i32
    %add3A_184 = arith.addi %mul3A_2, %add3A_183 : i32
    %dma_start3A_185 = arith.constant 0 : i32
    %dma_start3A_186 = tpu.memref_slice %arg4[%add3A_184, %dma_start3A_185] : memref<163840x64xf32, #tpu.memory_space<hbm>> -> memref<512x64xf32, #tpu.memory_space<hbm>>
    %dma_start3A_187 = arith.constant 0 : i32
    %dma_start3A_188 = tpu.memref_slice %arg4[%add3A_184, %dma_start3A_187] : memref<163840x64xf32, #tpu.memory_space<hbm>> -> memref<512x64xf32, #tpu.memory_space<hbm>>
    tpu.enqueue_dma source(%arg7 : memref<512x64xf32, #tpu.memory_space<vmem>>) target(%dma_start3A_188 : memref<512x64xf32, #tpu.memory_space<hbm>>) target_semaphore(%arg11 : memref<!tpu.dma_semaphore, #tpu.memory_space<semaphore_mem>>)
    %scan3A_189 = arith.constant 0 : i32
    %scan3A_190 = arith.constant 0 : i32
    %scan3A_191 = arith.constant 32 : i32
    %scan3A_192 = arith.addi %scan3A_190, %scan3A_191 : i32
    %scan3A_193 = arith.constant 1 : i32
    scf.for %scan3A_260 = %scan3A_190 to %scan3A_192 step %scan3A_193  : i32 {
      %mul3A_261 = arith.constant 16 : i32
      %mul3A_262 = arith.muli %scan3A_260, %mul3A_261 : i32
      %add3A_263 = arith.constant 4096 : i32
      %add3A_264 = arith.addi %add3A_263, %mul3A_262 : i32
      %get3A = arith.index_cast %add3A_264 : i32 to index
      %get3A_265 = tpu.vector_load %arg5[%get3A] {strides = array<i32>} : memref<5120xi32, #tpu.memory_space<vmem>>, vector<16xi32>,
      %get3A_266 = vector.shape_cast %get3A_265 : vector<16xi32> to vector<16xi32>
      %ge3A = arith.constant 983040 : i32
      %ge3A_267 = vector.broadcast %ge3A : i32 to vector<16xi32>
      %ge3A_268 = arith.cmpi sge, %get3A_266, %ge3A_267 : vector<16xi32>
      %sub3A = arith.constant 983040 : i32
      %sub3A_269 = vector.broadcast %sub3A : i32 to vector<16xi32>
      %sub3A_270 = arith.subi %get3A_266, %sub3A_269 : vector<16xi32>
      %and3A = arith.constant 32767 : i32
      %and3A_271 = vector.broadcast %and3A : i32 to vector<16xi32>
      %and3A_272 = arith.andi %get3A_266, %and3A_271 : vector<16xi32>
      %select_n3A = arith.select %ge3A_268, %sub3A_270, %and3A_272 : vector<16xi1>, vector<16xi32>
      %ge3A_273 = arith.constant 8480 : i32
      %ge3A_274 = vector.broadcast %ge3A_273 : i32 to vector<16xi32>
      %ge3A_275 = arith.cmpi sge, %select_n3A, %ge3A_274 : vector<16xi32>
      %sub3A_276 = arith.constant 8480 : i32
      %sub3A_277 = vector.broadcast %sub3A_276 : i32 to vector<16xi32>
      %sub3A_278 = arith.subi %select_n3A, %sub3A_277 : vector<16xi32>
      %select_n3A_279 = arith.select %ge3A_275, %sub3A_278, %select_n3A : vector<16xi1>, vector<16xi32>
      %and3A_280 = arith.constant 16383 : i32
      %and3A_281 = vector.broadcast %and3A_280 : i32 to vector<16xi32>
      %and3A_282 = arith.andi %select_n3A, %and3A_281 : vector<16xi32>
      %select_n3A_283 = arith.select %ge3A_268, %select_n3A_279, %and3A_282 : vector<16xi1>, vector<16xi32>
      %jit3A = arith.constant 1 : i32
      %jit3A_284 = arith.constant 0 : i32
      %broadcast_in_dim3A = vector.broadcast %jit3A : i32 to vector<16xi32>
      %broadcast_in_dim3A_285 = vector.broadcast %jit3A_284 : i32 to vector<16xi32>
      %select_n3A_286 = arith.select %ge3A_275, %broadcast_in_dim3A, %broadcast_in_dim3A_285 : vector<16xi1>, vector<16xi32>
      %shift_right_arithmetic3A = arith.constant 14 : i32
      %shift_right_arithmetic3A_287 = vector.broadcast %shift_right_arithmetic3A : i32 to vector<16xi32>
      %shift_right_arithmetic3A_288 = arith.shrsi %select_n3A, %shift_right_arithmetic3A_287 : vector<16xi32>
      %select_n3A_289 = arith.select %ge3A_268, %select_n3A_286, %shift_right_arithmetic3A_288 : vector<16xi1>, vector<16xi32>
      %sub3A_290 = arith.subi %get3A_266, %select_n3A : vector<16xi32>
      %mul3A_291 = arith.constant 2 : i32
      %mul3A_292 = vector.broadcast %mul3A_291 : i32 to vector<16xi32>
      %mul3A_293 = arith.muli %select_n3A_283, %mul3A_292 : vector<16xi32>
      %add3A_294 = arith.addi %sub3A_290, %mul3A_293 : vector<16xi32>
      %add3A_295 = arith.addi %add3A_294, %select_n3A_289 : vector<16xi32>
      %swap3A = arith.index_cast %add3A_264 : i32 to index
      %swap3A_296 = tpu.vector_load %arg6[%swap3A] {strides = array<i32>} : memref<5120xi32, #tpu.memory_space<vmem>>, vector<16xi32>,
      %swap3A_297 = vector.shape_cast %swap3A_296 : vector<16xi32> to vector<16xi32>
      %swap3A_298 = vector.shape_cast %add3A_295 : vector<16xi32> to vector<16xi32>
      tpu.vector_store %arg6[%swap3A], %swap3A_298 {strides = array<i32>} : memref<5120xi32, #tpu.memory_space<vmem>>, vector<16xi32>,
    }
    %scan3A_194 = arith.constant 32 : i32
    %dma_wait3A_195 = arith.constant 0 : i32
    %dma_wait3A_196 = tpu.memref_slice %arg4[%add3A_184, %dma_wait3A_195] : memref<163840x64xf32, #tpu.memory_space<hbm>> -> memref<512x64xf32, #tpu.memory_space<hbm>>
    %dma_wait3A_197 = arith.constant 0 : i32
    %dma_wait3A_198 = tpu.memref_slice %arg4[%add3A_184, %dma_wait3A_197] : memref<163840x64xf32, #tpu.memory_space<hbm>> -> memref<512x64xf32, #tpu.memory_space<hbm>>
    tpu.wait_dma2 semaphore(%arg11 : memref<!tpu.dma_semaphore, #tpu.memory_space<semaphore_mem>>) src(%arg7 : memref<512x64xf32, #tpu.memory_space<vmem>>) dst(%dma_wait3A_198 : memref<512x64xf32, #tpu.memory_space<hbm>>)
    %dma_start3A_199 = arith.constant 4096 : i32
    %dma_start3A_200 = tpu.memref_slice %arg6[%dma_start3A_199] : memref<5120xi32, #tpu.memory_space<vmem>> -> memref<512xi32, #tpu.memory_space<vmem>>
    %dma_start3A_201 = arith.constant 0 : i32
    %dma_start3A_202 = arith.constant 0 : i32
    %dma_start3A_203 = tpu.memref_slice %arg3[%dma_start3A_201, %dma_start3A_202] : memref<1000000x64xf32, #tpu.memory_space<hbm>> -> memref<1000000x64xf32, #tpu.memory_space<hbm>>
    tpu.enqueue_indirect_dma source(%dma_start3A_203 : memref<1000000x64xf32, #tpu.memory_space<hbm>>) target(%arg7 : memref<512x64xf32, #tpu.memory_space<vmem>>) offsets(%dma_start3A_200 : memref<512xi32, #tpu.memory_space<vmem>>) semaphore(%arg9 : memref<!tpu.dma_semaphore, #tpu.memory_space<semaphore_mem>>)
    %dma_wait3A_204 = arith.constant 3584 : i32
    %dma_wait3A_205 = tpu.memref_slice %arg6[%dma_wait3A_204] : memref<5120xi32, #tpu.memory_space<vmem>> -> memref<512xi32, #tpu.memory_space<vmem>>
    %dma_wait3A_206 = arith.constant 0 : i32
    %dma_wait3A_207 = arith.constant 0 : i32
    %dma_wait3A_208 = tpu.memref_slice %arg3[%dma_wait3A_206, %dma_wait3A_207] : memref<1000000x64xf32, #tpu.memory_space<hbm>> -> memref<1000000x64xf32, #tpu.memory_space<hbm>>
    tpu.wait_indirect_dma semaphore(%arg10 : memref<!tpu.dma_semaphore, #tpu.memory_space<semaphore_mem>>) src(%dma_wait3A_208 : memref<1000000x64xf32, #tpu.memory_space<hbm>>) dst(%arg8 : memref<512x64xf32, #tpu.memory_space<vmem>>)
    %add3A_209 = arith.constant 3584 : i32
    %add3A_210 = arith.addi %mul3A_2, %add3A_209 : i32
    %dma_start3A_211 = arith.constant 0 : i32
    %dma_start3A_212 = tpu.memref_slice %arg4[%add3A_210, %dma_start3A_211] : memref<163840x64xf32, #tpu.memory_space<hbm>> -> memref<512x64xf32, #tpu.memory_space<hbm>>
    %dma_start3A_213 = arith.constant 0 : i32
    %dma_start3A_214 = tpu.memref_slice %arg4[%add3A_210, %dma_start3A_213] : memref<163840x64xf32, #tpu.memory_space<hbm>> -> memref<512x64xf32, #tpu.memory_space<hbm>>
    tpu.enqueue_dma source(%arg8 : memref<512x64xf32, #tpu.memory_space<vmem>>) target(%dma_start3A_214 : memref<512x64xf32, #tpu.memory_space<hbm>>) target_semaphore(%arg12 : memref<!tpu.dma_semaphore, #tpu.memory_space<semaphore_mem>>)
    %scan3A_215 = arith.constant 0 : i32
    %scan3A_216 = arith.constant 0 : i32
    %scan3A_217 = arith.constant 32 : i32
    %scan3A_218 = arith.addi %scan3A_216, %scan3A_217 : i32
    %scan3A_219 = arith.constant 1 : i32
    scf.for %scan3A_260 = %scan3A_216 to %scan3A_218 step %scan3A_219  : i32 {
      %mul3A_261 = arith.constant 16 : i32
      %mul3A_262 = arith.muli %scan3A_260, %mul3A_261 : i32
      %add3A_263 = arith.constant 4608 : i32
      %add3A_264 = arith.addi %add3A_263, %mul3A_262 : i32
      %get3A = arith.index_cast %add3A_264 : i32 to index
      %get3A_265 = tpu.vector_load %arg5[%get3A] {strides = array<i32>} : memref<5120xi32, #tpu.memory_space<vmem>>, vector<16xi32>,
      %get3A_266 = vector.shape_cast %get3A_265 : vector<16xi32> to vector<16xi32>
      %ge3A = arith.constant 983040 : i32
      %ge3A_267 = vector.broadcast %ge3A : i32 to vector<16xi32>
      %ge3A_268 = arith.cmpi sge, %get3A_266, %ge3A_267 : vector<16xi32>
      %sub3A = arith.constant 983040 : i32
      %sub3A_269 = vector.broadcast %sub3A : i32 to vector<16xi32>
      %sub3A_270 = arith.subi %get3A_266, %sub3A_269 : vector<16xi32>
      %and3A = arith.constant 32767 : i32
      %and3A_271 = vector.broadcast %and3A : i32 to vector<16xi32>
      %and3A_272 = arith.andi %get3A_266, %and3A_271 : vector<16xi32>
      %select_n3A = arith.select %ge3A_268, %sub3A_270, %and3A_272 : vector<16xi1>, vector<16xi32>
      %ge3A_273 = arith.constant 8480 : i32
      %ge3A_274 = vector.broadcast %ge3A_273 : i32 to vector<16xi32>
      %ge3A_275 = arith.cmpi sge, %select_n3A, %ge3A_274 : vector<16xi32>
      %sub3A_276 = arith.constant 8480 : i32
      %sub3A_277 = vector.broadcast %sub3A_276 : i32 to vector<16xi32>
      %sub3A_278 = arith.subi %select_n3A, %sub3A_277 : vector<16xi32>
      %select_n3A_279 = arith.select %ge3A_275, %sub3A_278, %select_n3A : vector<16xi1>, vector<16xi32>
      %and3A_280 = arith.constant 16383 : i32
      %and3A_281 = vector.broadcast %and3A_280 : i32 to vector<16xi32>
      %and3A_282 = arith.andi %select_n3A, %and3A_281 : vector<16xi32>
      %select_n3A_283 = arith.select %ge3A_268, %select_n3A_279, %and3A_282 : vector<16xi1>, vector<16xi32>
      %jit3A = arith.constant 1 : i32
      %jit3A_284 = arith.constant 0 : i32
      %broadcast_in_dim3A = vector.broadcast %jit3A : i32 to vector<16xi32>
      %broadcast_in_dim3A_285 = vector.broadcast %jit3A_284 : i32 to vector<16xi32>
      %select_n3A_286 = arith.select %ge3A_275, %broadcast_in_dim3A, %broadcast_in_dim3A_285 : vector<16xi1>, vector<16xi32>
      %shift_right_arithmetic3A = arith.constant 14 : i32
      %shift_right_arithmetic3A_287 = vector.broadcast %shift_right_arithmetic3A : i32 to vector<16xi32>
      %shift_right_arithmetic3A_288 = arith.shrsi %select_n3A, %shift_right_arithmetic3A_287 : vector<16xi32>
      %select_n3A_289 = arith.select %ge3A_268, %select_n3A_286, %shift_right_arithmetic3A_288 : vector<16xi1>, vector<16xi32>
      %sub3A_290 = arith.subi %get3A_266, %select_n3A : vector<16xi32>
      %mul3A_291 = arith.constant 2 : i32
      %mul3A_292 = vector.broadcast %mul3A_291 : i32 to vector<16xi32>
      %mul3A_293 = arith.muli %select_n3A_283, %mul3A_292 : vector<16xi32>
      %add3A_294 = arith.addi %sub3A_290, %mul3A_293 : vector<16xi32>
      %add3A_295 = arith.addi %add3A_294, %select_n3A_289 : vector<16xi32>
      %swap3A = arith.index_cast %add3A_264 : i32 to index
      %swap3A_296 = tpu.vector_load %arg6[%swap3A] {strides = array<i32>} : memref<5120xi32, #tpu.memory_space<vmem>>, vector<16xi32>,
      %swap3A_297 = vector.shape_cast %swap3A_296 : vector<16xi32> to vector<16xi32>
      %swap3A_298 = vector.shape_cast %add3A_295 : vector<16xi32> to vector<16xi32>
      tpu.vector_store %arg6[%swap3A], %swap3A_298 {strides = array<i32>} : memref<5120xi32, #tpu.memory_space<vmem>>, vector<16xi32>,
    }
    %scan3A_220 = arith.constant 32 : i32
    %dma_wait3A_221 = arith.constant 0 : i32
    %dma_wait3A_222 = tpu.memref_slice %arg4[%add3A_210, %dma_wait3A_221] : memref<163840x64xf32, #tpu.memory_space<hbm>> -> memref<512x64xf32, #tpu.memory_space<hbm>>
    %dma_wait3A_223 = arith.constant 0 : i32
    %dma_wait3A_224 = tpu.memref_slice %arg4[%add3A_210, %dma_wait3A_223] : memref<163840x64xf32, #tpu.memory_space<hbm>> -> memref<512x64xf32, #tpu.memory_space<hbm>>
    tpu.wait_dma2 semaphore(%arg12 : memref<!tpu.dma_semaphore, #tpu.memory_space<semaphore_mem>>) src(%arg8 : memref<512x64xf32, #tpu.memory_space<vmem>>) dst(%dma_wait3A_224 : memref<512x64xf32, #tpu.memory_space<hbm>>)
    %dma_start3A_225 = arith.constant 4608 : i32
    %dma_start3A_226 = tpu.memref_slice %arg6[%dma_start3A_225] : memref<5120xi32, #tpu.memory_space<vmem>> -> memref<512xi32, #tpu.memory_space<vmem>>
    %dma_start3A_227 = arith.constant 0 : i32
    %dma_start3A_228 = arith.constant 0 : i32
    %dma_start3A_229 = tpu.memref_slice %arg3[%dma_start3A_227, %dma_start3A_228] : memref<1000000x64xf32, #tpu.memory_space<hbm>> -> memref<1000000x64xf32, #tpu.memory_space<hbm>>
    tpu.enqueue_indirect_dma source(%dma_start3A_229 : memref<1000000x64xf32, #tpu.memory_space<hbm>>) target(%arg8 : memref<512x64xf32, #tpu.memory_space<vmem>>) offsets(%dma_start3A_226 : memref<512xi32, #tpu.memory_space<vmem>>) semaphore(%arg10 : memref<!tpu.dma_semaphore, #tpu.memory_space<semaphore_mem>>)
    %dma_wait3A_230 = arith.constant 4096 : i32
    %dma_wait3A_231 = tpu.memref_slice %arg6[%dma_wait3A_230] : memref<5120xi32, #tpu.memory_space<vmem>> -> memref<512xi32, #tpu.memory_space<vmem>>
    %dma_wait3A_232 = arith.constant 0 : i32
    %dma_wait3A_233 = arith.constant 0 : i32
    %dma_wait3A_234 = tpu.memref_slice %arg3[%dma_wait3A_232, %dma_wait3A_233] : memref<1000000x64xf32, #tpu.memory_space<hbm>> -> memref<1000000x64xf32, #tpu.memory_space<hbm>>
    tpu.wait_indirect_dma semaphore(%arg9 : memref<!tpu.dma_semaphore, #tpu.memory_space<semaphore_mem>>) src(%dma_wait3A_234 : memref<1000000x64xf32, #tpu.memory_space<hbm>>) dst(%arg7 : memref<512x64xf32, #tpu.memory_space<vmem>>)
    %add3A_235 = arith.constant 4096 : i32
    %add3A_236 = arith.addi %mul3A_2, %add3A_235 : i32
    %dma_start3A_237 = arith.constant 0 : i32
    %dma_start3A_238 = tpu.memref_slice %arg4[%add3A_236, %dma_start3A_237] : memref<163840x64xf32, #tpu.memory_space<hbm>> -> memref<512x64xf32, #tpu.memory_space<hbm>>
    %dma_start3A_239 = arith.constant 0 : i32
    %dma_start3A_240 = tpu.memref_slice %arg4[%add3A_236, %dma_start3A_239] : memref<163840x64xf32, #tpu.memory_space<hbm>> -> memref<512x64xf32, #tpu.memory_space<hbm>>
    tpu.enqueue_dma source(%arg7 : memref<512x64xf32, #tpu.memory_space<vmem>>) target(%dma_start3A_240 : memref<512x64xf32, #tpu.memory_space<hbm>>) target_semaphore(%arg11 : memref<!tpu.dma_semaphore, #tpu.memory_space<semaphore_mem>>)
    %dma_wait3A_241 = arith.constant 4608 : i32
    %dma_wait3A_242 = tpu.memref_slice %arg6[%dma_wait3A_241] : memref<5120xi32, #tpu.memory_space<vmem>> -> memref<512xi32, #tpu.memory_space<vmem>>
    %dma_wait3A_243 = arith.constant 0 : i32
    %dma_wait3A_244 = arith.constant 0 : i32
    %dma_wait3A_245 = tpu.memref_slice %arg3[%dma_wait3A_243, %dma_wait3A_244] : memref<1000000x64xf32, #tpu.memory_space<hbm>> -> memref<1000000x64xf32, #tpu.memory_space<hbm>>
    tpu.wait_indirect_dma semaphore(%arg10 : memref<!tpu.dma_semaphore, #tpu.memory_space<semaphore_mem>>) src(%dma_wait3A_245 : memref<1000000x64xf32, #tpu.memory_space<hbm>>) dst(%arg8 : memref<512x64xf32, #tpu.memory_space<vmem>>)
    %add3A_246 = arith.constant 4608 : i32
    %add3A_247 = arith.addi %mul3A_2, %add3A_246 : i32
    %dma_start3A_248 = arith.constant 0 : i32
    %dma_start3A_249 = tpu.memref_slice %arg4[%add3A_247, %dma_start3A_248] : memref<163840x64xf32, #tpu.memory_space<hbm>> -> memref<512x64xf32, #tpu.memory_space<hbm>>
    %dma_start3A_250 = arith.constant 0 : i32
    %dma_start3A_251 = tpu.memref_slice %arg4[%add3A_247, %dma_start3A_250] : memref<163840x64xf32, #tpu.memory_space<hbm>> -> memref<512x64xf32, #tpu.memory_space<hbm>>
    tpu.enqueue_dma source(%arg8 : memref<512x64xf32, #tpu.memory_space<vmem>>) target(%dma_start3A_251 : memref<512x64xf32, #tpu.memory_space<hbm>>) target_semaphore(%arg12 : memref<!tpu.dma_semaphore, #tpu.memory_space<semaphore_mem>>)
    %dma_wait3A_252 = arith.constant 0 : i32
    %dma_wait3A_253 = tpu.memref_slice %arg4[%add3A_236, %dma_wait3A_252] : memref<163840x64xf32, #tpu.memory_space<hbm>> -> memref<512x64xf32, #tpu.memory_space<hbm>>
    %dma_wait3A_254 = arith.constant 0 : i32
    %dma_wait3A_255 = tpu.memref_slice %arg4[%add3A_236, %dma_wait3A_254] : memref<163840x64xf32, #tpu.memory_space<hbm>> -> memref<512x64xf32, #tpu.memory_space<hbm>>
    tpu.wait_dma2 semaphore(%arg11 : memref<!tpu.dma_semaphore, #tpu.memory_space<semaphore_mem>>) src(%arg7 : memref<512x64xf32, #tpu.memory_space<vmem>>) dst(%dma_wait3A_255 : memref<512x64xf32, #tpu.memory_space<hbm>>)
    %dma_wait3A_256 = arith.constant 0 : i32
    %dma_wait3A_257 = tpu.memref_slice %arg4[%add3A_247, %dma_wait3A_256] : memref<163840x64xf32, #tpu.memory_space<hbm>> -> memref<512x64xf32, #tpu.memory_space<hbm>>
    %dma_wait3A_258 = arith.constant 0 : i32
    %dma_wait3A_259 = tpu.memref_slice %arg4[%add3A_247, %dma_wait3A_258] : memref<163840x64xf32, #tpu.memory_space<hbm>> -> memref<512x64xf32, #tpu.memory_space<hbm>>
    tpu.wait_dma2 semaphore(%arg12 : memref<!tpu.dma_semaphore, #tpu.memory_space<semaphore_mem>>) src(%arg8 : memref<512x64xf32, #tpu.memory_space<vmem>>) dst(%dma_wait3A_259 : memref<512x64xf32, #tpu.memory_space<hbm>>)
    return
  }
}

module attributes {stable_mosaic.version = 14 : i64} {
  func.func @_transpose_body(%arg0: i32, %arg1: memref<64x32768xf32, #tpu.memory_space<vmem>>, %arg2: memref<2097152xf32, #tpu.memory_space<vmem>>) attributes {dimension_semantics = [#tpu.dimension_semantics<arbitrary>], iteration_bounds = array<i64: 31>, scalar_prefetch = 0 : i64, scratch_operands = 0 : i64, tpu.core_type = #tpu.core_type<tc>, window_params = [{transform_indices = @transform_0, window_bounds = array<i64: 64, 32768>}, {transform_indices = @transform_1, window_bounds = array<i64: 2097152>}]} {
    %get3A = arith.constant 0 : index
    %get3A_0 = arith.constant 0 : index
    %get3A_1 = vector.load %arg1[%get3A, %get3A_0] : memref<64x32768xf32, #tpu.memory_space<vmem>>, vector<64x32768xf32>
    %lt3A = arith.constant 30 : i32
    %lt3A_2 = arith.cmpi slt, %arg0, %lt3A : i32
    %convert_element_type3A = arith.extui %lt3A_2 : i1 to i32
    %cond3A = arith.constant 0 : i32
    %cond3A_3 = arith.cmpi ne, %convert_element_type3A, %cond3A : i32
    scf.if %cond3A_3 {
      %slice3A = vector.extract_strided_slice %get3A_1 {offsets = [0, 0], sizes = [64, 16384], strides = [1, 1]} : vector<64x32768xf32> to vector<64x16384xf32>
      %transpose3A = tpu.transpose %slice3A, [1, 0] : vector<64x16384xf32> -> vector<16384x64xf32>
      %slice3A_8 = vector.extract_strided_slice %get3A_1 {offsets = [0, 16384], sizes = [64, 16384], strides = [1, 1]} : vector<64x32768xf32> to vector<64x16384xf32>
      %transpose3A_9 = tpu.transpose %slice3A_8, [1, 0] : vector<64x16384xf32> -> vector<16384x64xf32>
      %concatenate3A = tpu.concatenate %transpose3A, %transpose3A_9 in 1 : vector<16384x64xf32>, vector<16384x64xf32> -> vector<16384x128xf32>
      %reshape3A = vector.shape_cast %concatenate3A : vector<16384x128xf32> to vector<2097152xf32>
      %swap3A = arith.constant 0 : index
      %swap3A_10 = vector.load %arg2[%swap3A] : memref<2097152xf32, #tpu.memory_space<vmem>>, vector<2097152xf32>
      tpu.vector_store %arg2[%swap3A], %reshape3A {strides = array<i32>} : memref<2097152xf32, #tpu.memory_space<vmem>>, vector<2097152xf32>,
    } else {
    }
    %eq3A = arith.constant 30 : i32
    %eq3A_4 = arith.cmpi eq, %arg0, %eq3A : i32
    %convert_element_type3A_5 = arith.extui %eq3A_4 : i1 to i32
    %cond3A_6 = arith.constant 0 : i32
    %cond3A_7 = arith.cmpi ne, %convert_element_type3A_5, %cond3A_6 : i32
    scf.if %cond3A_7 {
      %slice3A = vector.extract_strided_slice %get3A_1 {offsets = [0, 0], sizes = [64, 8480], strides = [1, 1]} : vector<64x32768xf32> to vector<64x8480xf32>
      %transpose3A = tpu.transpose %slice3A, [1, 0] : vector<64x8480xf32> -> vector<8480x64xf32>
      %slice3A_8 = vector.extract_strided_slice %get3A_1 {offsets = [0, 8480], sizes = [64, 8480], strides = [1, 1]} : vector<64x32768xf32> to vector<64x8480xf32>
      %transpose3A_9 = tpu.transpose %slice3A_8, [1, 0] : vector<64x8480xf32> -> vector<8480x64xf32>
      %concatenate3A = tpu.concatenate %transpose3A, %transpose3A_9 in 1 : vector<8480x64xf32>, vector<8480x64xf32> -> vector<8480x128xf32>
      %reshape3A = vector.shape_cast %concatenate3A : vector<8480x128xf32> to vector<1085440xf32>
      %swap3A = arith.constant 0 : index
      %swap3A_10 = vector.load %arg2[%swap3A] : memref<2097152xf32, #tpu.memory_space<vmem>>, vector<1085440xf32>
      tpu.vector_store %arg2[%swap3A], %reshape3A {strides = array<i32>} : memref<2097152xf32, #tpu.memory_space<vmem>>, vector<1085440xf32>,
    } else {
    }
    return
  }
  func.func @transform_0(%arg0: i32) -> (i32, i32) {
    %c0_i32 = arith.constant 0 : i32
    %c0_i32_0 = arith.constant 0 : i32
    return %c0_i32, %arg0 : i32, i32
  }
  func.func @transform_1(%arg0: i32) -> i32 {
    %c0_i32 = arith.constant 0 : i32
    return %arg0 : i32
  }
}

module attributes {stable_mosaic.version = 14 : i64} {
  func.func @_out_transpose_body(%arg0: i32, %arg1: memref<1310720xf32, #tpu.memory_space<vmem>>, %arg2: memref<20x64x1024xf32, #tpu.memory_space<vmem>>) attributes {dimension_semantics = [#tpu.dimension_semantics<arbitrary>], iteration_bounds = array<i64: 8>, scalar_prefetch = 0 : i64, scratch_operands = 0 : i64, tpu.core_type = #tpu.core_type<tc>, window_params = [{transform_indices = @transform_0, window_bounds = array<i64: 1310720>}, {transform_indices = @transform_1, window_bounds = array<i64: 20, 64, 1024>}]} {
    %get3A = arith.constant 0 : index
    %get3A_0 = vector.load %arg1[%get3A] : memref<1310720xf32, #tpu.memory_space<vmem>>, vector<1310720xf32>
    %reshape3A = vector.shape_cast %get3A_0 : vector<1310720xf32> to vector<10240x128xf32>
    %add3A = arith.constant 0.000000e+00 : f32
    %add3A_1 = vector.broadcast %add3A : f32 to vector<10240x128xf32>
    %add3A_2 = arith.addf %reshape3A, %add3A_1 : vector<10240x128xf32>
    %reshape3A_3 = vector.shape_cast %add3A_2 : vector<10240x128xf32> to vector<1024x10x128xf32>
    %slice3A = vector.extract_strided_slice %reshape3A_3 {offsets = [0, 0, 0], sizes = [1024, 1, 128], strides = [1, 1, 1]} : vector<1024x10x128xf32> to vector<1024x1x128xf32>
    %squeeze3A = vector.shape_cast %slice3A : vector<1024x1x128xf32> to vector<1024x128xf32>
    %transpose3A = tpu.transpose %squeeze3A, [1, 0] : vector<1024x128xf32> -> vector<128x1024xf32>
    %reshape3A_4 = vector.shape_cast %transpose3A : vector<128x1024xf32> to vector<2x64x1024xf32>
    %swap3A = arith.constant 0 : index
    %swap3A_5 = arith.constant 0 : index
    %swap3A_6 = arith.constant 0 : index
    %swap3A_7 = vector.load %arg2[%swap3A, %swap3A_5, %swap3A_6] : memref<20x64x1024xf32, #tpu.memory_space<vmem>>, vector<2x64x1024xf32>
    tpu.vector_store %arg2[%swap3A, %swap3A_5, %swap3A_6], %reshape3A_4 {strides = array<i32>} : memref<20x64x1024xf32, #tpu.memory_space<vmem>>, vector<2x64x1024xf32>,
    %slice3A_8 = vector.extract_strided_slice %reshape3A_3 {offsets = [0, 1, 0], sizes = [1024, 1, 128], strides = [1, 1, 1]} : vector<1024x10x128xf32> to vector<1024x1x128xf32>
    %squeeze3A_9 = vector.shape_cast %slice3A_8 : vector<1024x1x128xf32> to vector<1024x128xf32>
    %transpose3A_10 = tpu.transpose %squeeze3A_9, [1, 0] : vector<1024x128xf32> -> vector<128x1024xf32>
    %reshape3A_11 = vector.shape_cast %transpose3A_10 : vector<128x1024xf32> to vector<2x64x1024xf32>
    %swap3A_12 = arith.constant 2 : index
    %swap3A_13 = arith.constant 0 : index
    %swap3A_14 = arith.constant 0 : index
    %swap3A_15 = vector.load %arg2[%swap3A_12, %swap3A_13, %swap3A_14] : memref<20x64x1024xf32, #tpu.memory_space<vmem>>, vector<2x64x1024xf32>
    tpu.vector_store %arg2[%swap3A_12, %swap3A_13, %swap3A_14], %reshape3A_11 {strides = array<i32>} : memref<20x64x1024xf32, #tpu.memory_space<vmem>>, vector<2x64x1024xf32>,
    %slice3A_16 = vector.extract_strided_slice %reshape3A_3 {offsets = [0, 2, 0], sizes = [1024, 1, 128], strides = [1, 1, 1]} : vector<1024x10x128xf32> to vector<1024x1x128xf32>
    %squeeze3A_17 = vector.shape_cast %slice3A_16 : vector<1024x1x128xf32> to vector<1024x128xf32>
    %transpose3A_18 = tpu.transpose %squeeze3A_17, [1, 0] : vector<1024x128xf32> -> vector<128x1024xf32>
    %reshape3A_19 = vector.shape_cast %transpose3A_18 : vector<128x1024xf32> to vector<2x64x1024xf32>
    %swap3A_20 = arith.constant 4 : index
    %swap3A_21 = arith.constant 0 : index
    %swap3A_22 = arith.constant 0 : index
    %swap3A_23 = vector.load %arg2[%swap3A_20, %swap3A_21, %swap3A_22] : memref<20x64x1024xf32, #tpu.memory_space<vmem>>, vector<2x64x1024xf32>
    tpu.vector_store %arg2[%swap3A_20, %swap3A_21, %swap3A_22], %reshape3A_19 {strides = array<i32>} : memref<20x64x1024xf32, #tpu.memory_space<vmem>>, vector<2x64x1024xf32>,
    %slice3A_24 = vector.extract_strided_slice %reshape3A_3 {offsets = [0, 3, 0], sizes = [1024, 1, 128], strides = [1, 1, 1]} : vector<1024x10x128xf32> to vector<1024x1x128xf32>
    %squeeze3A_25 = vector.shape_cast %slice3A_24 : vector<1024x1x128xf32> to vector<1024x128xf32>
    %transpose3A_26 = tpu.transpose %squeeze3A_25, [1, 0] : vector<1024x128xf32> -> vector<128x1024xf32>
    %reshape3A_27 = vector.shape_cast %transpose3A_26 : vector<128x1024xf32> to vector<2x64x1024xf32>
    %swap3A_28 = arith.constant 6 : index
    %swap3A_29 = arith.constant 0 : index
    %swap3A_30 = arith.constant 0 : index
    %swap3A_31 = vector.load %arg2[%swap3A_28, %swap3A_29, %swap3A_30] : memref<20x64x1024xf32, #tpu.memory_space<vmem>>, vector<2x64x1024xf32>
    tpu.vector_store %arg2[%swap3A_28, %swap3A_29, %swap3A_30], %reshape3A_27 {strides = array<i32>} : memref<20x64x1024xf32, #tpu.memory_space<vmem>>, vector<2x64x1024xf32>,
    %slice3A_32 = vector.extract_strided_slice %reshape3A_3 {offsets = [0, 4, 0], sizes = [1024, 1, 128], strides = [1, 1, 1]} : vector<1024x10x128xf32> to vector<1024x1x128xf32>
    %squeeze3A_33 = vector.shape_cast %slice3A_32 : vector<1024x1x128xf32> to vector<1024x128xf32>
    %transpose3A_34 = tpu.transpose %squeeze3A_33, [1, 0] : vector<1024x128xf32> -> vector<128x1024xf32>
    %reshape3A_35 = vector.shape_cast %transpose3A_34 : vector<128x1024xf32> to vector<2x64x1024xf32>
    %swap3A_36 = arith.constant 8 : index
    %swap3A_37 = arith.constant 0 : index
    %swap3A_38 = arith.constant 0 : index
    %swap3A_39 = vector.load %arg2[%swap3A_36, %swap3A_37, %swap3A_38] : memref<20x64x1024xf32, #tpu.memory_space<vmem>>, vector<2x64x1024xf32>
    tpu.vector_store %arg2[%swap3A_36, %swap3A_37, %swap3A_38], %reshape3A_35 {strides = array<i32>} : memref<20x64x1024xf32, #tpu.memory_space<vmem>>, vector<2x64x1024xf32>,
    %slice3A_40 = vector.extract_strided_slice %reshape3A_3 {offsets = [0, 5, 0], sizes = [1024, 1, 128], strides = [1, 1, 1]} : vector<1024x10x128xf32> to vector<1024x1x128xf32>
    %squeeze3A_41 = vector.shape_cast %slice3A_40 : vector<1024x1x128xf32> to vector<1024x128xf32>
    %transpose3A_42 = tpu.transpose %squeeze3A_41, [1, 0] : vector<1024x128xf32> -> vector<128x1024xf32>
    %reshape3A_43 = vector.shape_cast %transpose3A_42 : vector<128x1024xf32> to vector<2x64x1024xf32>
    %swap3A_44 = arith.constant 10 : index
    %swap3A_45 = arith.constant 0 : index
    %swap3A_46 = arith.constant 0 : index
    %swap3A_47 = vector.load %arg2[%swap3A_44, %swap3A_45, %swap3A_46] : memref<20x64x1024xf32, #tpu.memory_space<vmem>>, vector<2x64x1024xf32>
    tpu.vector_store %arg2[%swap3A_44, %swap3A_45, %swap3A_46], %reshape3A_43 {strides = array<i32>} : memref<20x64x1024xf32, #tpu.memory_space<vmem>>, vector<2x64x1024xf32>,
    %slice3A_48 = vector.extract_strided_slice %reshape3A_3 {offsets = [0, 6, 0], sizes = [1024, 1, 128], strides = [1, 1, 1]} : vector<1024x10x128xf32> to vector<1024x1x128xf32>
    %squeeze3A_49 = vector.shape_cast %slice3A_48 : vector<1024x1x128xf32> to vector<1024x128xf32>
    %transpose3A_50 = tpu.transpose %squeeze3A_49, [1, 0] : vector<1024x128xf32> -> vector<128x1024xf32>
    %reshape3A_51 = vector.shape_cast %transpose3A_50 : vector<128x1024xf32> to vector<2x64x1024xf32>
    %swap3A_52 = arith.constant 12 : index
    %swap3A_53 = arith.constant 0 : index
    %swap3A_54 = arith.constant 0 : index
    %swap3A_55 = vector.load %arg2[%swap3A_52, %swap3A_53, %swap3A_54] : memref<20x64x1024xf32, #tpu.memory_space<vmem>>, vector<2x64x1024xf32>
    tpu.vector_store %arg2[%swap3A_52, %swap3A_53, %swap3A_54], %reshape3A_51 {strides = array<i32>} : memref<20x64x1024xf32, #tpu.memory_space<vmem>>, vector<2x64x1024xf32>,
    %slice3A_56 = vector.extract_strided_slice %reshape3A_3 {offsets = [0, 7, 0], sizes = [1024, 1, 128], strides = [1, 1, 1]} : vector<1024x10x128xf32> to vector<1024x1x128xf32>
    %squeeze3A_57 = vector.shape_cast %slice3A_56 : vector<1024x1x128xf32> to vector<1024x128xf32>
    %transpose3A_58 = tpu.transpose %squeeze3A_57, [1, 0] : vector<1024x128xf32> -> vector<128x1024xf32>
    %reshape3A_59 = vector.shape_cast %transpose3A_58 : vector<128x1024xf32> to vector<2x64x1024xf32>
    %swap3A_60 = arith.constant 14 : index
    %swap3A_61 = arith.constant 0 : index
    %swap3A_62 = arith.constant 0 : index
    %swap3A_63 = vector.load %arg2[%swap3A_60, %swap3A_61, %swap3A_62] : memref<20x64x1024xf32, #tpu.memory_space<vmem>>, vector<2x64x1024xf32>
    tpu.vector_store %arg2[%swap3A_60, %swap3A_61, %swap3A_62], %reshape3A_59 {strides = array<i32>} : memref<20x64x1024xf32, #tpu.memory_space<vmem>>, vector<2x64x1024xf32>,
    %slice3A_64 = vector.extract_strided_slice %reshape3A_3 {offsets = [0, 8, 0], sizes = [1024, 1, 128], strides = [1, 1, 1]} : vector<1024x10x128xf32> to vector<1024x1x128xf32>
    %squeeze3A_65 = vector.shape_cast %slice3A_64 : vector<1024x1x128xf32> to vector<1024x128xf32>
    %transpose3A_66 = tpu.transpose %squeeze3A_65, [1, 0] : vector<1024x128xf32> -> vector<128x1024xf32>
    %reshape3A_67 = vector.shape_cast %transpose3A_66 : vector<128x1024xf32> to vector<2x64x1024xf32>
    %swap3A_68 = arith.constant 16 : index
    %swap3A_69 = arith.constant 0 : index
    %swap3A_70 = arith.constant 0 : index
    %swap3A_71 = vector.load %arg2[%swap3A_68, %swap3A_69, %swap3A_70] : memref<20x64x1024xf32, #tpu.memory_space<vmem>>, vector<2x64x1024xf32>
    tpu.vector_store %arg2[%swap3A_68, %swap3A_69, %swap3A_70], %reshape3A_67 {strides = array<i32>} : memref<20x64x1024xf32, #tpu.memory_space<vmem>>, vector<2x64x1024xf32>,
    %slice3A_72 = vector.extract_strided_slice %reshape3A_3 {offsets = [0, 9, 0], sizes = [1024, 1, 128], strides = [1, 1, 1]} : vector<1024x10x128xf32> to vector<1024x1x128xf32>
    %squeeze3A_73 = vector.shape_cast %slice3A_72 : vector<1024x1x128xf32> to vector<1024x128xf32>
    %transpose3A_74 = tpu.transpose %squeeze3A_73, [1, 0] : vector<1024x128xf32> -> vector<128x1024xf32>
    %reshape3A_75 = vector.shape_cast %transpose3A_74 : vector<128x1024xf32> to vector<2x64x1024xf32>
    %swap3A_76 = arith.constant 18 : index
    %swap3A_77 = arith.constant 0 : index
    %swap3A_78 = arith.constant 0 : index
    %swap3A_79 = vector.load %arg2[%swap3A_76, %swap3A_77, %swap3A_78] : memref<20x64x1024xf32, #tpu.memory_space<vmem>>, vector<2x64x1024xf32>
    tpu.vector_store %arg2[%swap3A_76, %swap3A_77, %swap3A_78], %reshape3A_75 {strides = array<i32>} : memref<20x64x1024xf32, #tpu.memory_space<vmem>>, vector<2x64x1024xf32>,
    return
  }
  func.func @transform_0(%arg0: i32) -> i32 {
    %c0_i32 = arith.constant 0 : i32
    return %arg0 : i32
  }
  func.func @transform_1(%arg0: i32) -> (i32, i32, i32) {
    %c0_i32 = arith.constant 0 : i32
    %c0_i32_0 = arith.constant 0 : i32
    %c0_i32_1 = arith.constant 0 : i32
    return %c0_i32, %c0_i32_0, %arg0 : i32, i32, i32
  }
}

module attributes {stable_mosaic.version = 14 : i64} {
  func.func @_out_transpose_b_body(%arg0: i32, %arg1: memref<1310720xf32, #tpu.memory_space<vmem>>, %arg2: memref<20x64x16384xf32, #tpu.memory_space<any>>, %arg3: memref<20x64x1024xf32, #tpu.memory_space<vmem>>) attributes {dimension_semantics = [#tpu.dimension_semantics<arbitrary>], iteration_bounds = array<i64: 8>, scalar_prefetch = 0 : i64, scratch_operands = 0 : i64, tpu.core_type = #tpu.core_type<tc>, window_params = [{transform_indices = @transform_0, window_bounds = array<i64: 1310720>}, {}, {transform_indices = @transform_2, window_bounds = array<i64: 20, 64, 1024>}]} {
    %get3A = arith.constant 0 : index
    %get3A_0 = vector.load %arg1[%get3A] : memref<1310720xf32, #tpu.memory_space<vmem>>, vector<1310720xf32>
    %reshape3A = vector.shape_cast %get3A_0 : vector<1310720xf32> to vector<10240x128xf32>
    %add3A = arith.constant 0.000000e+00 : f32
    %add3A_1 = vector.broadcast %add3A : f32 to vector<10240x128xf32>
    %add3A_2 = arith.addf %reshape3A, %add3A_1 : vector<10240x128xf32>
    %reshape3A_3 = vector.shape_cast %add3A_2 : vector<10240x128xf32> to vector<1024x10x128xf32>
    %slice3A = vector.extract_strided_slice %reshape3A_3 {offsets = [0, 0, 0], sizes = [1024, 1, 128], strides = [1, 1, 1]} : vector<1024x10x128xf32> to vector<1024x1x128xf32>
    %squeeze3A = vector.shape_cast %slice3A : vector<1024x1x128xf32> to vector<1024x128xf32>
    %transpose3A = tpu.transpose %squeeze3A, [1, 0] : vector<1024x128xf32> -> vector<128x1024xf32>
    %reshape3A_4 = vector.shape_cast %transpose3A : vector<128x1024xf32> to vector<2x64x1024xf32>
    %swap3A = arith.constant 0 : index
    %swap3A_5 = arith.constant 0 : index
    %swap3A_6 = arith.constant 0 : index
    %swap3A_7 = vector.load %arg3[%swap3A, %swap3A_5, %swap3A_6] : memref<20x64x1024xf32, #tpu.memory_space<vmem>>, vector<2x64x1024xf32>
    tpu.vector_store %arg3[%swap3A, %swap3A_5, %swap3A_6], %reshape3A_4 {strides = array<i32>} : memref<20x64x1024xf32, #tpu.memory_space<vmem>>, vector<2x64x1024xf32>,
    %slice3A_8 = vector.extract_strided_slice %reshape3A_3 {offsets = [0, 1, 0], sizes = [1024, 1, 128], strides = [1, 1, 1]} : vector<1024x10x128xf32> to vector<1024x1x128xf32>
    %squeeze3A_9 = vector.shape_cast %slice3A_8 : vector<1024x1x128xf32> to vector<1024x128xf32>
    %transpose3A_10 = tpu.transpose %squeeze3A_9, [1, 0] : vector<1024x128xf32> -> vector<128x1024xf32>
    %reshape3A_11 = vector.shape_cast %transpose3A_10 : vector<128x1024xf32> to vector<2x64x1024xf32>
    %swap3A_12 = arith.constant 2 : index
    %swap3A_13 = arith.constant 0 : index
    %swap3A_14 = arith.constant 0 : index
    %swap3A_15 = vector.load %arg3[%swap3A_12, %swap3A_13, %swap3A_14] : memref<20x64x1024xf32, #tpu.memory_space<vmem>>, vector<2x64x1024xf32>
    tpu.vector_store %arg3[%swap3A_12, %swap3A_13, %swap3A_14], %reshape3A_11 {strides = array<i32>} : memref<20x64x1024xf32, #tpu.memory_space<vmem>>, vector<2x64x1024xf32>,
    %slice3A_16 = vector.extract_strided_slice %reshape3A_3 {offsets = [0, 2, 0], sizes = [1024, 1, 128], strides = [1, 1, 1]} : vector<1024x10x128xf32> to vector<1024x1x128xf32>
    %squeeze3A_17 = vector.shape_cast %slice3A_16 : vector<1024x1x128xf32> to vector<1024x128xf32>
    %transpose3A_18 = tpu.transpose %squeeze3A_17, [1, 0] : vector<1024x128xf32> -> vector<128x1024xf32>
    %reshape3A_19 = vector.shape_cast %transpose3A_18 : vector<128x1024xf32> to vector<2x64x1024xf32>
    %swap3A_20 = arith.constant 4 : index
    %swap3A_21 = arith.constant 0 : index
    %swap3A_22 = arith.constant 0 : index
    %swap3A_23 = vector.load %arg3[%swap3A_20, %swap3A_21, %swap3A_22] : memref<20x64x1024xf32, #tpu.memory_space<vmem>>, vector<2x64x1024xf32>
    tpu.vector_store %arg3[%swap3A_20, %swap3A_21, %swap3A_22], %reshape3A_19 {strides = array<i32>} : memref<20x64x1024xf32, #tpu.memory_space<vmem>>, vector<2x64x1024xf32>,
    %slice3A_24 = vector.extract_strided_slice %reshape3A_3 {offsets = [0, 3, 0], sizes = [1024, 1, 128], strides = [1, 1, 1]} : vector<1024x10x128xf32> to vector<1024x1x128xf32>
    %squeeze3A_25 = vector.shape_cast %slice3A_24 : vector<1024x1x128xf32> to vector<1024x128xf32>
    %transpose3A_26 = tpu.transpose %squeeze3A_25, [1, 0] : vector<1024x128xf32> -> vector<128x1024xf32>
    %reshape3A_27 = vector.shape_cast %transpose3A_26 : vector<128x1024xf32> to vector<2x64x1024xf32>
    %swap3A_28 = arith.constant 6 : index
    %swap3A_29 = arith.constant 0 : index
    %swap3A_30 = arith.constant 0 : index
    %swap3A_31 = vector.load %arg3[%swap3A_28, %swap3A_29, %swap3A_30] : memref<20x64x1024xf32, #tpu.memory_space<vmem>>, vector<2x64x1024xf32>
    tpu.vector_store %arg3[%swap3A_28, %swap3A_29, %swap3A_30], %reshape3A_27 {strides = array<i32>} : memref<20x64x1024xf32, #tpu.memory_space<vmem>>, vector<2x64x1024xf32>,
    %slice3A_32 = vector.extract_strided_slice %reshape3A_3 {offsets = [0, 4, 0], sizes = [1024, 1, 128], strides = [1, 1, 1]} : vector<1024x10x128xf32> to vector<1024x1x128xf32>
    %squeeze3A_33 = vector.shape_cast %slice3A_32 : vector<1024x1x128xf32> to vector<1024x128xf32>
    %transpose3A_34 = tpu.transpose %squeeze3A_33, [1, 0] : vector<1024x128xf32> -> vector<128x1024xf32>
    %reshape3A_35 = vector.shape_cast %transpose3A_34 : vector<128x1024xf32> to vector<2x64x1024xf32>
    %swap3A_36 = arith.constant 8 : index
    %swap3A_37 = arith.constant 0 : index
    %swap3A_38 = arith.constant 0 : index
    %swap3A_39 = vector.load %arg3[%swap3A_36, %swap3A_37, %swap3A_38] : memref<20x64x1024xf32, #tpu.memory_space<vmem>>, vector<2x64x1024xf32>
    tpu.vector_store %arg3[%swap3A_36, %swap3A_37, %swap3A_38], %reshape3A_35 {strides = array<i32>} : memref<20x64x1024xf32, #tpu.memory_space<vmem>>, vector<2x64x1024xf32>,
    %slice3A_40 = vector.extract_strided_slice %reshape3A_3 {offsets = [0, 5, 0], sizes = [1024, 1, 128], strides = [1, 1, 1]} : vector<1024x10x128xf32> to vector<1024x1x128xf32>
    %squeeze3A_41 = vector.shape_cast %slice3A_40 : vector<1024x1x128xf32> to vector<1024x128xf32>
    %transpose3A_42 = tpu.transpose %squeeze3A_41, [1, 0] : vector<1024x128xf32> -> vector<128x1024xf32>
    %reshape3A_43 = vector.shape_cast %transpose3A_42 : vector<128x1024xf32> to vector<2x64x1024xf32>
    %swap3A_44 = arith.constant 10 : index
    %swap3A_45 = arith.constant 0 : index
    %swap3A_46 = arith.constant 0 : index
    %swap3A_47 = vector.load %arg3[%swap3A_44, %swap3A_45, %swap3A_46] : memref<20x64x1024xf32, #tpu.memory_space<vmem>>, vector<2x64x1024xf32>
    tpu.vector_store %arg3[%swap3A_44, %swap3A_45, %swap3A_46], %reshape3A_43 {strides = array<i32>} : memref<20x64x1024xf32, #tpu.memory_space<vmem>>, vector<2x64x1024xf32>,
    %slice3A_48 = vector.extract_strided_slice %reshape3A_3 {offsets = [0, 6, 0], sizes = [1024, 1, 128], strides = [1, 1, 1]} : vector<1024x10x128xf32> to vector<1024x1x128xf32>
    %squeeze3A_49 = vector.shape_cast %slice3A_48 : vector<1024x1x128xf32> to vector<1024x128xf32>
    %transpose3A_50 = tpu.transpose %squeeze3A_49, [1, 0] : vector<1024x128xf32> -> vector<128x1024xf32>
    %reshape3A_51 = vector.shape_cast %transpose3A_50 : vector<128x1024xf32> to vector<2x64x1024xf32>
    %swap3A_52 = arith.constant 12 : index
    %swap3A_53 = arith.constant 0 : index
    %swap3A_54 = arith.constant 0 : index
    %swap3A_55 = vector.load %arg3[%swap3A_52, %swap3A_53, %swap3A_54] : memref<20x64x1024xf32, #tpu.memory_space<vmem>>, vector<2x64x1024xf32>
    tpu.vector_store %arg3[%swap3A_52, %swap3A_53, %swap3A_54], %reshape3A_51 {strides = array<i32>} : memref<20x64x1024xf32, #tpu.memory_space<vmem>>, vector<2x64x1024xf32>,
    %slice3A_56 = vector.extract_strided_slice %reshape3A_3 {offsets = [0, 7, 0], sizes = [1024, 1, 128], strides = [1, 1, 1]} : vector<1024x10x128xf32> to vector<1024x1x128xf32>
    %squeeze3A_57 = vector.shape_cast %slice3A_56 : vector<1024x1x128xf32> to vector<1024x128xf32>
    %transpose3A_58 = tpu.transpose %squeeze3A_57, [1, 0] : vector<1024x128xf32> -> vector<128x1024xf32>
    %reshape3A_59 = vector.shape_cast %transpose3A_58 : vector<128x1024xf32> to vector<2x64x1024xf32>
    %swap3A_60 = arith.constant 14 : index
    %swap3A_61 = arith.constant 0 : index
    %swap3A_62 = arith.constant 0 : index
    %swap3A_63 = vector.load %arg3[%swap3A_60, %swap3A_61, %swap3A_62] : memref<20x64x1024xf32, #tpu.memory_space<vmem>>, vector<2x64x1024xf32>
    tpu.vector_store %arg3[%swap3A_60, %swap3A_61, %swap3A_62], %reshape3A_59 {strides = array<i32>} : memref<20x64x1024xf32, #tpu.memory_space<vmem>>, vector<2x64x1024xf32>,
    %slice3A_64 = vector.extract_strided_slice %reshape3A_3 {offsets = [0, 8, 0], sizes = [1024, 1, 128], strides = [1, 1, 1]} : vector<1024x10x128xf32> to vector<1024x1x128xf32>
    %squeeze3A_65 = vector.shape_cast %slice3A_64 : vector<1024x1x128xf32> to vector<1024x128xf32>
    %transpose3A_66 = tpu.transpose %squeeze3A_65, [1, 0] : vector<1024x128xf32> -> vector<128x1024xf32>
    %reshape3A_67 = vector.shape_cast %transpose3A_66 : vector<128x1024xf32> to vector<2x64x1024xf32>
    %swap3A_68 = arith.constant 16 : index
    %swap3A_69 = arith.constant 0 : index
    %swap3A_70 = arith.constant 0 : index
    %swap3A_71 = vector.load %arg3[%swap3A_68, %swap3A_69, %swap3A_70] : memref<20x64x1024xf32, #tpu.memory_space<vmem>>, vector<2x64x1024xf32>
    tpu.vector_store %arg3[%swap3A_68, %swap3A_69, %swap3A_70], %reshape3A_67 {strides = array<i32>} : memref<20x64x1024xf32, #tpu.memory_space<vmem>>, vector<2x64x1024xf32>,
    %slice3A_72 = vector.extract_strided_slice %reshape3A_3 {offsets = [0, 9, 0], sizes = [1024, 1, 128], strides = [1, 1, 1]} : vector<1024x10x128xf32> to vector<1024x1x128xf32>
    %squeeze3A_73 = vector.shape_cast %slice3A_72 : vector<1024x1x128xf32> to vector<1024x128xf32>
    %transpose3A_74 = tpu.transpose %squeeze3A_73, [1, 0] : vector<1024x128xf32> -> vector<128x1024xf32>
    %reshape3A_75 = vector.shape_cast %transpose3A_74 : vector<128x1024xf32> to vector<2x64x1024xf32>
    %swap3A_76 = arith.constant 18 : index
    %swap3A_77 = arith.constant 0 : index
    %swap3A_78 = arith.constant 0 : index
    %swap3A_79 = vector.load %arg3[%swap3A_76, %swap3A_77, %swap3A_78] : memref<20x64x1024xf32, #tpu.memory_space<vmem>>, vector<2x64x1024xf32>
    tpu.vector_store %arg3[%swap3A_76, %swap3A_77, %swap3A_78], %reshape3A_75 {strides = array<i32>} : memref<20x64x1024xf32, #tpu.memory_space<vmem>>, vector<2x64x1024xf32>,
    return
  }
  func.func @transform_0(%arg0: i32) -> i32 {
    %c0_i32 = arith.constant 0 : i32
    return %arg0 : i32
  }
  func.func @transform_2(%arg0: i32) -> (i32, i32, i32) {
    %add3A = arith.constant 8 : i32
    %add3A_0 = arith.addi %arg0, %add3A : i32
    %c0_i32 = arith.constant 0 : i32
    %c0_i32_1 = arith.constant 0 : i32
    %c0_i32_2 = arith.constant 0 : i32
    return %c0_i32, %c0_i32_1, %add3A_0 : i32, i32, i32
  }
}

</mosaic_0001>

<sc_bundles>
// kernel: kernel.10.cloned.1.call-start
scs
__scs_entry_jumppad:
0x0: {  	(pc) =	sbr.rel $0x88, $3  }
0x1: {  	(tag) =	ssettag $0x0;
	lr =	simm.s32 $0x1  }
0x2: {  	[smem:$0x3F9F] =	sst lr;
	_ =	strace $0xD0000000  }
0x3: {  	_ = 	snop  }
0x4: {  	_ = 	snop  }
0x5: {  	_ = 	snop  }
0x6: {  	_ = 	snop  }
0x7: {  	_ = 	snop  }
__scs_overlays_trampoline_lowered:
0x8: {  	[smem:$0x3FAE] =	sst s0  }
0x9: {  	[smem:$0x3FAF] =	sst s1  }
0xa: {  	[smem:$0x3FB0] =	sst s2  }
0xb: {  	[smem:$0x3FB1] =	sst s3  }
0xc: {  	[smem:$0x3FB2] =	sst s4  }
0xd: {  	[smem:$0x3FB3] =	sst s5  }
0xe: {  	[smem:$0x3FB4] =	sst s6  }
0xf: {  	[smem:$0x3FB5] =	sst s7  }
0x10: {  	[smem:$0x3FB6] =	sst s8  }
0x11: {  	[smem:$0x3FB7] =	sst s9;
	s0 =	simm.s32 @!p0 $0x0  }
0x12: {  	s1 =	sld [smem:$0x3F9D];
	s0 =	simm.s32 @p0 $0x1  }
0x13: {  	[smem:$0x3FB8] =	sst s0;
	s0 =	simm.s32 @!p1 $0x0  }
0x14: {  	s2 =	sld [smem:$0x3F9C];
	s0 =	simm.s32 @p1 $0x1  }
0x15: {  	[smem:$0x3FB9] =	sst s0;
	s0 =	simm.s32 @!p2 $0x0  }
0x16: {  	s3 =	sld [smem:$0x3FDB];
	s0 =	simm.s32 @p2 $0x1  }
0x17: {  	s4 =	simm.s32 $0x1BF5;
	[smem:$0x3FBB] =	sst s0  }
0x18: {  	s0 =	sld [smem:$0x3F9E];
	_ =	swait.ge [sflag:s4], $0x0  }
0x19: {  	s7 =	sld [smem:$0x3F9F]  }
0x1a: {  	s8 =	sadd.s32 $0xFFFFE003, lr  }
0x1b: {  	s9 =	sadd.s32 $0xFFFFFEF7, lr;
	s5 =	simm.s32 $0xFFFFFFFF;
	p2 =	slt.u32 s8, $0xFFFFF086  }
0x1c: {  	p1 =	slt.u32 s9, $0xF7A;
	s5 =	simm.s32 @!p2 $0x0  }
0x1d: {  	s5 =	simm.s32 @p1 $0x1;
	p0 =	seq.s32 s7, s2  }
0x1e: {  	s7 =	smul.u32 @!p0 $0xF7A, s2;
	p2 =	seq.s32 @!p0 s5, $0x0  }
0x1f: {  	s9 =	smul.u32 $0xF7A, s1;
	s8 =	simm.s32 @!p0 $0x1BF5;
	p2 =	por !p2, p0  }
0x20: {  	[sflag:s8] =	ssyncset.s32 @!p0 $0xFFFFF086;
	s6 =	sadd.s32 @!p0 s3, s7;
	s7 =	simm.s32 @!p0 $0x108  }
0x21: {  	s3 =	sadd.s32 s3, s9;
	s6 =	sadd.s32 @!p0 $0x88, s6;
	s7 =	simm.s32 @p2 $0x1082  }
0x22: {  	[simem:s7], [sflag:s8] =	dma.local @!p0 [hbm:s6], $0xF7A  }
0x23: {  	s9 =	sor.u32 $0xD0000000, s2;
	s6 =	simm.s32 $0x108;
	_ =	swait.ge @!p0 [sflag:s8], $0x0  }
0x24: {  	s3 =	sadd.s32 $0x88, s3;
	s6 =	simm.s32 @!p1 $0x1082;
	[sflag:s4] =	ssyncset.s32 $0xFFFFF086  }
0x25: {  	[simem:s6], [sflag:s4] =	dma.local [hbm:s3], $0xF7A  }
0x26: {  	[smem:$0x3F9F] =	sst s1;
	(tag) =	ssettag s2;
	_ =	strace s9  }
0x27: {  	s1 =	sld [smem:$0x3FAF]  }
0x28: {  	s2 =	sld [smem:$0x3FB0]  }
0x29: {  	s4 =	sld [smem:$0x3FB2]  }
0x2a: {  	p0 =	seq.s32 s5, $0x0;
	s5 =	sld [smem:$0x3FB3]  }
0x2b: {  	s6 =	sld [smem:$0x3FB4]  }
0x2c: {  	s7 =	sld [smem:$0x3FB5]  }
0x2d: {  	s3 =	simm.s32 $0x108;
	s8 =	sld [smem:$0x3FB6]  }
0x2e: {  	s3 =	simm.s32 @!p0 $0x1082;
	s9 =	sld [smem:$0x3FB7]  }
0x2f: {  	lr =	sadd.s32 s0, s3;
	s0 =	sld [smem:$0x3FAE]  }
0x30: {  	s3 =	sld [smem:$0x3FB1]  }
0x31: {  	[smem:$0x3FBA] =	sst s10  }
0x32: {  	s10 =	sld [smem:$0x3FB8];
	_ =	sdelay $0x3  }
0x33: {  	p0 =	seq.s32 s10, $0x1;
	s10 =	sld [smem:$0x3FBA];
	_ =	sdelay $0x3  }
0x34: {  	[smem:$0x3FBA] =	sst s10  }
0x35: {  	s10 =	sld [smem:$0x3FB9];
	_ =	sdelay $0x3  }
0x36: {  	p1 =	seq.s32 s10, $0x1;
	s10 =	sld [smem:$0x3FBA];
	_ =	sdelay $0x3  }
0x37: {  	[smem:$0x3FBA] =	sst s10  }
0x38: {  	s10 =	sld [smem:$0x3FBB]  }
0x39: {  	_ = 	snop;
	(pc) =	sbr.ind lr, $3  }
0x3a: {  	_ = 	snop  }
0x3b: {  	_ = 	snop  }
0x3c: {  	p2 =	seq.s32 s10, $0x1;
	s10 =	sld [smem:$0x3FBA]  }
0x3d: {  	_ =	shalt  }
0x3e: {  	_ =	shalt  }
0x3f: {  	_ =	shalt  }
0x40: {  	_ =	shalt  }
0x41: {  	_ =	shalt  }
0x42: {  	_ =	shalt  }
0x43: {  	_ =	shalt  }
0x44: {  	_ =	shalt  }
0x45: {  	_ =	shalt  }
0x46: {  	_ =	shalt  }
0x47: {  	_ =	shalt  }
0x48: {  	_ =	shalt  }
0x49: {  	_ =	shalt  }
0x4a: {  	_ =	shalt  }
0x4b: {  	_ =	shalt  }
0x4c: {  	_ =	shalt  }
0x4d: {  	_ =	shalt  }
0x4e: {  	_ =	shalt  }
0x4f: {  	_ =	shalt  }
0x50: {  	_ =	shalt  }
0x51: {  	_ =	shalt  }
0x52: {  	_ =	shalt  }
0x53: {  	_ =	shalt  }
0x54: {  	_ =	shalt  }
0x55: {  	_ =	shalt  }
0x56: {  	_ =	shalt  }
0x57: {  	_ =	shalt  }
0x58: {  	_ =	shalt  }
0x59: {  	_ =	shalt  }
0x5a: {  	_ =	shalt  }
0x5b: {  	_ =	shalt  }
0x5c: {  	_ =	shalt  }
0x5d: {  	_ =	shalt  }
0x5e: {  	_ =	shalt  }
0x5f: {  	_ =	shalt  }
0x60: {  	_ =	shalt  }
0x61: {  	_ =	shalt  }
0x62: {  	_ =	shalt  }
0x63: {  	_ =	shalt  }
0x64: {  	_ =	shalt  }
0x65: {  	_ =	shalt  }
0x66: {  	_ =	shalt  }
0x67: {  	_ =	shalt  }
0x68: {  	_ =	shalt  }
0x69: {  	_ =	shalt  }
0x6a: {  	_ =	shalt  }
0x6b: {  	_ =	shalt  }
0x6c: {  	_ =	shalt  }
0x6d: {  	_ =	shalt  }
0x6e: {  	_ =	shalt  }
0x6f: {  	_ =	shalt  }
0x70: {  	_ =	shalt  }
0x71: {  	_ =	shalt  }
0x72: {  	_ =	shalt  }
0x73: {  	_ =	shalt  }
0x74: {  	_ =	shalt  }
0x75: {  	_ =	shalt  }
0x76: {  	_ =	shalt  }
0x77: {  	_ =	shalt  }
0x78: {  	_ =	shalt  }
0x79: {  	_ =	shalt  }
0x7a: {  	_ =	shalt  }
0x7b: {  	_ =	shalt  }
0x7c: {  	_ =	shalt  }
0x7d: {  	_ =	shalt  }
0x7e: {  	_ =	shalt  }
0x7f: {  	_ =	shalt  }
0x80: {  	_ =	shalt  }
0x81: {  	_ =	shalt  }
0x82: {  	_ =	shalt  }
0x83: {  	_ =	shalt  }
0x84: {  	_ =	shalt  }
0x85: {  	_ =	shalt  }
0x86: {  	_ =	shalt  }
0x87: {  	_ =	shalt  }
.Lfunc_end0:
.L_simem_size_0:
called_computation.1_lowered:
.L_overlay_start_0:
0x88: {  	s2 =	sld [smem:$0x3FD9]  }
0x89: {  	s3 =	sld [smem:$0x3FFE];
	_ =	sdelay $0x1  }
0x8a: {  	s1 =	srdreg.scid  }
0x8b: {  	s0 =	sand.u32 $0x1, s1  }
0x8c: {  	s17 =	sshll.u32 s0, $0xA;
	s2 =	sadd.s32 s3, s2  }
0x8d: {  	s2 =	sadd.s32 s2, s17  }
0x8e: {  	[smem:$0x3FC6] =	sst s2  }
0x8f: {  	_ = 	snop  }
0x90: {  	(tm) =	ssettm $0x1  }
0x91: {  	s18 =	sld [smem:$0x3FFB];
	_ =	sdelay $0x3  }
0x92: {  	_ =	strace s18  }
0x93: {  	s2 =	sld [smem:$0x3FFC];
	_ =	sdelay $0x3  }
0x94: {  	_ =	strace s2  }
0x95: {  	s2 =	sld [smem:$0x3FFD];
	_ =	sdelay $0x3  }
0x96: {  	_ =	strace s2  }
0x97: {  	_ =	strace $0x8FFFFFFF  }
0x98: {  	s19 =	sld [smem:$0x3FDB];
	_ =	sdelay $0x1  }
0x99: {  	s20 =	simm.s32 $_scs_section_size  }
0x9a: {  	s4 =	simm.s32 $_size__tile_overlayer_lowered;
	s5 =	simm.s32 $_tile_overlayer_lowered  }
0x9b: {  	s6 =	simm.s32 $0x1BFF;
	s21 =	sshll.u32 s5, $0x1;
	s3 =	sadd.s32 s20, s19  }
0x9c: {  	s22 =	simm.s32 $0x0;
	s4 =	sshll.u32 s4, $0x1;
	s5 =	sadd.s32 s21, s3  }
0x9d: {  	[timem:s22], [sflag:s6] =	dma.local [hbm:s5], s4  }
0x9e: {  	_ =	swait.ge [sflag:s6], s4  }
0x9f: {  	s4 =	ssub.s32 $0x0, s4;
	[sflag:s6] =	ssyncset.done $0x0  }
0xa0: {  	[sflag:s6] =	ssyncadd.s32 s4;
	_ =	sdelay $0x1  }
0xa1: {  	s23 =	simm.s32 $0x1B8B  }
0xa2: {  	_ =	swait.ge [sflag:s23], $0x1  }
0xa3: {  	[sflag:s23] =	ssyncset.done $0x0  }
0xa4: {  	[sflag:s23] =	ssyncadd.s32 $0xFFFFFFFF  }
0xa5: {  	s4 =	sld [smem:$0x0]  }
0xa6: {  	s5 =	sand.u32 $0xFFFFFFFE, s1  }
0xa7: {  	p0 =	sne.s32 s1, s5  }
0xa8: {  	s5 =	sshll.u32 @p0 s5, $0xE  }
0xa9: {  	s5 =	sadd.s32 @p0 $0x11B8D, s5;
	s6 =	sshll.u32 @p0 s4, $0x11  }
0xaa: {  	s5 =	sor.u32 @p0 s6, s5  }
0xab: {  	[sflag:s5] =	ssyncadd.remote.s32 @p0 $0x1;
	_ =	sdelay $0x1  }
0xac: {  	s5 =	simm.s32 @p0 $0x1B8D  }
0xad: {  	_ =	swait.eq @p0 [sflag:s5], $0x1  }
0xae: {  	[sflag:s5] =	ssyncadd.s32 @p0 $0xFFFFFFFF  }
0xaf: {  	s6 =	sshll.u32 @!p0 s1, $0xE  }
0xb0: {  	s6 =	sor.u32 @!p0 $0x4000, s6;
	s5 =	simm.s32 @!p0 $0x1B8D  }
0xb1: {  	s4 =	sshll.u32 @!p0 s4, $0x11;
	s6 =	sadd.s32 @!p0 $0x11B8D, s6;
	_ =	swait.eq @!p0 [sflag:s5], $0x1  }
0xb2: {  	s4 =	sor.u32 @!p0 s4, s6;
	[sflag:s5] =	ssyncadd.s32 @!p0 $0xFFFFFFFF  }
0xb3: {  	s25 =	simm.s32 $0x1B8E;
	s24 =	sld [smem:$0x3FFE];
	[sflag:s4] =	ssyncadd.remote.s32 @!p0 $0x1  }
0xb4: {  	s26 =	simm.s32 $execute0_lowered;
	[smem:$0x3FD2] =	sst s25  }
0xb5: {  	s5 =	sshll.u32 s26, $0x1;
	_ =	strace $0x80000049;
	[dreg:$0x1] =	wrdreg $0xFFFFFFFF  }
0xb6: {  	s28 =	simm.s32 $_size_execute0_lowered;
	s3 =	sadd.s32 s3, s5;
	[dreg:$0x0] =	wrdreg $0x0  }
0xb7: {  	s5 =	sshll.u32 s28, $0x1;
	[dreg:$0x2] =	wrdreg s3  }
0xb8: {  	[dreg:$0x3] =	wrdreg s5  }
0xb9: {  	[dreg:$0x4] =	wrdreg $0xC0  }
0xba: {  	_ =	task [dreg:s22], $0x5FFFF  }
0xbb: {  	[dreg:$0x1] =	wrdreg $0xFFFFFFFF  }
0xbc: {  	[dreg:$0x0] =	wrdreg $0x60  }
0xbd: {  	[dreg:$0x2] =	wrdreg s24  }
0xbe: {  	[dreg:$0x3] =	wrdreg $0xA  }
0xbf: {  	_ =	task.clear_ibuf [dreg:s22], $0x4FFFF;
	_ =	strace $0x90000049  }
0xc0: {  	s29 =	simm.s32 $0xA;
	_ =	strace $0x8000004B  }
0xc1: {  	_ =	swait.ge [sflag:s29], $0x1  }
0xc2: {  	[sflag:s29] =	ssyncadd.s32 $0xFFFFFFFF  }
0xc3: {  	_ =	strace $0x9000004B  }
0xc4: {  	_ =	sfence  }
0xc5: {  	s30 =	sld [smem:$0x0];
	_ =	sdelay $0x2  }
0xc6: {  	s31 =	sshll.u32 s1, $0xD;
	s1 =	sshrl.u32 s1, $0x2  }
0xc7: {  	s4 =	sand.u32 $0x4000, s31;
	s1 =	sadd.s32 s1, s30  }
0xc8: {  	s0 =	sor.u32 s4, s0;
	s1 =	sshll.u32 s1, $0x11  }
0xc9: {  	s0 =	sor.u32 s1, s0  }
0xca: {  	s0 =	sadd.s32 $0x8F2B, s0  }
0xcb: {  	[sflag:s0] =	ssyncadd.remote.s32 $0x1  }
0xcc: {  	_ =	sfence.sel $0xFFFF  }
0xcd: {  	[dreg:$0x0] =	wrdreg $0xFFFFFFFF;
	(pc) =	sbr.abs _section_cstart, $3  }
0xce: {  	[dreg:$0x1] =	wrdreg $0xFFFFFFFF  }
0xcf: {  	_ =	task.clear_ibuf [dreg:s22], $0x2FFFF;
	_ =	strace $0x9FFFFFFF  }
0xd0: {  	(tm) =	ssettm $0x7FFFFFFF  }
0xd1: {  	_ =	shalt  }
tec
execute0_lowered:
.L_overlay_start_1:
0x0: {  	(tag) =	ssettag $0x1  }
0x1: {  	s0 =	srdreg.scid  }
0x2: {  	s1 =	stileid.u32;
	s4 =	rddreg [dreg:$0x0]  }
0x3: {  	s2 =	simm.s32 $0x0;
	s16 =	simm.s32 $0x5;
	s17 =	simm.s32 $0x200  }
0x4: {  	s19 =	simm.s32 $0x2800;
	s21 =	simm.s32 $0xA800;
	s22 =	simm.s32 $0x1  }
0x5: {  	s23 =	simm.s32 $0x3;
	s25 =	simm.s32 $0x2;
	s26 =	simm.s32 $0x4  }
0x6: {  	s31 =	simm.s32 $0x2000;
	s0 =	sand.u32 $0x1, s0;
	s1 =	sshll.u32 s1, $0x1  }
0x7: {  	s18 =	simm.s32 $0x2600;
	s20 =	simm.s32 $0x0;
	s1 =	sor.u32 s0, s1  }
0x8: {  	[smem:$0x7FF] =	sst s2;
	s0 =	ssub.s32 $0x2, s0;
	s3 =	smul.u32 $0x280, s1  }
0x9: {  	s7 =	sadd.s32 $0x8E6C00, s4;
	s6 =	smul.u32 $0x50000, s1;
	s29 =	sshrl.u32 s0, $0x1  }
0xa: {  	_ =	strace $0x8000004A;
	s1 =	smul.u32 $0xA000, s1;
	s0 =	ssub.s32 s0, s29  }
0xb: {  	s5 =	sadd.s32 s3, s4;
	s3 =	sadd.s32 $0xA00, s4;
	s6 =	sshrl.u32 s6, $0x3  }
0xc: {  	s4 =	sadd.s32 s7, s1;
	s15 =	smax.u32 s0, $0x1;
	s1 =	simm.s32 $0x2200  }
0xd: {  	s0 =	simm.s32 $0x2400;
	s30 =	sadd.s32 s7, s6;
	s5 =	sadd.s32 $0x8E1C00, s5  }
0xe: {  	s6 =	sadd.s32 $0x1000, s4;
	s7 =	sadd.s32 $0x2000, s30;
	s8 =	sadd.s32 $0x3000, s30  }
0xf: {  	s9 =	sadd.s32 $0x4000, s30;
	s10 =	sadd.s32 $0x5000, s30;
	s11 =	sadd.s32 $0x6000, s30  }
0x10: {  	v0 =	vimm.s32 $0x0;
	s12 =	sadd.s32 $0x7000, s30;
	s13 =	sadd.s32 $0x8000, s30;
	s14 =	sadd.s32 $0x9000, s30  }
.LBB2_1:
0x11: {  	[tilespmem:s2], [sflag:$0x5] =	stream.linear.gather [hbm4b:s5+s2], $0x1400, $0x38;
	[tilespmem:$0x12800] =	vst v63  }
0x12: {  	_ =	swait.ge [sflag:s16], $0x1400  }
0x13: {  	[sflag:s16] =	ssyncset.done $0x0  }
0x14: {  	s24 =	simm.s32 $0x0;
	[sflag:s16] =	ssyncadd.s32 $0xFFFFEC00  }
0x15: {  	v4 =	vld [tilespmem:s24+$0x0];
	_ =	sdelay $0x4  }
0x16: {  	vm0 =	vgt.s32 v4, $0xEFFFF;
	v1 =	vadd.s32 $0xFFF10000, v4;
	v2 =	vand.u32 $0x7FFF, v4  }
0x17: {  	v5 =	vsel vm0, v1, v2  }
0x18: {  	s28 =	simm.s32 $0x10;
	vm1 =	vgt.s32 v5, $0x211F;
	v1 =	vadd.s32 $0x7FFFDEE0, v5  }
0x19: {  	v6 =	vsel vm1, v1, v5;
	v1 =	vld [tilespmem:s28+$0x0];
	_ =	sdelay $0x2  }
0x1a: {  	v3 =	vand.u32 $0x3FFF, v4;
	v8 =	vshrl.u32 v2, $0xE;
	v7 =	vsel vm1, $0x1, v0  }
0x1b: {  	s29 =	simm.s32 $0x80;
	v4 =	vsub.s32 v4, v5;
	v2 =	vsel vm0, v6, v3;
	v3 =	vsel vm0, v7, v8  }
.LBB2_2:
0x1c: {  	s30 =	sshra.s32 s29, $0x2;
	vm0 =	vgt.s32 v1, $0xEFFFF;
	v2 =	vshll.u32 v2, $0x1;
	v3 =	vadd.s32 v3, v4;
	v4 =	vmovc v1;
	p0 =	sne.s32 s29, $0x7C0  }
.Ltmp0:
0x1d: {  	s29 =	sadd.s32 $0x40, s29;
	v1 =	vld [tilespmem:s30+$0x0];
	v5 =	vadd.s32 $0xFFF10000, v4;
	v6 =	vand.u32 $0x7FFF, v4;
	v2 =	vadd.s32 v2, v3;
	(pc) =	sbr.rel @p0 .LBB2_2-.Ltmp0, $4  }
0x1e: {  	v5 =	vsel vm0, v5, v6;
	[tilespmem:s24+$0x1400] =	vst v2;
	s24 =	smov.u32 s28;
	s28 =	smov.u32 s30  }
0x1f: {  	v3 =	vand.u32 $0x3FFF, v4;
	vm1 =	vgt.s32 v5, $0x211F;
	v2 =	vadd.s32 $0x7FFFDEE0, v5  }
0x20: {  	v6 =	vshrl.u32 v6, $0xE;
	v2 =	vsel vm1, v2, v5;
	v7 =	vsel vm1, $0x1, v0  }
0x21: {  	v4 =	vsub.s32 v4, v5;
	v2 =	vsel vm0, v2, v3;
	v3 =	vsel vm0, v7, v6  }
0x22: {  	vm0 =	vgt.s32 v1, $0xEFFFF;
	v5 =	vadd.s32 $0xFFF10000, v1;
	v6 =	vand.u32 $0x7FFF, v1  }
0x23: {  	v5 =	vsel vm0, v5, v6  }
0x24: {  	vm1 =	vgt.s32 v5, $0x211F;
	v7 =	vadd.s32 $0x7FFFDEE0, v5  }
0x25: {  	v3 =	vadd.s32 v3, v4;
	v4 =	vand.u32 $0x3FFF, v1;
	v7 =	vsel vm1, v7, v5  }
0x26: {  	v6 =	vshrl.u32 v6, $0xE;
	v4 =	vsel vm0, v7, v4;
	v7 =	vsel vm1, $0x1, v0  }
0x27: {  	v2 =	vshll.u32 v2, $0x1;
	v1 =	vsub.s32 v1, v5;
	v6 =	vsel vm0, v7, v6  }
0x28: {  	v2 =	vadd.s32 v2, v3;
	v3 =	vshll.u32 v4, $0x1;
	v1 =	vadd.s32 v6, v1  }
0x29: {  	[tilespmem:s24+$0x1400] =	vst v2;
	v1 =	vadd.s32 v3, v1  }
0x2a: {  	s30 =	simm.s32 $0x1400;
	s24 =	simm.s32 $0x0;
	[tilespmem:s28+$0x1400] =	vst v1  }
0x2b: {  	[tilespmem:s19], [sflag:$0x1] =	stream.indirect.gather [hbm4b:s3+s17], $0x40, s30, s17, $0xb8;
	[tilespmem:$0x12800] =	vst v63  }
0x2c: {  	v4 =	vld [tilespmem:s24+$0x200];
	_ =	sdelay $0x4  }
0x2d: {  	vm14 =	vgt.s32 v4, $0xEFFFF;
	v1 =	vadd.s32 $0xFFF10000, v4;
	v2 =	vand.u32 $0x7FFF, v4  }
0x2e: {  	v5 =	vsel vm14, v1, v2  }
0x2f: {  	s28 =	simm.s32 $0x10;
	vm15 =	vgt.s32 v5, $0x211F;
	v1 =	vadd.s32 $0x7FFFDEE0, v5  }
0x30: {  	v6 =	vsel vm15, v1, v5;
	v1 =	vld [tilespmem:s28+$0x200];
	_ =	sdelay $0x2  }
0x31: {  	v3 =	vand.u32 $0x3FFF, v4;
	v8 =	vshrl.u32 v2, $0xE;
	v7 =	vsel vm15, $0x1, v0  }
0x32: {  	s29 =	simm.s32 $0x80;
	v4 =	vsub.s32 v4, v5;
	v2 =	vsel vm14, v6, v3;
	v3 =	vsel vm14, v7, v8  }
.LBB2_4:
0x33: {  	s30 =	sshra.s32 s29, $0x2;
	vm0 =	vgt.s32 v1, $0xEFFFF;
	v2 =	vshll.u32 v2, $0x1;
	v3 =	vadd.s32 v3, v4;
	v4 =	vmovc v1;
	p0 =	sne.s32 s29, $0x7C0  }
.Ltmp1:
0x34: {  	s29 =	sadd.s32 $0x40, s29;
	v1 =	vld [tilespmem:s30+$0x200];
	v5 =	vadd.s32 $0xFFF10000, v4;
	v6 =	vand.u32 $0x7FFF, v4;
	v2 =	vadd.s32 v2, v3;
	(pc) =	sbr.rel @p0 .LBB2_4-.Ltmp1, $4  }
0x35: {  	v5 =	vsel vm0, v5, v6;
	[tilespmem:s24+$0x1600] =	vst v2;
	s24 =	smov.u32 s28;
	s28 =	smov.u32 s30  }
0x36: {  	v3 =	vand.u32 $0x3FFF, v4;
	vm1 =	vgt.s32 v5, $0x211F;
	v2 =	vadd.s32 $0x7FFFDEE0, v5  }
0x37: {  	v6 =	vshrl.u32 v6, $0xE;
	v2 =	vsel vm1, v2, v5;
	v7 =	vsel vm1, $0x1, v0  }
0x38: {  	v4 =	vsub.s32 v4, v5;
	v2 =	vsel vm0, v2, v3;
	v3 =	vsel vm0, v7, v6  }
0x39: {  	vm0 =	vgt.s32 v1, $0xEFFFF;
	v5 =	vadd.s32 $0xFFF10000, v1;
	v6 =	vand.u32 $0x7FFF, v1  }
0x3a: {  	v5 =	vsel vm0, v5, v6  }
0x3b: {  	vm1 =	vgt.s32 v5, $0x211F;
	v7 =	vadd.s32 $0x7FFFDEE0, v5  }
0x3c: {  	v3 =	vadd.s32 v3, v4;
	v4 =	vand.u32 $0x3FFF, v1;
	v7 =	vsel vm1, v7, v5  }
0x3d: {  	v6 =	vshrl.u32 v6, $0xE;
	v4 =	vsel vm0, v7, v4;
	v7 =	vsel vm1, $0x1, v0  }
0x3e: {  	v2 =	vshll.u32 v2, $0x1;
	v1 =	vsub.s32 v1, v5;
	v6 =	vsel vm0, v7, v6  }
0x3f: {  	v2 =	vadd.s32 v2, v3;
	v3 =	vshll.u32 v4, $0x1;
	v1 =	vadd.s32 v6, v1  }
0x40: {  	[tilespmem:s24+$0x1600] =	vst v2;
	v1 =	vadd.s32 v3, v1  }
0x41: {  	s30 =	simm.s32 $0x1600;
	[tilespmem:s28+$0x1600] =	vst v1  }
0x42: {  	[tilespmem:s21], [sflag:$0x2] =	stream.indirect.gather [hbm4b:s3+s17], $0x40, s30, s17, $0xb8;
	[tilespmem:$0x12800] =	vst v63  }
0x43: {  	_ =	swait.ge [sflag:s22], $0x8000  }
0x44: {  	[sflag:s22] =	ssyncset.done $0x0  }
0x45: {  	s24 =	simm.s32 $0x0;
	s30 =	simm.s32 $0x0;
	[sflag:s22] =	ssyncadd.s32 $0xFFFF8000  }
0x46: {  	[hbm4b:s4+s30] =	stream.linear.scatter [tilespmem:s19], [sflag:$0x3], $0x8000, $0x38;
	[tilespmem:$0x12800] =	vst v63  }
0x47: {  	v4 =	vld [tilespmem:s24+$0x400];
	_ =	sdelay $0x4  }
0x48: {  	vm14 =	vgt.s32 v4, $0xEFFFF;
	v1 =	vadd.s32 $0xFFF10000, v4;
	v2 =	vand.u32 $0x7FFF, v4  }
0x49: {  	v5 =	vsel vm14, v1, v2  }
0x4a: {  	s28 =	simm.s32 $0x10;
	vm15 =	vgt.s32 v5, $0x211F;
	v1 =	vadd.s32 $0x7FFFDEE0, v5  }
0x4b: {  	v6 =	vsel vm15, v1, v5;
	v1 =	vld [tilespmem:s28+$0x400];
	_ =	sdelay $0x2  }
0x4c: {  	v3 =	vand.u32 $0x3FFF, v4;
	v8 =	vshrl.u32 v2, $0xE;
	v7 =	vsel vm15, $0x1, v0  }
0x4d: {  	s29 =	simm.s32 $0x80;
	v4 =	vsub.s32 v4, v5;
	v2 =	vsel vm14, v6, v3;
	v3 =	vsel vm14, v7, v8  }
.LBB2_6:
0x4e: {  	s30 =	sshra.s32 s29, $0x2;
	vm0 =	vgt.s32 v1, $0xEFFFF;
	v2 =	vshll.u32 v2, $0x1;
	v3 =	vadd.s32 v3, v4;
	v4 =	vmovc v1;
	p0 =	sne.s32 s29, $0x7C0  }
.Ltmp2:
0x4f: {  	s29 =	sadd.s32 $0x40, s29;
	v1 =	vld [tilespmem:s30+$0x400];
	v5 =	vadd.s32 $0xFFF10000, v4;
	v6 =	vand.u32 $0x7FFF, v4;
	v2 =	vadd.s32 v2, v3;
	(pc) =	sbr.rel @p0 .LBB2_6-.Ltmp2, $4  }
0x50: {  	v5 =	vsel vm0, v5, v6;
	[tilespmem:s24+$0x1800] =	vst v2;
	s24 =	smov.u32 s28;
	s28 =	smov.u32 s30  }
0x51: {  	v3 =	vand.u32 $0x3FFF, v4;
	vm1 =	vgt.s32 v5, $0x211F;
	v2 =	vadd.s32 $0x7FFFDEE0, v5  }
0x52: {  	v6 =	vshrl.u32 v6, $0xE;
	v2 =	vsel vm1, v2, v5;
	v7 =	vsel vm1, $0x1, v0  }
0x53: {  	v4 =	vsub.s32 v4, v5;
	v2 =	vsel vm0, v2, v3;
	v3 =	vsel vm0, v7, v6  }
0x54: {  	vm0 =	vgt.s32 v1, $0xEFFFF;
	v5 =	vadd.s32 $0xFFF10000, v1;
	v6 =	vand.u32 $0x7FFF, v1  }
0x55: {  	v5 =	vsel vm0, v5, v6  }
0x56: {  	vm1 =	vgt.s32 v5, $0x211F;
	v7 =	vadd.s32 $0x7FFFDEE0, v5  }
0x57: {  	v3 =	vadd.s32 v3, v4;
	v4 =	vand.u32 $0x3FFF, v1;
	v7 =	vsel vm1, v7, v5  }
0x58: {  	v6 =	vshrl.u32 v6, $0xE;
	v4 =	vsel vm0, v7, v4;
	v7 =	vsel vm1, $0x1, v0  }
0x59: {  	v2 =	vshll.u32 v2, $0x1;
	v1 =	vsub.s32 v1, v5;
	v6 =	vsel vm0, v7, v6  }
0x5a: {  	v2 =	vadd.s32 v2, v3;
	v3 =	vshll.u32 v4, $0x1;
	v1 =	vadd.s32 v6, v1  }
0x5b: {  	[tilespmem:s24+$0x1800] =	vst v2;
	v1 =	vadd.s32 v3, v1  }
0x5c: {  	[tilespmem:s28+$0x1800] =	vst v1  }
0x5d: {  	_ =	swait.ge [sflag:s23], $0x8000  }
0x5e: {  	[sflag:s23] =	ssyncset.done $0x0  }
0x5f: {  	s30 =	simm.s32 $0x1800;
	[sflag:s23] =	ssyncadd.s32 $0xFFFF8000  }
0x60: {  	[tilespmem:s19], [sflag:$0x1] =	stream.indirect.gather [hbm4b:s3+s17], $0x40, s30, s17, $0xb8;
	[tilespmem:$0x12800] =	vst v63  }
0x61: {  	_ =	swait.ge [sflag:s25], $0x8000  }
0x62: {  	[sflag:s25] =	ssyncset.done $0x0  }
0x63: {  	s24 =	simm.s32 $0x0;
	s30 =	simm.s32 $0x0;
	[sflag:s25] =	ssyncadd.s32 $0xFFFF8000  }
0x64: {  	[hbm4b:s6+s30] =	stream.linear.scatter [tilespmem:s21], [sflag:$0x4], $0x8000, $0x38;
	[tilespmem:$0x12800] =	vst v63  }
0x65: {  	v4 =	vld [tilespmem:s24+$0x600];
	_ =	sdelay $0x4  }
0x66: {  	vm14 =	vgt.s32 v4, $0xEFFFF;
	v1 =	vadd.s32 $0xFFF10000, v4;
	v2 =	vand.u32 $0x7FFF, v4  }
0x67: {  	v5 =	vsel vm14, v1, v2  }
0x68: {  	s28 =	simm.s32 $0x10;
	vm15 =	vgt.s32 v5, $0x211F;
	v1 =	vadd.s32 $0x7FFFDEE0, v5  }
0x69: {  	v6 =	vsel vm15, v1, v5;
	v1 =	vld [tilespmem:s28+$0x600];
	_ =	sdelay $0x2  }
0x6a: {  	v3 =	vand.u32 $0x3FFF, v4;
	v8 =	vshrl.u32 v2, $0xE;
	v7 =	vsel vm15, $0x1, v0  }
0x6b: {  	s29 =	simm.s32 $0x80;
	v4 =	vsub.s32 v4, v5;
	v2 =	vsel vm14, v6, v3;
	v3 =	vsel vm14, v7, v8  }
.LBB2_8:
0x6c: {  	s30 =	sshra.s32 s29, $0x2;
	vm0 =	vgt.s32 v1, $0xEFFFF;
	v2 =	vshll.u32 v2, $0x1;
	v3 =	vadd.s32 v3, v4;
	v4 =	vmovc v1;
	p0 =	sne.s32 s29, $0x7C0  }
.Ltmp3:
0x6d: {  	s29 =	sadd.s32 $0x40, s29;
	v1 =	vld [tilespmem:s30+$0x600];
	v5 =	vadd.s32 $0xFFF10000, v4;
	v6 =	vand.u32 $0x7FFF, v4;
	v2 =	vadd.s32 v2, v3;
	(pc) =	sbr.rel @p0 .LBB2_8-.Ltmp3, $4  }
0x6e: {  	v5 =	vsel vm0, v5, v6;
	[tilespmem:s24+$0x1A00] =	vst v2;
	s24 =	smov.u32 s28;
	s28 =	smov.u32 s30  }
0x6f: {  	v3 =	vand.u32 $0x3FFF, v4;
	vm1 =	vgt.s32 v5, $0x211F;
	v2 =	vadd.s32 $0x7FFFDEE0, v5  }
0x70: {  	v6 =	vshrl.u32 v6, $0xE;
	v2 =	vsel vm1, v2, v5;
	v7 =	vsel vm1, $0x1, v0  }
0x71: {  	v4 =	vsub.s32 v4, v5;
	v2 =	vsel vm0, v2, v3;
	v3 =	vsel vm0, v7, v6  }
0x72: {  	vm0 =	vgt.s32 v1, $0xEFFFF;
	v5 =	vadd.s32 $0xFFF10000, v1;
	v6 =	vand.u32 $0x7FFF, v1  }
0x73: {  	v5 =	vsel vm0, v5, v6  }
0x74: {  	vm1 =	vgt.s32 v5, $0x211F;
	v7 =	vadd.s32 $0x7FFFDEE0, v5  }
0x75: {  	v3 =	vadd.s32 v3, v4;
	v4 =	vand.u32 $0x3FFF, v1;
	v7 =	vsel vm1, v7, v5  }
0x76: {  	v6 =	vshrl.u32 v6, $0xE;
	v4 =	vsel vm0, v7, v4;
	v7 =	vsel vm1, $0x1, v0  }
0x77: {  	v2 =	vshll.u32 v2, $0x1;
	v1 =	vsub.s32 v1, v5;
	v6 =	vsel vm0, v7, v6  }
0x78: {  	v2 =	vadd.s32 v2, v3;
	v3 =	vshll.u32 v4, $0x1;
	v1 =	vadd.s32 v6, v1  }
0x79: {  	[tilespmem:s24+$0x1A00] =	vst v2;
	v1 =	vadd.s32 v3, v1  }
0x7a: {  	[tilespmem:s28+$0x1A00] =	vst v1  }
0x7b: {  	_ =	swait.ge [sflag:s26], $0x8000  }
0x7c: {  	[sflag:s26] =	ssyncset.done $0x0  }
0x7d: {  	s30 =	simm.s32 $0x1A00;
	[sflag:s26] =	ssyncadd.s32 $0xFFFF8000  }
0x7e: {  	[tilespmem:s21], [sflag:$0x2] =	stream.indirect.gather [hbm4b:s3+s17], $0x40, s30, s17, $0xb8;
	[tilespmem:$0x12800] =	vst v63  }
0x7f: {  	_ =	swait.ge [sflag:s22], $0x8000  }
0x80: {  	[sflag:s22] =	ssyncset.done $0x0  }
0x81: {  	s24 =	simm.s32 $0x0;
	s30 =	simm.s32 $0x0;
	[sflag:s22] =	ssyncadd.s32 $0xFFFF8000  }
0x82: {  	[hbm4b:s7+s30] =	stream.linear.scatter [tilespmem:s19], [sflag:$0x3], $0x8000, $0x38;
	[tilespmem:$0x12800] =	vst v63  }
0x83: {  	v4 =	vld [tilespmem:s24+$0x800];
	_ =	sdelay $0x4  }
0x84: {  	vm14 =	vgt.s32 v4, $0xEFFFF;
	v1 =	vadd.s32 $0xFFF10000, v4;
	v2 =	vand.u32 $0x7FFF, v4  }
0x85: {  	v5 =	vsel vm14, v1, v2  }
0x86: {  	s28 =	simm.s32 $0x10;
	vm15 =	vgt.s32 v5, $0x211F;
	v1 =	vadd.s32 $0x7FFFDEE0, v5  }
0x87: {  	v6 =	vsel vm15, v1, v5;
	v1 =	vld [tilespmem:s28+$0x800];
	_ =	sdelay $0x2  }
0x88: {  	v3 =	vand.u32 $0x3FFF, v4;
	v8 =	vshrl.u32 v2, $0xE;
	v7 =	vsel vm15, $0x1, v0  }
0x89: {  	s29 =	simm.s32 $0x80;
	v4 =	vsub.s32 v4, v5;
	v2 =	vsel vm14, v6, v3;
	v3 =	vsel vm14, v7, v8  }
.LBB2_10:
0x8a: {  	s30 =	sshra.s32 s29, $0x2;
	vm0 =	vgt.s32 v1, $0xEFFFF;
	v2 =	vshll.u32 v2, $0x1;
	v3 =	vadd.s32 v3, v4;
	v4 =	vmovc v1;
	p0 =	sne.s32 s29, $0x7C0  }
.Ltmp4:
0x8b: {  	s29 =	sadd.s32 $0x40, s29;
	v1 =	vld [tilespmem:s30+$0x800];
	v5 =	vadd.s32 $0xFFF10000, v4;
	v6 =	vand.u32 $0x7FFF, v4;
	v2 =	vadd.s32 v2, v3;
	(pc) =	sbr.rel @p0 .LBB2_10-.Ltmp4, $4  }
0x8c: {  	v5 =	vsel vm0, v5, v6;
	[tilespmem:s24+$0x1C00] =	vst v2;
	s24 =	smov.u32 s28;
	s28 =	smov.u32 s30  }
0x8d: {  	v3 =	vand.u32 $0x3FFF, v4;
	vm1 =	vgt.s32 v5, $0x211F;
	v2 =	vadd.s32 $0x7FFFDEE0, v5  }
0x8e: {  	v6 =	vshrl.u32 v6, $0xE;
	v2 =	vsel vm1, v2, v5;
	v7 =	vsel vm1, $0x1, v0  }
0x8f: {  	v4 =	vsub.s32 v4, v5;
	v2 =	vsel vm0, v2, v3;
	v3 =	vsel vm0, v7, v6  }
0x90: {  	vm0 =	vgt.s32 v1, $0xEFFFF;
	v5 =	vadd.s32 $0xFFF10000, v1;
	v6 =	vand.u32 $0x7FFF, v1  }
0x91: {  	v5 =	vsel vm0, v5, v6  }
0x92: {  	vm1 =	vgt.s32 v5, $0x211F;
	v7 =	vadd.s32 $0x7FFFDEE0, v5  }
0x93: {  	v3 =	vadd.s32 v3, v4;
	v4 =	vand.u32 $0x3FFF, v1;
	v7 =	vsel vm1, v7, v5  }
0x94: {  	v6 =	vshrl.u32 v6, $0xE;
	v4 =	vsel vm0, v7, v4;
	v7 =	vsel vm1, $0x1, v0  }
0x95: {  	v2 =	vshll.u32 v2, $0x1;
	v1 =	vsub.s32 v1, v5;
	v6 =	vsel vm0, v7, v6  }
0x96: {  	v2 =	vadd.s32 v2, v3;
	v3 =	vshll.u32 v4, $0x1;
	v1 =	vadd.s32 v6, v1  }
0x97: {  	[tilespmem:s24+$0x1C00] =	vst v2;
	v1 =	vadd.s32 v3, v1  }
0x98: {  	[tilespmem:s28+$0x1C00] =	vst v1  }
0x99: {  	_ =	swait.ge [sflag:s23], $0x8000  }
0x9a: {  	[sflag:s23] =	ssyncset.done $0x0  }
0x9b: {  	s30 =	simm.s32 $0x1C00;
	[sflag:s23] =	ssyncadd.s32 $0xFFFF8000  }
0x9c: {  	[tilespmem:s19], [sflag:$0x1] =	stream.indirect.gather [hbm4b:s3+s17], $0x40, s30, s17, $0xb8;
	[tilespmem:$0x12800] =	vst v63  }
0x9d: {  	_ =	swait.ge [sflag:s25], $0x8000  }
0x9e: {  	[sflag:s25] =	ssyncset.done $0x0  }
0x9f: {  	s24 =	simm.s32 $0x0;
	s30 =	simm.s32 $0x0;
	[sflag:s25] =	ssyncadd.s32 $0xFFFF8000  }
0xa0: {  	[hbm4b:s8+s30] =	stream.linear.scatter [tilespmem:s21], [sflag:$0x4], $0x8000, $0x38;
	[tilespmem:$0x12800] =	vst v63  }
0xa1: {  	v4 =	vld [tilespmem:s24+$0xA00];
	_ =	sdelay $0x4  }
0xa2: {  	vm14 =	vgt.s32 v4, $0xEFFFF;
	v1 =	vadd.s32 $0xFFF10000, v4;
	v2 =	vand.u32 $0x7FFF, v4  }
0xa3: {  	v5 =	vsel vm14, v1, v2  }
0xa4: {  	s28 =	simm.s32 $0x10;
	vm15 =	vgt.s32 v5, $0x211F;
	v1 =	vadd.s32 $0x7FFFDEE0, v5  }
0xa5: {  	v6 =	vsel vm15, v1, v5;
	v1 =	vld [tilespmem:s28+$0xA00];
	_ =	sdelay $0x2  }
0xa6: {  	v3 =	vand.u32 $0x3FFF, v4;
	v8 =	vshrl.u32 v2, $0xE;
	v7 =	vsel vm15, $0x1, v0  }
0xa7: {  	s29 =	simm.s32 $0x80;
	v4 =	vsub.s32 v4, v5;
	v2 =	vsel vm14, v6, v3;
	v3 =	vsel vm14, v7, v8  }
.LBB2_12:
0xa8: {  	s30 =	sshra.s32 s29, $0x2;
	vm0 =	vgt.s32 v1, $0xEFFFF;
	v2 =	vshll.u32 v2, $0x1;
	v3 =	vadd.s32 v3, v4;
	v4 =	vmovc v1;
	p0 =	sne.s32 s29, $0x7C0  }
.Ltmp5:
0xa9: {  	s29 =	sadd.s32 $0x40, s29;
	v1 =	vld [tilespmem:s30+$0xA00];
	v5 =	vadd.s32 $0xFFF10000, v4;
	v6 =	vand.u32 $0x7FFF, v4;
	v2 =	vadd.s32 v2, v3;
	(pc) =	sbr.rel @p0 .LBB2_12-.Ltmp5, $4  }
0xaa: {  	v5 =	vsel vm0, v5, v6;
	[tilespmem:s24+$0x1E00] =	vst v2;
	s24 =	smov.u32 s28;
	s28 =	smov.u32 s30  }
0xab: {  	v3 =	vand.u32 $0x3FFF, v4;
	vm1 =	vgt.s32 v5, $0x211F;
	v2 =	vadd.s32 $0x7FFFDEE0, v5  }
0xac: {  	v6 =	vshrl.u32 v6, $0xE;
	v2 =	vsel vm1, v2, v5;
	v7 =	vsel vm1, $0x1, v0  }
0xad: {  	v4 =	vsub.s32 v4, v5;
	v2 =	vsel vm0, v2, v3;
	v3 =	vsel vm0, v7, v6  }
0xae: {  	vm0 =	vgt.s32 v1, $0xEFFFF;
	v5 =	vadd.s32 $0xFFF10000, v1;
	v6 =	vand.u32 $0x7FFF, v1  }
0xaf: {  	v5 =	vsel vm0, v5, v6  }
0xb0: {  	vm1 =	vgt.s32 v5, $0x211F;
	v7 =	vadd.s32 $0x7FFFDEE0, v5  }
0xb1: {  	v3 =	vadd.s32 v3, v4;
	v4 =	vand.u32 $0x3FFF, v1;
	v7 =	vsel vm1, v7, v5  }
0xb2: {  	v6 =	vshrl.u32 v6, $0xE;
	v4 =	vsel vm0, v7, v4;
	v7 =	vsel vm1, $0x1, v0  }
0xb3: {  	v2 =	vshll.u32 v2, $0x1;
	v1 =	vsub.s32 v1, v5;
	v6 =	vsel vm0, v7, v6  }
0xb4: {  	v2 =	vadd.s32 v2, v3;
	v3 =	vshll.u32 v4, $0x1;
	v1 =	vadd.s32 v6, v1  }
0xb5: {  	[tilespmem:s24+$0x1E00] =	vst v2;
	v1 =	vadd.s32 v3, v1  }
0xb6: {  	[tilespmem:s28+$0x1E00] =	vst v1  }
0xb7: {  	_ =	swait.ge [sflag:s26], $0x8000  }
0xb8: {  	[sflag:s26] =	ssyncset.done $0x0  }
0xb9: {  	s30 =	simm.s32 $0x1E00;
	[sflag:s26] =	ssyncadd.s32 $0xFFFF8000  }
0xba: {  	[tilespmem:s21], [sflag:$0x2] =	stream.indirect.gather [hbm4b:s3+s17], $0x40, s30, s17, $0xb8;
	[tilespmem:$0x12800] =	vst v63  }
0xbb: {  	_ =	swait.ge [sflag:s22], $0x8000  }
0xbc: {  	[sflag:s22] =	ssyncset.done $0x0  }
0xbd: {  	s24 =	simm.s32 $0x0;
	s30 =	simm.s32 $0x0;
	[sflag:s22] =	ssyncadd.s32 $0xFFFF8000  }
0xbe: {  	[hbm4b:s9+s30] =	stream.linear.scatter [tilespmem:s19], [sflag:$0x3], $0x8000, $0x38;
	[tilespmem:$0x12800] =	vst v63  }
0xbf: {  	v4 =	vld [tilespmem:s24+$0xC00];
	_ =	sdelay $0x4  }
0xc0: {  	vm14 =	vgt.s32 v4, $0xEFFFF;
	v1 =	vadd.s32 $0xFFF10000, v4;
	v2 =	vand.u32 $0x7FFF, v4  }
0xc1: {  	v5 =	vsel vm14, v1, v2  }
0xc2: {  	s28 =	simm.s32 $0x10;
	vm15 =	vgt.s32 v5, $0x211F;
	v1 =	vadd.s32 $0x7FFFDEE0, v5  }
0xc3: {  	v6 =	vsel vm15, v1, v5;
	v1 =	vld [tilespmem:s28+$0xC00];
	_ =	sdelay $0x2  }
0xc4: {  	v3 =	vand.u32 $0x3FFF, v4;
	v8 =	vshrl.u32 v2, $0xE;
	v7 =	vsel vm15, $0x1, v0  }
0xc5: {  	s29 =	simm.s32 $0x80;
	v4 =	vsub.s32 v4, v5;
	v2 =	vsel vm14, v6, v3;
	v3 =	vsel vm14, v7, v8  }
.LBB2_14:
0xc6: {  	s30 =	sshra.s32 s29, $0x2;
	vm0 =	vgt.s32 v1, $0xEFFFF;
	v2 =	vshll.u32 v2, $0x1;
	v3 =	vadd.s32 v3, v4;
	v4 =	vmovc v1;
	p0 =	sne.s32 s29, $0x7C0  }
.Ltmp6:
0xc7: {  	s29 =	sadd.s32 $0x40, s29;
	v1 =	vld [tilespmem:s30+$0xC00];
	v5 =	vadd.s32 $0xFFF10000, v4;
	v6 =	vand.u32 $0x7FFF, v4;
	v2 =	vadd.s32 v2, v3;
	(pc) =	sbr.rel @p0 .LBB2_14-.Ltmp6, $4  }
0xc8: {  	v5 =	vsel vm0, v5, v6;
	[tilespmem:s24+$0x2000] =	vst v2;
	s24 =	smov.u32 s28;
	s28 =	smov.u32 s30  }
0xc9: {  	v3 =	vand.u32 $0x3FFF, v4;
	vm1 =	vgt.s32 v5, $0x211F;
	v2 =	vadd.s32 $0x7FFFDEE0, v5  }
0xca: {  	v6 =	vshrl.u32 v6, $0xE;
	v2 =	vsel vm1, v2, v5;
	v7 =	vsel vm1, $0x1, v0  }
0xcb: {  	v4 =	vsub.s32 v4, v5;
	v2 =	vsel vm0, v2, v3;
	v3 =	vsel vm0, v7, v6  }
0xcc: {  	vm0 =	vgt.s32 v1, $0xEFFFF;
	v5 =	vadd.s32 $0xFFF10000, v1;
	v6 =	vand.u32 $0x7FFF, v1  }
0xcd: {  	v5 =	vsel vm0, v5, v6  }
0xce: {  	vm1 =	vgt.s32 v5, $0x211F;
	v7 =	vadd.s32 $0x7FFFDEE0, v5  }
0xcf: {  	v3 =	vadd.s32 v3, v4;
	v4 =	vand.u32 $0x3FFF, v1;
	v7 =	vsel vm1, v7, v5  }
0xd0: {  	v6 =	vshrl.u32 v6, $0xE;
	v4 =	vsel vm0, v7, v4;
	v7 =	vsel vm1, $0x1, v0  }
0xd1: {  	v2 =	vshll.u32 v2, $0x1;
	v1 =	vsub.s32 v1, v5;
	v6 =	vsel vm0, v7, v6  }
0xd2: {  	v2 =	vadd.s32 v2, v3;
	v3 =	vshll.u32 v4, $0x1;
	v1 =	vadd.s32 v6, v1  }
0xd3: {  	[tilespmem:s24+$0x2000] =	vst v2;
	v1 =	vadd.s32 v3, v1  }
0xd4: {  	[tilespmem:s28+$0x2000] =	vst v1  }
0xd5: {  	_ =	swait.ge [sflag:s23], $0x8000  }
0xd6: {  	[sflag:s23] =	ssyncset.done $0x0  }
0xd7: {  	[sflag:s23] =	ssyncadd.s32 $0xFFFF8000  }
0xd8: {  	[tilespmem:s19], [sflag:$0x1] =	stream.indirect.gather [hbm4b:s3+s17], $0x40, s31, s17, $0xb8;
	[tilespmem:$0x12800] =	vst v63  }
0xd9: {  	_ =	swait.ge [sflag:s25], $0x8000  }
0xda: {  	[sflag:s25] =	ssyncset.done $0x0  }
0xdb: {  	s30 =	simm.s32 $0x0;
	s24 =	simm.s32 $0x0;
	[sflag:s25] =	ssyncadd.s32 $0xFFFF8000  }
0xdc: {  	[hbm4b:s10+s30] =	stream.linear.scatter [tilespmem:s21], [sflag:$0x4], $0x8000, $0x38;
	[tilespmem:$0x12800] =	vst v63  }
0xdd: {  	v4 =	vld [tilespmem:s24+$0xE00];
	_ =	sdelay $0x4  }
0xde: {  	vm14 =	vgt.s32 v4, $0xEFFFF;
	v1 =	vadd.s32 $0xFFF10000, v4;
	v2 =	vand.u32 $0x7FFF, v4  }
0xdf: {  	v5 =	vsel vm14, v1, v2  }
0xe0: {  	s28 =	simm.s32 $0x10;
	vm15 =	vgt.s32 v5, $0x211F;
	v1 =	vadd.s32 $0x7FFFDEE0, v5  }
0xe1: {  	v6 =	vsel vm15, v1, v5;
	v1 =	vld [tilespmem:s28+$0xE00];
	_ =	sdelay $0x2  }
0xe2: {  	v3 =	vand.u32 $0x3FFF, v4;
	v8 =	vshrl.u32 v2, $0xE;
	v7 =	vsel vm15, $0x1, v0  }
0xe3: {  	s29 =	simm.s32 $0x80;
	v4 =	vsub.s32 v4, v5;
	v2 =	vsel vm14, v6, v3;
	v3 =	vsel vm14, v7, v8  }
.LBB2_16:
0xe4: {  	s30 =	sshra.s32 s29, $0x2;
	vm0 =	vgt.s32 v1, $0xEFFFF;
	v2 =	vshll.u32 v2, $0x1;
	v3 =	vadd.s32 v3, v4;
	v4 =	vmovc v1;
	p0 =	sne.s32 s29, $0x7C0  }
.Ltmp7:
0xe5: {  	s29 =	sadd.s32 $0x40, s29;
	v1 =	vld [tilespmem:s30+$0xE00];
	v5 =	vadd.s32 $0xFFF10000, v4;
	v6 =	vand.u32 $0x7FFF, v4;
	v2 =	vadd.s32 v2, v3;
	(pc) =	sbr.rel @p0 .LBB2_16-.Ltmp7, $4  }
0xe6: {  	v5 =	vsel vm0, v5, v6;
	[tilespmem:s24+$0x2200] =	vst v2;
	s24 =	smov.u32 s28;
	s28 =	smov.u32 s30  }
0xe7: {  	v3 =	vand.u32 $0x3FFF, v4;
	vm1 =	vgt.s32 v5, $0x211F;
	v2 =	vadd.s32 $0x7FFFDEE0, v5  }
0xe8: {  	v6 =	vshrl.u32 v6, $0xE;
	v2 =	vsel vm1, v2, v5;
	v7 =	vsel vm1, $0x1, v0  }
0xe9: {  	v4 =	vsub.s32 v4, v5;
	v2 =	vsel vm0, v2, v3;
	v3 =	vsel vm0, v7, v6  }
0xea: {  	vm0 =	vgt.s32 v1, $0xEFFFF;
	v5 =	vadd.s32 $0xFFF10000, v1;
	v6 =	vand.u32 $0x7FFF, v1  }
0xeb: {  	v5 =	vsel vm0, v5, v6  }
0xec: {  	vm1 =	vgt.s32 v5, $0x211F;
	v7 =	vadd.s32 $0x7FFFDEE0, v5  }
0xed: {  	v3 =	vadd.s32 v3, v4;
	v4 =	vand.u32 $0x3FFF, v1;
	v7 =	vsel vm1, v7, v5  }
0xee: {  	v6 =	vshrl.u32 v6, $0xE;
	v4 =	vsel vm0, v7, v4;
	v7 =	vsel vm1, $0x1, v0  }
0xef: {  	v2 =	vshll.u32 v2, $0x1;
	v1 =	vsub.s32 v1, v5;
	v6 =	vsel vm0, v7, v6  }
0xf0: {  	v2 =	vadd.s32 v2, v3;
	v3 =	vshll.u32 v4, $0x1;
	v1 =	vadd.s32 v6, v1  }
0xf1: {  	[tilespmem:s24+$0x2200] =	vst v2;
	v1 =	vadd.s32 v3, v1  }
0xf2: {  	[tilespmem:s28+$0x2200] =	vst v1  }
0xf3: {  	_ =	swait.ge [sflag:s26], $0x8000  }
0xf4: {  	[sflag:s26] =	ssyncset.done $0x0  }
0xf5: {  	[sflag:s26] =	ssyncadd.s32 $0xFFFF8000  }
0xf6: {  	[tilespmem:s21], [sflag:$0x2] =	stream.indirect.gather [hbm4b:s3+s17], $0x40, s1, s17, $0xb8;
	[tilespmem:$0x12800] =	vst v63  }
0xf7: {  	_ =	swait.ge [sflag:s22], $0x8000  }
0xf8: {  	[sflag:s22] =	ssyncset.done $0x0  }
0xf9: {  	s30 =	simm.s32 $0x0;
	s24 =	simm.s32 $0x0;
	[sflag:s22] =	ssyncadd.s32 $0xFFFF8000  }
0xfa: {  	[hbm4b:s11+s30] =	stream.linear.scatter [tilespmem:s19], [sflag:$0x3], $0x8000, $0x38;
	[tilespmem:$0x12800] =	vst v63  }
0xfb: {  	v4 =	vld [tilespmem:s24+$0x1000];
	_ =	sdelay $0x4  }
0xfc: {  	vm14 =	vgt.s32 v4, $0xEFFFF;
	v1 =	vadd.s32 $0xFFF10000, v4;
	v2 =	vand.u32 $0x7FFF, v4  }
0xfd: {  	v5 =	vsel vm14, v1, v2  }
0xfe: {  	s28 =	simm.s32 $0x10;
	vm15 =	vgt.s32 v5, $0x211F;
	v1 =	vadd.s32 $0x7FFFDEE0, v5  }
0xff: {  	v6 =	vsel vm15, v1, v5;
	v1 =	vld [tilespmem:s28+$0x1000];
	_ =	sdelay $0x2  }
0x100: {  	v3 =	vand.u32 $0x3FFF, v4;
	v8 =	vshrl.u32 v2, $0xE;
	v7 =	vsel vm15, $0x1, v0  }
0x101: {  	s29 =	simm.s32 $0x80;
	v4 =	vsub.s32 v4, v5;
	v2 =	vsel vm14, v6, v3;
	v3 =	vsel vm14, v7, v8  }
.LBB2_18:
0x102: {  	s30 =	sshra.s32 s29, $0x2;
	vm0 =	vgt.s32 v1, $0xEFFFF;
	v2 =	vshll.u32 v2, $0x1;
	v3 =	vadd.s32 v3, v4;
	v4 =	vmovc v1;
	p0 =	sne.s32 s29, $0x7C0  }
.Ltmp8:
0x103: {  	s29 =	sadd.s32 $0x40, s29;
	v1 =	vld [tilespmem:s30+$0x1000];
	v5 =	vadd.s32 $0xFFF10000, v4;
	v6 =	vand.u32 $0x7FFF, v4;
	v2 =	vadd.s32 v2, v3;
	(pc) =	sbr.rel @p0 .LBB2_18-.Ltmp8, $4  }
0x104: {  	v5 =	vsel vm0, v5, v6;
	[tilespmem:s24+$0x2400] =	vst v2;
	s24 =	smov.u32 s28;
	s28 =	smov.u32 s30  }
0x105: {  	v3 =	vand.u32 $0x3FFF, v4;
	vm1 =	vgt.s32 v5, $0x211F;
	v2 =	vadd.s32 $0x7FFFDEE0, v5  }
0x106: {  	v6 =	vshrl.u32 v6, $0xE;
	v2 =	vsel vm1, v2, v5;
	v7 =	vsel vm1, $0x1, v0  }
0x107: {  	v4 =	vsub.s32 v4, v5;
	v2 =	vsel vm0, v2, v3;
	v3 =	vsel vm0, v7, v6  }
0x108: {  	vm0 =	vgt.s32 v1, $0xEFFFF;
	v5 =	vadd.s32 $0xFFF10000, v1;
	v6 =	vand.u32 $0x7FFF, v1  }
0x109: {  	v5 =	vsel vm0, v5, v6  }
0x10a: {  	vm1 =	vgt.s32 v5, $0x211F;
	v7 =	vadd.s32 $0x7FFFDEE0, v5  }
0x10b: {  	v3 =	vadd.s32 v3, v4;
	v4 =	vand.u32 $0x3FFF, v1;
	v7 =	vsel vm1, v7, v5  }
0x10c: {  	v6 =	vshrl.u32 v6, $0xE;
	v4 =	vsel vm0, v7, v4;
	v7 =	vsel vm1, $0x1, v0  }
0x10d: {  	v2 =	vshll.u32 v2, $0x1;
	v1 =	vsub.s32 v1, v5;
	v6 =	vsel vm0, v7, v6  }
0x10e: {  	v2 =	vadd.s32 v2, v3;
	v3 =	vshll.u32 v4, $0x1;
	v1 =	vadd.s32 v6, v1  }
0x10f: {  	[tilespmem:s24+$0x2400] =	vst v2;
	v1 =	vadd.s32 v3, v1  }
0x110: {  	[tilespmem:s28+$0x2400] =	vst v1  }
0x111: {  	_ =	swait.ge [sflag:s23], $0x8000  }
0x112: {  	[sflag:s23] =	ssyncset.done $0x0  }
0x113: {  	[sflag:s23] =	ssyncadd.s32 $0xFFFF8000  }
0x114: {  	[tilespmem:s19], [sflag:$0x1] =	stream.indirect.gather [hbm4b:s3+s17], $0x40, s0, s17, $0xb8;
	[tilespmem:$0x12800] =	vst v63  }
0x115: {  	_ =	swait.ge [sflag:s25], $0x8000  }
0x116: {  	[sflag:s25] =	ssyncset.done $0x0  }
0x117: {  	s30 =	simm.s32 $0x0;
	s24 =	simm.s32 $0x0;
	[sflag:s25] =	ssyncadd.s32 $0xFFFF8000  }
0x118: {  	[hbm4b:s12+s30] =	stream.linear.scatter [tilespmem:s21], [sflag:$0x4], $0x8000, $0x38;
	[tilespmem:$0x12800] =	vst v63  }
0x119: {  	v4 =	vld [tilespmem:s24+$0x1200];
	_ =	sdelay $0x4  }
0x11a: {  	vm14 =	vgt.s32 v4, $0xEFFFF;
	v1 =	vadd.s32 $0xFFF10000, v4;
	v2 =	vand.u32 $0x7FFF, v4  }
0x11b: {  	v5 =	vsel vm14, v1, v2  }
0x11c: {  	s28 =	simm.s32 $0x10;
	vm15 =	vgt.s32 v5, $0x211F;
	v1 =	vadd.s32 $0x7FFFDEE0, v5  }
0x11d: {  	v6 =	vsel vm15, v1, v5;
	v1 =	vld [tilespmem:s28+$0x1200];
	_ =	sdelay $0x2  }
0x11e: {  	v3 =	vand.u32 $0x3FFF, v4;
	v8 =	vshrl.u32 v2, $0xE;
	v7 =	vsel vm15, $0x1, v0  }
0x11f: {  	s29 =	simm.s32 $0x80;
	v4 =	vsub.s32 v4, v5;
	v2 =	vsel vm14, v6, v3;
	v3 =	vsel vm14, v7, v8  }
.LBB2_20:
0x120: {  	s30 =	sshra.s32 s29, $0x2;
	vm0 =	vgt.s32 v1, $0xEFFFF;
	v2 =	vshll.u32 v2, $0x1;
	v3 =	vadd.s32 v3, v4;
	v4 =	vmovc v1;
	p0 =	sne.s32 s29, $0x7C0  }
.Ltmp9:
0x121: {  	s29 =	sadd.s32 $0x40, s29;
	v1 =	vld [tilespmem:s30+$0x1200];
	v5 =	vadd.s32 $0xFFF10000, v4;
	v6 =	vand.u32 $0x7FFF, v4;
	v2 =	vadd.s32 v2, v3;
	(pc) =	sbr.rel @p0 .LBB2_20-.Ltmp9, $4  }
0x122: {  	v5 =	vsel vm0, v5, v6;
	[tilespmem:s24+$0x2600] =	vst v2;
	s24 =	smov.u32 s28;
	s28 =	smov.u32 s30  }
0x123: {  	v3 =	vand.u32 $0x3FFF, v4;
	vm1 =	vgt.s32 v5, $0x211F;
	v2 =	vadd.s32 $0x7FFFDEE0, v5  }
0x124: {  	v6 =	vshrl.u32 v6, $0xE;
	v2 =	vsel vm1, v2, v5;
	v7 =	vsel vm1, $0x1, v0  }
0x125: {  	v4 =	vsub.s32 v4, v5;
	v2 =	vsel vm0, v2, v3;
	v3 =	vsel vm0, v7, v6  }
0x126: {  	vm0 =	vgt.s32 v1, $0xEFFFF;
	v5 =	vadd.s32 $0xFFF10000, v1;
	v6 =	vand.u32 $0x7FFF, v1  }
0x127: {  	v3 =	vadd.s32 v3, v4;
	v62 =	vand.u32 $0x3FFF, v1;
	v5 =	vsel vm0, v5, v6  }
0x128: {  	v2 =	vshll.u32 v2, $0x1;
	vm1 =	vgt.s32 v5, $0x211F;
	v7 =	vadd.s32 $0x7FFFDEE0, v5  }
0x129: {  	v6 =	vshrl.u32 v6, $0xE;
	v7 =	vsel vm1, v7, v5;
	v63 =	vsel vm1, $0x1, v0  }
0x12a: {  	v1 =	vsub.s32 v1, v5;
	v4 =	vsel vm0, v7, v62;
	v6 =	vsel vm0, v63, v6  }
0x12b: {  	v2 =	vadd.s32 v2, v3;
	v3 =	vshll.u32 v4, $0x1;
	v1 =	vadd.s32 v6, v1  }
0x12c: {  	[tilespmem:s24+$0x2600] =	vst v2;
	v1 =	vadd.s32 v3, v1  }
0x12d: {  	[tilespmem:s28+$0x2600] =	vst v1  }
0x12e: {  	_ =	swait.ge [sflag:s26], $0x8000  }
0x12f: {  	[sflag:s26] =	ssyncset.done $0x0  }
0x130: {  	[sflag:s26] =	ssyncadd.s32 $0xFFFF8000  }
0x131: {  	[tilespmem:s21], [sflag:$0x2] =	stream.indirect.gather [hbm4b:s3+s17], $0x40, s18, s17, $0xb8;
	[tilespmem:$0x12800] =	vst v63  }
0x132: {  	_ =	swait.ge [sflag:s22], $0x8000  }
0x133: {  	[sflag:s22] =	ssyncset.done $0x0  }
0x134: {  	[sflag:s22] =	ssyncadd.s32 $0xFFFF8000  }
0x135: {  	[hbm4b:s13+s2] =	stream.linear.scatter [tilespmem:s19], [sflag:$0x3], $0x8000, $0x38;
	[tilespmem:$0x12800] =	vst v63  }
0x136: {  	_ =	swait.ge [sflag:s25], $0x8000  }
0x137: {  	[sflag:s25] =	ssyncset.done $0x0  }
0x138: {  	s20 =	sadd.s32 $0x1, s20;
	[sflag:s25] =	ssyncadd.s32 $0xFFFF8000  }
0x139: {  	[hbm4b:s14+s2] =	stream.linear.scatter [tilespmem:s21], [sflag:$0x4], $0x8000, $0x38;
	[tilespmem:$0x12800] =	vst v63  }
0x13a: {  	p0 =	sne.s32 s20, s15;
	_ =	swait.ge [sflag:s23], $0x8000  }
.Ltmp10:
0x13b: {  	[sflag:s23] =	ssyncset.done $0x0;
	(pc) =	sbr.rel @p0 .LBB2_1-.Ltmp10, $4  }
0x13c: {  	[sflag:s23] =	ssyncadd.s32 $0xFFFF8000  }
0x13d: {  	_ =	swait.ge [sflag:s26], $0x8000  }
0x13e: {  	[sflag:s26] =	ssyncset.done $0x0  }
0x13f: {  	[sflag:s26] =	ssyncadd.s32 $0xFFFF8000  }
0x140: {  	_ =	sfence.sel $0x180000  }
0x141: {  	[bflag:$0x0] =	sbarrier.arrive $0xFFFF  }
0x142: {  	_ =	strace $0x9000004A  }
0x143: {  	s0 =	stileid.u32;
	[bflag:$0x2] =	sbarrier.arrive $0xFFFF  }
0x144: {  	p0 =	sne.s32 s0, $0x0;
	s0 =	rddreg [dreg:$0x1]  }
0x145: {  	s0 =	sadd.s32 @!p0 $0x100000, s0  }
0x146: {  	[sflag:s0] =	ssyncadd.tile.s32 @!p0 $0x1;
	_ =	shalt  }
.Lfunc_end2:
_tile_overlayer_lowered:
.L_overlay_start_2:
0x147: {  	(tag) =	ssettag $0x2  }
0x148: {  	s0 =	rddreg [dreg:$0x0];
	s2 =	stileid.u32  }
0x149: {  	s1 =	rddreg [dreg:$0x1];
	p0 =	sne.s32 s2, $0x0  }
0x14a: {  	s3 =	rddreg [dreg:$0x2];
	[bflag:$0x3] =	sbarrier.arrive $0xFFFF;
	s2 =	simm.s32 @!p0 $0x1C05  }
0x14b: {  	[timem:s3], [sflag:s2] =	dma.local @!p0 [hbm:s0], s1  }
0x14c: {  	s0 =	simm.s32 @!p0 $0x5  }
0x14d: {  	_ =	swait.ge @!p0 [sflag:s0], s1  }
0x14e: {  	s1 =	ssub.s32 @!p0 $0x0, s1;
	[sflag:s0] =	ssyncset.done @!p0 $0x0  }
0x14f: {  	[sflag:s0] =	ssyncadd.s32 @!p0 s1  }
0x150: {  	[bflag:$0x3] =	sbarrier.arrive $0xFFFF  }
0x151: {  	_ =	shalt  }

// kernel: kernel.7.cloned.1.call-start
scs
__scs_entry_jumppad:
0x0: {  	(pc) =	sbr.rel $0x88, $3  }
0x1: {  	(tag) =	ssettag $0x0;
	lr =	simm.s32 $0x1  }
0x2: {  	[smem:$0x3F9F] =	sst lr;
	_ =	strace $0xD0000000  }
0x3: {  	_ = 	snop  }
0x4: {  	_ = 	snop  }
0x5: {  	_ = 	snop  }
0x6: {  	_ = 	snop  }
0x7: {  	_ = 	snop  }
__scs_overlays_trampoline_lowered:
0x8: {  	[smem:$0x3FAE] =	sst s0  }
0x9: {  	[smem:$0x3FAF] =	sst s1  }
0xa: {  	[smem:$0x3FB0] =	sst s2  }
0xb: {  	[smem:$0x3FB1] =	sst s3  }
0xc: {  	[smem:$0x3FB2] =	sst s4  }
0xd: {  	[smem:$0x3FB3] =	sst s5  }
0xe: {  	[smem:$0x3FB4] =	sst s6  }
0xf: {  	[smem:$0x3FB5] =	sst s7  }
0x10: {  	[smem:$0x3FB6] =	sst s8  }
0x11: {  	[smem:$0x3FB7] =	sst s9;
	s0 =	simm.s32 @!p0 $0x0  }
0x12: {  	s1 =	sld [smem:$0x3F9D];
	s0 =	simm.s32 @p0 $0x1  }
0x13: {  	[smem:$0x3FB8] =	sst s0;
	s0 =	simm.s32 @!p1 $0x0  }
0x14: {  	s2 =	sld [smem:$0x3F9C];
	s0 =	simm.s32 @p1 $0x1  }
0x15: {  	[smem:$0x3FB9] =	sst s0;
	s0 =	simm.s32 @!p2 $0x0  }
0x16: {  	s3 =	sld [smem:$0x3FDB];
	s0 =	simm.s32 @p2 $0x1  }
0x17: {  	s4 =	simm.s32 $0x1BF5;
	[smem:$0x3FBB] =	sst s0  }
0x18: {  	s0 =	sld [smem:$0x3F9E];
	_ =	swait.ge [sflag:s4], $0x0  }
0x19: {  	s7 =	sld [smem:$0x3F9F]  }
0x1a: {  	s8 =	sadd.s32 $0xFFFFE003, lr  }
0x1b: {  	s9 =	sadd.s32 $0xFFFFFEF7, lr;
	s5 =	simm.s32 $0xFFFFFFFF;
	p2 =	slt.u32 s8, $0xFFFFF086  }
0x1c: {  	p1 =	slt.u32 s9, $0xF7A;
	s5 =	simm.s32 @!p2 $0x0  }
0x1d: {  	s5 =	simm.s32 @p1 $0x1;
	p0 =	seq.s32 s7, s2  }
0x1e: {  	s7 =	smul.u32 @!p0 $0xF7A, s2;
	p2 =	seq.s32 @!p0 s5, $0x0  }
0x1f: {  	s9 =	smul.u32 $0xF7A, s1;
	s8 =	simm.s32 @!p0 $0x1BF5;
	p2 =	por !p2, p0  }
0x20: {  	[sflag:s8] =	ssyncset.s32 @!p0 $0xFFFFF086;
	s6 =	sadd.s32 @!p0 s3, s7;
	s7 =	simm.s32 @!p0 $0x108  }
0x21: {  	s3 =	sadd.s32 s3, s9;
	s6 =	sadd.s32 @!p0 $0x88, s6;
	s7 =	simm.s32 @p2 $0x1082  }
0x22: {  	[simem:s7], [sflag:s8] =	dma.local @!p0 [hbm:s6], $0xF7A  }
0x23: {  	s9 =	sor.u32 $0xD0000000, s2;
	s6 =	simm.s32 $0x108;
	_ =	swait.ge @!p0 [sflag:s8], $0x0  }
0x24: {  	s3 =	sadd.s32 $0x88, s3;
	s6 =	simm.s32 @!p1 $0x1082;
	[sflag:s4] =	ssyncset.s32 $0xFFFFF086  }
0x25: {  	[simem:s6], [sflag:s4] =	dma.local [hbm:s3], $0xF7A  }
0x26: {  	[smem:$0x3F9F] =	sst s1;
	(tag) =	ssettag s2;
	_ =	strace s9  }
0x27: {  	s1 =	sld [smem:$0x3FAF]  }
0x28: {  	s2 =	sld [smem:$0x3FB0]  }
0x29: {  	s4 =	sld [smem:$0x3FB2]  }
0x2a: {  	p0 =	seq.s32 s5, $0x0;
	s5 =	sld [smem:$0x3FB3]  }
0x2b: {  	s6 =	sld [smem:$0x3FB4]  }
0x2c: {  	s7 =	sld [smem:$0x3FB5]  }
0x2d: {  	s3 =	simm.s32 $0x108;
	s8 =	sld [smem:$0x3FB6]  }
0x2e: {  	s3 =	simm.s32 @!p0 $0x1082;
	s9 =	sld [smem:$0x3FB7]  }
0x2f: {  	lr =	sadd.s32 s0, s3;
	s0 =	sld [smem:$0x3FAE]  }
0x30: {  	s3 =	sld [smem:$0x3FB1]  }
0x31: {  	[smem:$0x3FBA] =	sst s10  }
0x32: {  	s10 =	sld [smem:$0x3FB8];
	_ =	sdelay $0x3  }
0x33: {  	p0 =	seq.s32 s10, $0x1;
	s10 =	sld [smem:$0x3FBA];
	_ =	sdelay $0x3  }
0x34: {  	[smem:$0x3FBA] =	sst s10  }
0x35: {  	s10 =	sld [smem:$0x3FB9];
	_ =	sdelay $0x3  }
0x36: {  	p1 =	seq.s32 s10, $0x1;
	s10 =	sld [smem:$0x3FBA];
	_ =	sdelay $0x3  }
0x37: {  	[smem:$0x3FBA] =	sst s10  }
0x38: {  	s10 =	sld [smem:$0x3FBB]  }
0x39: {  	_ = 	snop;
	(pc) =	sbr.ind lr, $3  }
0x3a: {  	_ = 	snop  }
0x3b: {  	_ = 	snop  }
0x3c: {  	p2 =	seq.s32 s10, $0x1;
	s10 =	sld [smem:$0x3FBA]  }
0x3d: {  	_ =	shalt  }
0x3e: {  	_ =	shalt  }
0x3f: {  	_ =	shalt  }
0x40: {  	_ =	shalt  }
0x41: {  	_ =	shalt  }
0x42: {  	_ =	shalt  }
0x43: {  	_ =	shalt  }
0x44: {  	_ =	shalt  }
0x45: {  	_ =	shalt  }
0x46: {  	_ =	shalt  }
0x47: {  	_ =	shalt  }
0x48: {  	_ =	shalt  }
0x49: {  	_ =	shalt  }
0x4a: {  	_ =	shalt  }
0x4b: {  	_ =	shalt  }
0x4c: {  	_ =	shalt  }
0x4d: {  	_ =	shalt  }
0x4e: {  	_ =	shalt  }
0x4f: {  	_ =	shalt  }
0x50: {  	_ =	shalt  }
0x51: {  	_ =	shalt  }
0x52: {  	_ =	shalt  }
0x53: {  	_ =	shalt  }
0x54: {  	_ =	shalt  }
0x55: {  	_ =	shalt  }
0x56: {  	_ =	shalt  }
0x57: {  	_ =	shalt  }
0x58: {  	_ =	shalt  }
0x59: {  	_ =	shalt  }
0x5a: {  	_ =	shalt  }
0x5b: {  	_ =	shalt  }
0x5c: {  	_ =	shalt  }
0x5d: {  	_ =	shalt  }
0x5e: {  	_ =	shalt  }
0x5f: {  	_ =	shalt  }
0x60: {  	_ =	shalt  }
0x61: {  	_ =	shalt  }
0x62: {  	_ =	shalt  }
0x63: {  	_ =	shalt  }
0x64: {  	_ =	shalt  }
0x65: {  	_ =	shalt  }
0x66: {  	_ =	shalt  }
0x67: {  	_ =	shalt  }
0x68: {  	_ =	shalt  }
0x69: {  	_ =	shalt  }
0x6a: {  	_ =	shalt  }
0x6b: {  	_ =	shalt  }
0x6c: {  	_ =	shalt  }
0x6d: {  	_ =	shalt  }
0x6e: {  	_ =	shalt  }
0x6f: {  	_ =	shalt  }
0x70: {  	_ =	shalt  }
0x71: {  	_ =	shalt  }
0x72: {  	_ =	shalt  }
0x73: {  	_ =	shalt  }
0x74: {  	_ =	shalt  }
0x75: {  	_ =	shalt  }
0x76: {  	_ =	shalt  }
0x77: {  	_ =	shalt  }
0x78: {  	_ =	shalt  }
0x79: {  	_ =	shalt  }
0x7a: {  	_ =	shalt  }
0x7b: {  	_ =	shalt  }
0x7c: {  	_ =	shalt  }
0x7d: {  	_ =	shalt  }
0x7e: {  	_ =	shalt  }
0x7f: {  	_ =	shalt  }
0x80: {  	_ =	shalt  }
0x81: {  	_ =	shalt  }
0x82: {  	_ =	shalt  }
0x83: {  	_ =	shalt  }
0x84: {  	_ =	shalt  }
0x85: {  	_ =	shalt  }
0x86: {  	_ =	shalt  }
0x87: {  	_ =	shalt  }
.Lfunc_end0:
.L_simem_size_0:
called_computation_lowered:
.L_overlay_start_0:
0x88: {  	s2 =	sld [smem:$0x3FD9]  }
0x89: {  	s3 =	sld [smem:$0x3FFE];
	_ =	sdelay $0x1  }
0x8a: {  	s1 =	srdreg.scid  }
0x8b: {  	s0 =	sand.u32 $0x1, s1  }
0x8c: {  	s17 =	sshll.u32 s0, $0xA;
	s2 =	sadd.s32 s3, s2  }
0x8d: {  	s2 =	sadd.s32 s2, s17  }
0x8e: {  	[smem:$0x3FC6] =	sst s2  }
0x8f: {  	_ = 	snop  }
0x90: {  	s2 =	sld [smem:$0x3FD0];
	(tm) =	ssettm $0x1  }
0x91: {  	s18 =	sld [smem:$0x3FFB];
	_ =	sdelay $0x3  }
0x92: {  	_ =	strace s18  }
0x93: {  	s3 =	sld [smem:$0x3FFC];
	_ =	sdelay $0x3  }
0x94: {  	_ =	strace s3  }
0x95: {  	s3 =	sld [smem:$0x3FFD];
	_ =	sdelay $0x3  }
0x96: {  	_ =	strace s3  }
0x97: {  	_ =	strace $0x8FFFFFFF  }
0x98: {  	s19 =	sld [smem:$0x3FDB];
	_ =	sdelay $0x1  }
0x99: {  	s4 =	simm.s32 $_scs_section_size  }
0x9a: {  	s5 =	simm.s32 $_size__tile_overlayer_lowered;
	s6 =	simm.s32 $_tile_overlayer_lowered  }
0x9b: {  	s22 =	simm.s32 $0x1BFF;
	s21 =	sshll.u32 s6, $0x1;
	s3 =	sadd.s32 s4, s19  }
0x9c: {  	s7 =	simm.s32 $0x0;
	s20 =	sshll.u32 s5, $0x1;
	s5 =	sadd.s32 s21, s3  }
0x9d: {  	[timem:s7], [sflag:s22] =	dma.local [hbm:s5], s20  }
0x9e: {  	_ =	swait.ge [sflag:s22], s20  }
0x9f: {  	s4 =	ssub.s32 $0x0, s20;
	[sflag:s22] =	ssyncset.done $0x0  }
0xa0: {  	[sflag:s22] =	ssyncadd.s32 s4;
	_ =	sdelay $0x1  }
0xa1: {  	s23 =	simm.s32 $0x1B8B  }
0xa2: {  	_ =	swait.ge [sflag:s23], $0x1  }
0xa3: {  	[sflag:s23] =	ssyncset.done $0x0  }
0xa4: {  	s25 =	simm.s32 $0x1B8E;
	s24 =	sld [smem:$0x3FFE];
	[sflag:s23] =	ssyncadd.s32 $0xFFFFFFFF  }
0xa5: {  	s26 =	simm.s32 $execute0_lowered;
	[smem:$0x3FD2] =	sst s25  }
0xa6: {  	s5 =	sshll.u32 s26, $0x1;
	_ =	strace $0x80000046;
	[dreg:$0x1] =	wrdreg $0xFFFFFFFF  }
0xa7: {  	s28 =	simm.s32 $_size_execute0_lowered;
	s3 =	sadd.s32 s3, s5;
	[dreg:$0x0] =	wrdreg $0x0  }
0xa8: {  	s5 =	sshll.u32 s28, $0x1;
	[dreg:$0x2] =	wrdreg s3  }
0xa9: {  	[dreg:$0x3] =	wrdreg s5  }
0xaa: {  	[dreg:$0x4] =	wrdreg $0xC0  }
0xab: {  	_ =	task [dreg:s7], $0x5FFFF  }
0xac: {  	[dreg:$0x1] =	wrdreg $0xFFFFFFFF  }
0xad: {  	[dreg:$0x0] =	wrdreg $0x60  }
0xae: {  	[dreg:$0x2] =	wrdreg s2  }
0xaf: {  	[dreg:$0x3] =	wrdreg s24  }
0xb0: {  	[dreg:$0x4] =	wrdreg $0x9  }
0xb1: {  	_ =	task.clear_ibuf [dreg:s7], $0x5FFFF;
	_ =	strace $0x90000046  }
0xb2: {  	s29 =	simm.s32 $0x9;
	_ =	strace $0x80000048  }
0xb3: {  	_ =	swait.ge [sflag:s29], $0x1  }
0xb4: {  	[sflag:s29] =	ssyncadd.s32 $0xFFFFFFFF  }
0xb5: {  	_ =	strace $0x90000048  }
0xb6: {  	_ =	sfence  }
0xb7: {  	s30 =	sld [smem:$0x0];
	_ =	sdelay $0x2  }
0xb8: {  	s31 =	sshll.u32 s1, $0xD;
	s1 =	sshrl.u32 s1, $0x2  }
0xb9: {  	s3 =	sand.u32 $0x4000, s31;
	s1 =	sadd.s32 s1, s30  }
0xba: {  	s0 =	sor.u32 s3, s0;
	s1 =	sshll.u32 s1, $0x11  }
0xbb: {  	s0 =	sor.u32 s1, s0  }
0xbc: {  	s0 =	sadd.s32 $0x8F2B, s0  }
0xbd: {  	[sflag:s0] =	ssyncadd.remote.s32 $0x1  }
0xbe: {  	_ =	sfence.sel $0xFFFF  }
0xbf: {  	[dreg:$0x0] =	wrdreg $0xFFFFFFFF;
	(pc) =	sbr.abs _section_cstart, $3  }
0xc0: {  	[dreg:$0x1] =	wrdreg $0xFFFFFFFF  }
0xc1: {  	_ =	task.clear_ibuf [dreg:s7], $0x2FFFF;
	_ =	strace $0x9FFFFFFF  }
0xc2: {  	(tm) =	ssettm $0x7FFFFFFF  }
0xc3: {  	_ =	shalt  }
tec
execute0_lowered:
.L_overlay_start_1:
0x0: {  	(tag) =	ssettag $0x1  }
0x1: {  	s0 =	rddreg [dreg:$0x0]  }
0x2: {  	s1 =	rddreg [dreg:$0x1];
	s3 =	srdreg.scid  }
0x3: {  	s5 =	stileid.u32;
	s2 =	simm.s32 $0x0;
	s16 =	simm.s32 $0x5  }
0x4: {  	s17 =	simm.s32 $0x200;
	s19 =	simm.s32 $0x2800;
	s21 =	simm.s32 $0xA800  }
0x5: {  	s22 =	simm.s32 $0x1;
	s23 =	simm.s32 $0x3;
	s25 =	simm.s32 $0x2  }
0x6: {  	s26 =	simm.s32 $0x4;
	s4 =	sand.u32 $0x1, s3;
	s30 =	sshll.u32 s5, $0x1  }
0x7: {  	s31 =	simm.s32 $0x2000;
	s18 =	simm.s32 $0x2600;
	s5 =	sor.u32 s4, s30  }
0x8: {  	s20 =	simm.s32 $0x0;
	[smem:$0x7FF] =	sst s2;
	s6 =	smul.u32 $0x50000, s5  }
0x9: {  	s3 =	sadd.s32 $0xA00, s1;
	s4 =	ssub.s32 $0x2, s4;
	s7 =	smul.u32 $0xA000, s5  }
0xa: {  	s1 =	sadd.s32 $0x7A1C00, s1;
	s8 =	sshrl.u32 s4, $0x1;
	s5 =	smul.u32 $0x280, s5  }
0xb: {  	_ =	strace $0x80000047;
	s15 =	ssub.s32 s4, s8;
	s6 =	sshrl.u32 s6, $0x3  }
0xc: {  	s4 =	sadd.s32 s1, s7;
	s5 =	sadd.s32 s0, s5;
	s15 =	smax.u32 s15, $0x1  }
0xd: {  	s0 =	simm.s32 $0x2200;
	s1 =	sadd.s32 s1, s6;
	s6 =	sadd.s32 $0x1000, s4  }
0xe: {  	s7 =	sadd.s32 $0x2000, s1;
	s8 =	sadd.s32 $0x3000, s1;
	s9 =	sadd.s32 $0x4000, s1  }
0xf: {  	s10 =	sadd.s32 $0x5000, s1;
	s11 =	sadd.s32 $0x6000, s1;
	s12 =	sadd.s32 $0x7000, s1  }
0x10: {  	v0 =	vimm.s32 $0x0;
	s13 =	sadd.s32 $0x8000, s1;
	s14 =	sadd.s32 $0x9000, s1;
	s1 =	simm.s32 $0x2400  }
.LBB2_1:
0x11: {  	[tilespmem:s2], [sflag:$0x5] =	stream.linear.gather [hbm4b:s5+s2], $0x1400, $0x38;
	[tilespmem:$0x12800] =	vst v63  }
0x12: {  	_ =	swait.ge [sflag:s16], $0x1400  }
0x13: {  	[sflag:s16] =	ssyncset.done $0x0  }
0x14: {  	s24 =	simm.s32 $0x0;
	[sflag:s16] =	ssyncadd.s32 $0xFFFFEC00  }
0x15: {  	v4 =	vld [tilespmem:s24+$0x0];
	_ =	sdelay $0x4  }
0x16: {  	vm0 =	vgt.s32 v4, $0xEFFFF;
	v1 =	vadd.s32 $0xFFF10000, v4;
	v2 =	vand.u32 $0x7FFF, v4  }
0x17: {  	v5 =	vsel vm0, v1, v2  }
0x18: {  	s28 =	simm.s32 $0x10;
	vm1 =	vgt.s32 v5, $0x211F;
	v1 =	vadd.s32 $0x7FFFDEE0, v5  }
0x19: {  	v6 =	vsel vm1, v1, v5;
	v1 =	vld [tilespmem:s28+$0x0];
	_ =	sdelay $0x2  }
0x1a: {  	v3 =	vand.u32 $0x3FFF, v4;
	v8 =	vshrl.u32 v2, $0xE;
	v7 =	vsel vm1, $0x1, v0  }
0x1b: {  	s29 =	simm.s32 $0x80;
	v4 =	vsub.s32 v4, v5;
	v2 =	vsel vm0, v6, v3;
	v3 =	vsel vm0, v7, v8  }
.LBB2_2:
0x1c: {  	s30 =	sshra.s32 s29, $0x2;
	vm0 =	vgt.s32 v1, $0xEFFFF;
	v2 =	vshll.u32 v2, $0x1;
	v3 =	vadd.s32 v3, v4;
	v4 =	vmovc v1;
	p0 =	sne.s32 s29, $0x7C0  }
.Ltmp0:
0x1d: {  	s29 =	sadd.s32 $0x40, s29;
	v1 =	vld [tilespmem:s30+$0x0];
	v5 =	vadd.s32 $0xFFF10000, v4;
	v6 =	vand.u32 $0x7FFF, v4;
	v2 =	vadd.s32 v2, v3;
	(pc) =	sbr.rel @p0 .LBB2_2-.Ltmp0, $4  }
0x1e: {  	v5 =	vsel vm0, v5, v6;
	[tilespmem:s24+$0x1400] =	vst v2;
	s24 =	smov.u32 s28;
	s28 =	smov.u32 s30  }
0x1f: {  	v3 =	vand.u32 $0x3FFF, v4;
	vm1 =	vgt.s32 v5, $0x211F;
	v2 =	vadd.s32 $0x7FFFDEE0, v5  }
0x20: {  	v6 =	vshrl.u32 v6, $0xE;
	v2 =	vsel vm1, v2, v5;
	v7 =	vsel vm1, $0x1, v0  }
0x21: {  	v4 =	vsub.s32 v4, v5;
	v2 =	vsel vm0, v2, v3;
	v3 =	vsel vm0, v7, v6  }
0x22: {  	vm0 =	vgt.s32 v1, $0xEFFFF;
	v5 =	vadd.s32 $0xFFF10000, v1;
	v6 =	vand.u32 $0x7FFF, v1  }
0x23: {  	v5 =	vsel vm0, v5, v6  }
0x24: {  	vm1 =	vgt.s32 v5, $0x211F;
	v7 =	vadd.s32 $0x7FFFDEE0, v5  }
0x25: {  	v3 =	vadd.s32 v3, v4;
	v4 =	vand.u32 $0x3FFF, v1;
	v7 =	vsel vm1, v7, v5  }
0x26: {  	v6 =	vshrl.u32 v6, $0xE;
	v4 =	vsel vm0, v7, v4;
	v7 =	vsel vm1, $0x1, v0  }
0x27: {  	v2 =	vshll.u32 v2, $0x1;
	v1 =	vsub.s32 v1, v5;
	v6 =	vsel vm0, v7, v6  }
0x28: {  	v2 =	vadd.s32 v2, v3;
	v3 =	vshll.u32 v4, $0x1;
	v1 =	vadd.s32 v6, v1  }
0x29: {  	[tilespmem:s24+$0x1400] =	vst v2;
	v1 =	vadd.s32 v3, v1  }
0x2a: {  	s30 =	simm.s32 $0x1400;
	s24 =	simm.s32 $0x0;
	[tilespmem:s28+$0x1400] =	vst v1  }
0x2b: {  	[tilespmem:s19], [sflag:$0x1] =	stream.indirect.gather [hbm4b:s3+s17], $0x40, s30, s17, $0xb8;
	[tilespmem:$0x12800] =	vst v63  }
0x2c: {  	v4 =	vld [tilespmem:s24+$0x200];
	_ =	sdelay $0x4  }
0x2d: {  	vm14 =	vgt.s32 v4, $0xEFFFF;
	v1 =	vadd.s32 $0xFFF10000, v4;
	v2 =	vand.u32 $0x7FFF, v4  }
0x2e: {  	v5 =	vsel vm14, v1, v2  }
0x2f: {  	s28 =	simm.s32 $0x10;
	vm15 =	vgt.s32 v5, $0x211F;
	v1 =	vadd.s32 $0x7FFFDEE0, v5  }
0x30: {  	v6 =	vsel vm15, v1, v5;
	v1 =	vld [tilespmem:s28+$0x200];
	_ =	sdelay $0x2  }
0x31: {  	v3 =	vand.u32 $0x3FFF, v4;
	v8 =	vshrl.u32 v2, $0xE;
	v7 =	vsel vm15, $0x1, v0  }
0x32: {  	s29 =	simm.s32 $0x80;
	v4 =	vsub.s32 v4, v5;
	v2 =	vsel vm14, v6, v3;
	v3 =	vsel vm14, v7, v8  }
.LBB2_4:
0x33: {  	s30 =	sshra.s32 s29, $0x2;
	vm0 =	vgt.s32 v1, $0xEFFFF;
	v2 =	vshll.u32 v2, $0x1;
	v3 =	vadd.s32 v3, v4;
	v4 =	vmovc v1;
	p0 =	sne.s32 s29, $0x7C0  }
.Ltmp1:
0x34: {  	s29 =	sadd.s32 $0x40, s29;
	v1 =	vld [tilespmem:s30+$0x200];
	v5 =	vadd.s32 $0xFFF10000, v4;
	v6 =	vand.u32 $0x7FFF, v4;
	v2 =	vadd.s32 v2, v3;
	(pc) =	sbr.rel @p0 .LBB2_4-.Ltmp1, $4  }
0x35: {  	v5 =	vsel vm0, v5, v6;
	[tilespmem:s24+$0x1600] =	vst v2;
	s24 =	smov.u32 s28;
	s28 =	smov.u32 s30  }
0x36: {  	v3 =	vand.u32 $0x3FFF, v4;
	vm1 =	vgt.s32 v5, $0x211F;
	v2 =	vadd.s32 $0x7FFFDEE0, v5  }
0x37: {  	v6 =	vshrl.u32 v6, $0xE;
	v2 =	vsel vm1, v2, v5;
	v7 =	vsel vm1, $0x1, v0  }
0x38: {  	v4 =	vsub.s32 v4, v5;
	v2 =	vsel vm0, v2, v3;
	v3 =	vsel vm0, v7, v6  }
0x39: {  	vm0 =	vgt.s32 v1, $0xEFFFF;
	v5 =	vadd.s32 $0xFFF10000, v1;
	v6 =	vand.u32 $0x7FFF, v1  }
0x3a: {  	v5 =	vsel vm0, v5, v6  }
0x3b: {  	vm1 =	vgt.s32 v5, $0x211F;
	v7 =	vadd.s32 $0x7FFFDEE0, v5  }
0x3c: {  	v3 =	vadd.s32 v3, v4;
	v4 =	vand.u32 $0x3FFF, v1;
	v7 =	vsel vm1, v7, v5  }
0x3d: {  	v6 =	vshrl.u32 v6, $0xE;
	v4 =	vsel vm0, v7, v4;
	v7 =	vsel vm1, $0x1, v0  }
0x3e: {  	v2 =	vshll.u32 v2, $0x1;
	v1 =	vsub.s32 v1, v5;
	v6 =	vsel vm0, v7, v6  }
0x3f: {  	v2 =	vadd.s32 v2, v3;
	v3 =	vshll.u32 v4, $0x1;
	v1 =	vadd.s32 v6, v1  }
0x40: {  	[tilespmem:s24+$0x1600] =	vst v2;
	v1 =	vadd.s32 v3, v1  }
0x41: {  	s30 =	simm.s32 $0x1600;
	[tilespmem:s28+$0x1600] =	vst v1  }
0x42: {  	[tilespmem:s21], [sflag:$0x2] =	stream.indirect.gather [hbm4b:s3+s17], $0x40, s30, s17, $0xb8;
	[tilespmem:$0x12800] =	vst v63  }
0x43: {  	_ =	swait.ge [sflag:s22], $0x8000  }
0x44: {  	[sflag:s22] =	ssyncset.done $0x0  }
0x45: {  	s24 =	simm.s32 $0x0;
	s30 =	simm.s32 $0x0;
	[sflag:s22] =	ssyncadd.s32 $0xFFFF8000  }
0x46: {  	[hbm4b:s4+s30] =	stream.linear.scatter [tilespmem:s19], [sflag:$0x3], $0x8000, $0x38;
	[tilespmem:$0x12800] =	vst v63  }
0x47: {  	v4 =	vld [tilespmem:s24+$0x400];
	_ =	sdelay $0x4  }
0x48: {  	vm14 =	vgt.s32 v4, $0xEFFFF;
	v1 =	vadd.s32 $0xFFF10000, v4;
	v2 =	vand.u32 $0x7FFF, v4  }
0x49: {  	v5 =	vsel vm14, v1, v2  }
0x4a: {  	s28 =	simm.s32 $0x10;
	vm15 =	vgt.s32 v5, $0x211F;
	v1 =	vadd.s32 $0x7FFFDEE0, v5  }
0x4b: {  	v6 =	vsel vm15, v1, v5;
	v1 =	vld [tilespmem:s28+$0x400];
	_ =	sdelay $0x2  }
0x4c: {  	v3 =	vand.u32 $0x3FFF, v4;
	v8 =	vshrl.u32 v2, $0xE;
	v7 =	vsel vm15, $0x1, v0  }
0x4d: {  	s29 =	simm.s32 $0x80;
	v4 =	vsub.s32 v4, v5;
	v2 =	vsel vm14, v6, v3;
	v3 =	vsel vm14, v7, v8  }
.LBB2_6:
0x4e: {  	s30 =	sshra.s32 s29, $0x2;
	vm0 =	vgt.s32 v1, $0xEFFFF;
	v2 =	vshll.u32 v2, $0x1;
	v3 =	vadd.s32 v3, v4;
	v4 =	vmovc v1;
	p0 =	sne.s32 s29, $0x7C0  }
.Ltmp2:
0x4f: {  	s29 =	sadd.s32 $0x40, s29;
	v1 =	vld [tilespmem:s30+$0x400];
	v5 =	vadd.s32 $0xFFF10000, v4;
	v6 =	vand.u32 $0x7FFF, v4;
	v2 =	vadd.s32 v2, v3;
	(pc) =	sbr.rel @p0 .LBB2_6-.Ltmp2, $4  }
0x50: {  	v5 =	vsel vm0, v5, v6;
	[tilespmem:s24+$0x1800] =	vst v2;
	s24 =	smov.u32 s28;
	s28 =	smov.u32 s30  }
0x51: {  	v3 =	vand.u32 $0x3FFF, v4;
	vm1 =	vgt.s32 v5, $0x211F;
	v2 =	vadd.s32 $0x7FFFDEE0, v5  }
0x52: {  	v6 =	vshrl.u32 v6, $0xE;
	v2 =	vsel vm1, v2, v5;
	v7 =	vsel vm1, $0x1, v0  }
0x53: {  	v4 =	vsub.s32 v4, v5;
	v2 =	vsel vm0, v2, v3;
	v3 =	vsel vm0, v7, v6  }
0x54: {  	vm0 =	vgt.s32 v1, $0xEFFFF;
	v5 =	vadd.s32 $0xFFF10000, v1;
	v6 =	vand.u32 $0x7FFF, v1  }
0x55: {  	v5 =	vsel vm0, v5, v6  }
0x56: {  	vm1 =	vgt.s32 v5, $0x211F;
	v7 =	vadd.s32 $0x7FFFDEE0, v5  }
0x57: {  	v3 =	vadd.s32 v3, v4;
	v4 =	vand.u32 $0x3FFF, v1;
	v7 =	vsel vm1, v7, v5  }
0x58: {  	v6 =	vshrl.u32 v6, $0xE;
	v4 =	vsel vm0, v7, v4;
	v7 =	vsel vm1, $0x1, v0  }
0x59: {  	v2 =	vshll.u32 v2, $0x1;
	v1 =	vsub.s32 v1, v5;
	v6 =	vsel vm0, v7, v6  }
0x5a: {  	v2 =	vadd.s32 v2, v3;
	v3 =	vshll.u32 v4, $0x1;
	v1 =	vadd.s32 v6, v1  }
0x5b: {  	[tilespmem:s24+$0x1800] =	vst v2;
	v1 =	vadd.s32 v3, v1  }
0x5c: {  	[tilespmem:s28+$0x1800] =	vst v1  }
0x5d: {  	_ =	swait.ge [sflag:s23], $0x8000  }
0x5e: {  	[sflag:s23] =	ssyncset.done $0x0  }
0x5f: {  	s30 =	simm.s32 $0x1800;
	[sflag:s23] =	ssyncadd.s32 $0xFFFF8000  }
0x60: {  	[tilespmem:s19], [sflag:$0x1] =	stream.indirect.gather [hbm4b:s3+s17], $0x40, s30, s17, $0xb8;
	[tilespmem:$0x12800] =	vst v63  }
0x61: {  	_ =	swait.ge [sflag:s25], $0x8000  }
0x62: {  	[sflag:s25] =	ssyncset.done $0x0  }
0x63: {  	s24 =	simm.s32 $0x0;
	s30 =	simm.s32 $0x0;
	[sflag:s25] =	ssyncadd.s32 $0xFFFF8000  }
0x64: {  	[hbm4b:s6+s30] =	stream.linear.scatter [tilespmem:s21], [sflag:$0x4], $0x8000, $0x38;
	[tilespmem:$0x12800] =	vst v63  }
0x65: {  	v4 =	vld [tilespmem:s24+$0x600];
	_ =	sdelay $0x4  }
0x66: {  	vm14 =	vgt.s32 v4, $0xEFFFF;
	v1 =	vadd.s32 $0xFFF10000, v4;
	v2 =	vand.u32 $0x7FFF, v4  }
0x67: {  	v5 =	vsel vm14, v1, v2  }
0x68: {  	s28 =	simm.s32 $0x10;
	vm15 =	vgt.s32 v5, $0x211F;
	v1 =	vadd.s32 $0x7FFFDEE0, v5  }
0x69: {  	v6 =	vsel vm15, v1, v5;
	v1 =	vld [tilespmem:s28+$0x600];
	_ =	sdelay $0x2  }
0x6a: {  	v3 =	vand.u32 $0x3FFF, v4;
	v8 =	vshrl.u32 v2, $0xE;
	v7 =	vsel vm15, $0x1, v0  }
0x6b: {  	s29 =	simm.s32 $0x80;
	v4 =	vsub.s32 v4, v5;
	v2 =	vsel vm14, v6, v3;
	v3 =	vsel vm14, v7, v8  }
.LBB2_8:
0x6c: {  	s30 =	sshra.s32 s29, $0x2;
	vm0 =	vgt.s32 v1, $0xEFFFF;
	v2 =	vshll.u32 v2, $0x1;
	v3 =	vadd.s32 v3, v4;
	v4 =	vmovc v1;
	p0 =	sne.s32 s29, $0x7C0  }
.Ltmp3:
0x6d: {  	s29 =	sadd.s32 $0x40, s29;
	v1 =	vld [tilespmem:s30+$0x600];
	v5 =	vadd.s32 $0xFFF10000, v4;
	v6 =	vand.u32 $0x7FFF, v4;
	v2 =	vadd.s32 v2, v3;
	(pc) =	sbr.rel @p0 .LBB2_8-.Ltmp3, $4  }
0x6e: {  	v5 =	vsel vm0, v5, v6;
	[tilespmem:s24+$0x1A00] =	vst v2;
	s24 =	smov.u32 s28;
	s28 =	smov.u32 s30  }
0x6f: {  	v3 =	vand.u32 $0x3FFF, v4;
	vm1 =	vgt.s32 v5, $0x211F;
	v2 =	vadd.s32 $0x7FFFDEE0, v5  }
0x70: {  	v6 =	vshrl.u32 v6, $0xE;
	v2 =	vsel vm1, v2, v5;
	v7 =	vsel vm1, $0x1, v0  }
0x71: {  	v4 =	vsub.s32 v4, v5;
	v2 =	vsel vm0, v2, v3;
	v3 =	vsel vm0, v7, v6  }
0x72: {  	vm0 =	vgt.s32 v1, $0xEFFFF;
	v5 =	vadd.s32 $0xFFF10000, v1;
	v6 =	vand.u32 $0x7FFF, v1  }
0x73: {  	v5 =	vsel vm0, v5, v6  }
0x74: {  	vm1 =	vgt.s32 v5, $0x211F;
	v7 =	vadd.s32 $0x7FFFDEE0, v5  }
0x75: {  	v3 =	vadd.s32 v3, v4;
	v4 =	vand.u32 $0x3FFF, v1;
	v7 =	vsel vm1, v7, v5  }
0x76: {  	v6 =	vshrl.u32 v6, $0xE;
	v4 =	vsel vm0, v7, v4;
	v7 =	vsel vm1, $0x1, v0  }
0x77: {  	v2 =	vshll.u32 v2, $0x1;
	v1 =	vsub.s32 v1, v5;
	v6 =	vsel vm0, v7, v6  }
0x78: {  	v2 =	vadd.s32 v2, v3;
	v3 =	vshll.u32 v4, $0x1;
	v1 =	vadd.s32 v6, v1  }
0x79: {  	[tilespmem:s24+$0x1A00] =	vst v2;
	v1 =	vadd.s32 v3, v1  }
0x7a: {  	[tilespmem:s28+$0x1A00] =	vst v1  }
0x7b: {  	_ =	swait.ge [sflag:s26], $0x8000  }
0x7c: {  	[sflag:s26] =	ssyncset.done $0x0  }
0x7d: {  	s30 =	simm.s32 $0x1A00;
	[sflag:s26] =	ssyncadd.s32 $0xFFFF8000  }
0x7e: {  	[tilespmem:s21], [sflag:$0x2] =	stream.indirect.gather [hbm4b:s3+s17], $0x40, s30, s17, $0xb8;
	[tilespmem:$0x12800] =	vst v63  }
0x7f: {  	_ =	swait.ge [sflag:s22], $0x8000  }
0x80: {  	[sflag:s22] =	ssyncset.done $0x0  }
0x81: {  	s24 =	simm.s32 $0x0;
	s30 =	simm.s32 $0x0;
	[sflag:s22] =	ssyncadd.s32 $0xFFFF8000  }
0x82: {  	[hbm4b:s7+s30] =	stream.linear.scatter [tilespmem:s19], [sflag:$0x3], $0x8000, $0x38;
	[tilespmem:$0x12800] =	vst v63  }
0x83: {  	v4 =	vld [tilespmem:s24+$0x800];
	_ =	sdelay $0x4  }
0x84: {  	vm14 =	vgt.s32 v4, $0xEFFFF;
	v1 =	vadd.s32 $0xFFF10000, v4;
	v2 =	vand.u32 $0x7FFF, v4  }
0x85: {  	v5 =	vsel vm14, v1, v2  }
0x86: {  	s28 =	simm.s32 $0x10;
	vm15 =	vgt.s32 v5, $0x211F;
	v1 =	vadd.s32 $0x7FFFDEE0, v5  }
0x87: {  	v6 =	vsel vm15, v1, v5;
	v1 =	vld [tilespmem:s28+$0x800];
	_ =	sdelay $0x2  }
0x88: {  	v3 =	vand.u32 $0x3FFF, v4;
	v8 =	vshrl.u32 v2, $0xE;
	v7 =	vsel vm15, $0x1, v0  }
0x89: {  	s29 =	simm.s32 $0x80;
	v4 =	vsub.s32 v4, v5;
	v2 =	vsel vm14, v6, v3;
	v3 =	vsel vm14, v7, v8  }
.LBB2_10:
0x8a: {  	s30 =	sshra.s32 s29, $0x2;
	vm0 =	vgt.s32 v1, $0xEFFFF;
	v2 =	vshll.u32 v2, $0x1;
	v3 =	vadd.s32 v3, v4;
	v4 =	vmovc v1;
	p0 =	sne.s32 s29, $0x7C0  }
.Ltmp4:
0x8b: {  	s29 =	sadd.s32 $0x40, s29;
	v1 =	vld [tilespmem:s30+$0x800];
	v5 =	vadd.s32 $0xFFF10000, v4;
	v6 =	vand.u32 $0x7FFF, v4;
	v2 =	vadd.s32 v2, v3;
	(pc) =	sbr.rel @p0 .LBB2_10-.Ltmp4, $4  }
0x8c: {  	v5 =	vsel vm0, v5, v6;
	[tilespmem:s24+$0x1C00] =	vst v2;
	s24 =	smov.u32 s28;
	s28 =	smov.u32 s30  }
0x8d: {  	v3 =	vand.u32 $0x3FFF, v4;
	vm1 =	vgt.s32 v5, $0x211F;
	v2 =	vadd.s32 $0x7FFFDEE0, v5  }
0x8e: {  	v6 =	vshrl.u32 v6, $0xE;
	v2 =	vsel vm1, v2, v5;
	v7 =	vsel vm1, $0x1, v0  }
0x8f: {  	v4 =	vsub.s32 v4, v5;
	v2 =	vsel vm0, v2, v3;
	v3 =	vsel vm0, v7, v6  }
0x90: {  	vm0 =	vgt.s32 v1, $0xEFFFF;
	v5 =	vadd.s32 $0xFFF10000, v1;
	v6 =	vand.u32 $0x7FFF, v1  }
0x91: {  	v5 =	vsel vm0, v5, v6  }
0x92: {  	vm1 =	vgt.s32 v5, $0x211F;
	v7 =	vadd.s32 $0x7FFFDEE0, v5  }
0x93: {  	v3 =	vadd.s32 v3, v4;
	v4 =	vand.u32 $0x3FFF, v1;
	v7 =	vsel vm1, v7, v5  }
0x94: {  	v6 =	vshrl.u32 v6, $0xE;
	v4 =	vsel vm0, v7, v4;
	v7 =	vsel vm1, $0x1, v0  }
0x95: {  	v2 =	vshll.u32 v2, $0x1;
	v1 =	vsub.s32 v1, v5;
	v6 =	vsel vm0, v7, v6  }
0x96: {  	v2 =	vadd.s32 v2, v3;
	v3 =	vshll.u32 v4, $0x1;
	v1 =	vadd.s32 v6, v1  }
0x97: {  	[tilespmem:s24+$0x1C00] =	vst v2;
	v1 =	vadd.s32 v3, v1  }
0x98: {  	[tilespmem:s28+$0x1C00] =	vst v1  }
0x99: {  	_ =	swait.ge [sflag:s23], $0x8000  }
0x9a: {  	[sflag:s23] =	ssyncset.done $0x0  }
0x9b: {  	s30 =	simm.s32 $0x1C00;
	[sflag:s23] =	ssyncadd.s32 $0xFFFF8000  }
0x9c: {  	[tilespmem:s19], [sflag:$0x1] =	stream.indirect.gather [hbm4b:s3+s17], $0x40, s30, s17, $0xb8;
	[tilespmem:$0x12800] =	vst v63  }
0x9d: {  	_ =	swait.ge [sflag:s25], $0x8000  }
0x9e: {  	[sflag:s25] =	ssyncset.done $0x0  }
0x9f: {  	s24 =	simm.s32 $0x0;
	s30 =	simm.s32 $0x0;
	[sflag:s25] =	ssyncadd.s32 $0xFFFF8000  }
0xa0: {  	[hbm4b:s8+s30] =	stream.linear.scatter [tilespmem:s21], [sflag:$0x4], $0x8000, $0x38;
	[tilespmem:$0x12800] =	vst v63  }
0xa1: {  	v4 =	vld [tilespmem:s24+$0xA00];
	_ =	sdelay $0x4  }
0xa2: {  	vm14 =	vgt.s32 v4, $0xEFFFF;
	v1 =	vadd.s32 $0xFFF10000, v4;
	v2 =	vand.u32 $0x7FFF, v4  }
0xa3: {  	v5 =	vsel vm14, v1, v2  }
0xa4: {  	s28 =	simm.s32 $0x10;
	vm15 =	vgt.s32 v5, $0x211F;
	v1 =	vadd.s32 $0x7FFFDEE0, v5  }
0xa5: {  	v6 =	vsel vm15, v1, v5;
	v1 =	vld [tilespmem:s28+$0xA00];
	_ =	sdelay $0x2  }
0xa6: {  	v3 =	vand.u32 $0x3FFF, v4;
	v8 =	vshrl.u32 v2, $0xE;
	v7 =	vsel vm15, $0x1, v0  }
0xa7: {  	s29 =	simm.s32 $0x80;
	v4 =	vsub.s32 v4, v5;
	v2 =	vsel vm14, v6, v3;
	v3 =	vsel vm14, v7, v8  }
.LBB2_12:
0xa8: {  	s30 =	sshra.s32 s29, $0x2;
	vm0 =	vgt.s32 v1, $0xEFFFF;
	v2 =	vshll.u32 v2, $0x1;
	v3 =	vadd.s32 v3, v4;
	v4 =	vmovc v1;
	p0 =	sne.s32 s29, $0x7C0  }
.Ltmp5:
0xa9: {  	s29 =	sadd.s32 $0x40, s29;
	v1 =	vld [tilespmem:s30+$0xA00];
	v5 =	vadd.s32 $0xFFF10000, v4;
	v6 =	vand.u32 $0x7FFF, v4;
	v2 =	vadd.s32 v2, v3;
	(pc) =	sbr.rel @p0 .LBB2_12-.Ltmp5, $4  }
0xaa: {  	v5 =	vsel vm0, v5, v6;
	[tilespmem:s24+$0x1E00] =	vst v2;
	s24 =	smov.u32 s28;
	s28 =	smov.u32 s30  }
0xab: {  	v3 =	vand.u32 $0x3FFF, v4;
	vm1 =	vgt.s32 v5, $0x211F;
	v2 =	vadd.s32 $0x7FFFDEE0, v5  }
0xac: {  	v6 =	vshrl.u32 v6, $0xE;
	v2 =	vsel vm1, v2, v5;
	v7 =	vsel vm1, $0x1, v0  }
0xad: {  	v4 =	vsub.s32 v4, v5;
	v2 =	vsel vm0, v2, v3;
	v3 =	vsel vm0, v7, v6  }
0xae: {  	vm0 =	vgt.s32 v1, $0xEFFFF;
	v5 =	vadd.s32 $0xFFF10000, v1;
	v6 =	vand.u32 $0x7FFF, v1  }
0xaf: {  	v5 =	vsel vm0, v5, v6  }
0xb0: {  	vm1 =	vgt.s32 v5, $0x211F;
	v7 =	vadd.s32 $0x7FFFDEE0, v5  }
0xb1: {  	v3 =	vadd.s32 v3, v4;
	v4 =	vand.u32 $0x3FFF, v1;
	v7 =	vsel vm1, v7, v5  }
0xb2: {  	v6 =	vshrl.u32 v6, $0xE;
	v4 =	vsel vm0, v7, v4;
	v7 =	vsel vm1, $0x1, v0  }
0xb3: {  	v2 =	vshll.u32 v2, $0x1;
	v1 =	vsub.s32 v1, v5;
	v6 =	vsel vm0, v7, v6  }
0xb4: {  	v2 =	vadd.s32 v2, v3;
	v3 =	vshll.u32 v4, $0x1;
	v1 =	vadd.s32 v6, v1  }
0xb5: {  	[tilespmem:s24+$0x1E00] =	vst v2;
	v1 =	vadd.s32 v3, v1  }
0xb6: {  	[tilespmem:s28+$0x1E00] =	vst v1  }
0xb7: {  	_ =	swait.ge [sflag:s26], $0x8000  }
0xb8: {  	[sflag:s26] =	ssyncset.done $0x0  }
0xb9: {  	s30 =	simm.s32 $0x1E00;
	[sflag:s26] =	ssyncadd.s32 $0xFFFF8000  }
0xba: {  	[tilespmem:s21], [sflag:$0x2] =	stream.indirect.gather [hbm4b:s3+s17], $0x40, s30, s17, $0xb8;
	[tilespmem:$0x12800] =	vst v63  }
0xbb: {  	_ =	swait.ge [sflag:s22], $0x8000  }
0xbc: {  	[sflag:s22] =	ssyncset.done $0x0  }
0xbd: {  	s24 =	simm.s32 $0x0;
	s30 =	simm.s32 $0x0;
	[sflag:s22] =	ssyncadd.s32 $0xFFFF8000  }
0xbe: {  	[hbm4b:s9+s30] =	stream.linear.scatter [tilespmem:s19], [sflag:$0x3], $0x8000, $0x38;
	[tilespmem:$0x12800] =	vst v63  }
0xbf: {  	v4 =	vld [tilespmem:s24+$0xC00];
	_ =	sdelay $0x4  }
0xc0: {  	vm14 =	vgt.s32 v4, $0xEFFFF;
	v1 =	vadd.s32 $0xFFF10000, v4;
	v2 =	vand.u32 $0x7FFF, v4  }
0xc1: {  	v5 =	vsel vm14, v1, v2  }
0xc2: {  	s28 =	simm.s32 $0x10;
	vm15 =	vgt.s32 v5, $0x211F;
	v1 =	vadd.s32 $0x7FFFDEE0, v5  }
0xc3: {  	v6 =	vsel vm15, v1, v5;
	v1 =	vld [tilespmem:s28+$0xC00];
	_ =	sdelay $0x2  }
0xc4: {  	v3 =	vand.u32 $0x3FFF, v4;
	v8 =	vshrl.u32 v2, $0xE;
	v7 =	vsel vm15, $0x1, v0  }
0xc5: {  	s29 =	simm.s32 $0x80;
	v4 =	vsub.s32 v4, v5;
	v2 =	vsel vm14, v6, v3;
	v3 =	vsel vm14, v7, v8  }
.LBB2_14:
0xc6: {  	s30 =	sshra.s32 s29, $0x2;
	vm0 =	vgt.s32 v1, $0xEFFFF;
	v2 =	vshll.u32 v2, $0x1;
	v3 =	vadd.s32 v3, v4;
	v4 =	vmovc v1;
	p0 =	sne.s32 s29, $0x7C0  }
.Ltmp6:
0xc7: {  	s29 =	sadd.s32 $0x40, s29;
	v1 =	vld [tilespmem:s30+$0xC00];
	v5 =	vadd.s32 $0xFFF10000, v4;
	v6 =	vand.u32 $0x7FFF, v4;
	v2 =	vadd.s32 v2, v3;
	(pc) =	sbr.rel @p0 .LBB2_14-.Ltmp6, $4  }
0xc8: {  	v5 =	vsel vm0, v5, v6;
	[tilespmem:s24+$0x2000] =	vst v2;
	s24 =	smov.u32 s28;
	s28 =	smov.u32 s30  }
0xc9: {  	v3 =	vand.u32 $0x3FFF, v4;
	vm1 =	vgt.s32 v5, $0x211F;
	v2 =	vadd.s32 $0x7FFFDEE0, v5  }
0xca: {  	v6 =	vshrl.u32 v6, $0xE;
	v2 =	vsel vm1, v2, v5;
	v7 =	vsel vm1, $0x1, v0  }
0xcb: {  	v4 =	vsub.s32 v4, v5;
	v2 =	vsel vm0, v2, v3;
	v3 =	vsel vm0, v7, v6  }
0xcc: {  	vm0 =	vgt.s32 v1, $0xEFFFF;
	v5 =	vadd.s32 $0xFFF10000, v1;
	v6 =	vand.u32 $0x7FFF, v1  }
0xcd: {  	v5 =	vsel vm0, v5, v6  }
0xce: {  	vm1 =	vgt.s32 v5, $0x211F;
	v7 =	vadd.s32 $0x7FFFDEE0, v5  }
0xcf: {  	v3 =	vadd.s32 v3, v4;
	v4 =	vand.u32 $0x3FFF, v1;
	v7 =	vsel vm1, v7, v5  }
0xd0: {  	v6 =	vshrl.u32 v6, $0xE;
	v4 =	vsel vm0, v7, v4;
	v7 =	vsel vm1, $0x1, v0  }
0xd1: {  	v2 =	vshll.u32 v2, $0x1;
	v1 =	vsub.s32 v1, v5;
	v6 =	vsel vm0, v7, v6  }
0xd2: {  	v2 =	vadd.s32 v2, v3;
	v3 =	vshll.u32 v4, $0x1;
	v1 =	vadd.s32 v6, v1  }
0xd3: {  	[tilespmem:s24+$0x2000] =	vst v2;
	v1 =	vadd.s32 v3, v1  }
0xd4: {  	[tilespmem:s28+$0x2000] =	vst v1  }
0xd5: {  	_ =	swait.ge [sflag:s23], $0x8000  }
0xd6: {  	[sflag:s23] =	ssyncset.done $0x0  }
0xd7: {  	[sflag:s23] =	ssyncadd.s32 $0xFFFF8000  }
0xd8: {  	[tilespmem:s19], [sflag:$0x1] =	stream.indirect.gather [hbm4b:s3+s17], $0x40, s31, s17, $0xb8;
	[tilespmem:$0x12800] =	vst v63  }
0xd9: {  	_ =	swait.ge [sflag:s25], $0x8000  }
0xda: {  	[sflag:s25] =	ssyncset.done $0x0  }
0xdb: {  	s30 =	simm.s32 $0x0;
	s24 =	simm.s32 $0x0;
	[sflag:s25] =	ssyncadd.s32 $0xFFFF8000  }
0xdc: {  	[hbm4b:s10+s30] =	stream.linear.scatter [tilespmem:s21], [sflag:$0x4], $0x8000, $0x38;
	[tilespmem:$0x12800] =	vst v63  }
0xdd: {  	v4 =	vld [tilespmem:s24+$0xE00];
	_ =	sdelay $0x4  }
0xde: {  	vm14 =	vgt.s32 v4, $0xEFFFF;
	v1 =	vadd.s32 $0xFFF10000, v4;
	v2 =	vand.u32 $0x7FFF, v4  }
0xdf: {  	v5 =	vsel vm14, v1, v2  }
0xe0: {  	s28 =	simm.s32 $0x10;
	vm15 =	vgt.s32 v5, $0x211F;
	v1 =	vadd.s32 $0x7FFFDEE0, v5  }
0xe1: {  	v6 =	vsel vm15, v1, v5;
	v1 =	vld [tilespmem:s28+$0xE00];
	_ =	sdelay $0x2  }
0xe2: {  	v3 =	vand.u32 $0x3FFF, v4;
	v8 =	vshrl.u32 v2, $0xE;
	v7 =	vsel vm15, $0x1, v0  }
0xe3: {  	s29 =	simm.s32 $0x80;
	v4 =	vsub.s32 v4, v5;
	v2 =	vsel vm14, v6, v3;
	v3 =	vsel vm14, v7, v8  }
.LBB2_16:
0xe4: {  	s30 =	sshra.s32 s29, $0x2;
	vm0 =	vgt.s32 v1, $0xEFFFF;
	v2 =	vshll.u32 v2, $0x1;
	v3 =	vadd.s32 v3, v4;
	v4 =	vmovc v1;
	p0 =	sne.s32 s29, $0x7C0  }
.Ltmp7:
0xe5: {  	s29 =	sadd.s32 $0x40, s29;
	v1 =	vld [tilespmem:s30+$0xE00];
	v5 =	vadd.s32 $0xFFF10000, v4;
	v6 =	vand.u32 $0x7FFF, v4;
	v2 =	vadd.s32 v2, v3;
	(pc) =	sbr.rel @p0 .LBB2_16-.Ltmp7, $4  }
0xe6: {  	v5 =	vsel vm0, v5, v6;
	[tilespmem:s24+$0x2200] =	vst v2;
	s24 =	smov.u32 s28;
	s28 =	smov.u32 s30  }
0xe7: {  	v3 =	vand.u32 $0x3FFF, v4;
	vm1 =	vgt.s32 v5, $0x211F;
	v2 =	vadd.s32 $0x7FFFDEE0, v5  }
0xe8: {  	v6 =	vshrl.u32 v6, $0xE;
	v2 =	vsel vm1, v2, v5;
	v7 =	vsel vm1, $0x1, v0  }
0xe9: {  	v4 =	vsub.s32 v4, v5;
	v2 =	vsel vm0, v2, v3;
	v3 =	vsel vm0, v7, v6  }
0xea: {  	vm0 =	vgt.s32 v1, $0xEFFFF;
	v5 =	vadd.s32 $0xFFF10000, v1;
	v6 =	vand.u32 $0x7FFF, v1  }
0xeb: {  	v5 =	vsel vm0, v5, v6  }
0xec: {  	vm1 =	vgt.s32 v5, $0x211F;
	v7 =	vadd.s32 $0x7FFFDEE0, v5  }
0xed: {  	v3 =	vadd.s32 v3, v4;
	v4 =	vand.u32 $0x3FFF, v1;
	v7 =	vsel vm1, v7, v5  }
0xee: {  	v6 =	vshrl.u32 v6, $0xE;
	v4 =	vsel vm0, v7, v4;
	v7 =	vsel vm1, $0x1, v0  }
0xef: {  	v2 =	vshll.u32 v2, $0x1;
	v1 =	vsub.s32 v1, v5;
	v6 =	vsel vm0, v7, v6  }
0xf0: {  	v2 =	vadd.s32 v2, v3;
	v3 =	vshll.u32 v4, $0x1;
	v1 =	vadd.s32 v6, v1  }
0xf1: {  	[tilespmem:s24+$0x2200] =	vst v2;
	v1 =	vadd.s32 v3, v1  }
0xf2: {  	[tilespmem:s28+$0x2200] =	vst v1  }
0xf3: {  	_ =	swait.ge [sflag:s26], $0x8000  }
0xf4: {  	[sflag:s26] =	ssyncset.done $0x0  }
0xf5: {  	[sflag:s26] =	ssyncadd.s32 $0xFFFF8000  }
0xf6: {  	[tilespmem:s21], [sflag:$0x2] =	stream.indirect.gather [hbm4b:s3+s17], $0x40, s0, s17, $0xb8;
	[tilespmem:$0x12800] =	vst v63  }
0xf7: {  	_ =	swait.ge [sflag:s22], $0x8000  }
0xf8: {  	[sflag:s22] =	ssyncset.done $0x0  }
0xf9: {  	s30 =	simm.s32 $0x0;
	s24 =	simm.s32 $0x0;
	[sflag:s22] =	ssyncadd.s32 $0xFFFF8000  }
0xfa: {  	[hbm4b:s11+s30] =	stream.linear.scatter [tilespmem:s19], [sflag:$0x3], $0x8000, $0x38;
	[tilespmem:$0x12800] =	vst v63  }
0xfb: {  	v4 =	vld [tilespmem:s24+$0x1000];
	_ =	sdelay $0x4  }
0xfc: {  	vm14 =	vgt.s32 v4, $0xEFFFF;
	v1 =	vadd.s32 $0xFFF10000, v4;
	v2 =	vand.u32 $0x7FFF, v4  }
0xfd: {  	v5 =	vsel vm14, v1, v2  }
0xfe: {  	s28 =	simm.s32 $0x10;
	vm15 =	vgt.s32 v5, $0x211F;
	v1 =	vadd.s32 $0x7FFFDEE0, v5  }
0xff: {  	v6 =	vsel vm15, v1, v5;
	v1 =	vld [tilespmem:s28+$0x1000];
	_ =	sdelay $0x2  }
0x100: {  	v3 =	vand.u32 $0x3FFF, v4;
	v8 =	vshrl.u32 v2, $0xE;
	v7 =	vsel vm15, $0x1, v0  }
0x101: {  	s29 =	simm.s32 $0x80;
	v4 =	vsub.s32 v4, v5;
	v2 =	vsel vm14, v6, v3;
	v3 =	vsel vm14, v7, v8  }
.LBB2_18:
0x102: {  	s30 =	sshra.s32 s29, $0x2;
	vm0 =	vgt.s32 v1, $0xEFFFF;
	v2 =	vshll.u32 v2, $0x1;
	v3 =	vadd.s32 v3, v4;
	v4 =	vmovc v1;
	p0 =	sne.s32 s29, $0x7C0  }
.Ltmp8:
0x103: {  	s29 =	sadd.s32 $0x40, s29;
	v1 =	vld [tilespmem:s30+$0x1000];
	v5 =	vadd.s32 $0xFFF10000, v4;
	v6 =	vand.u32 $0x7FFF, v4;
	v2 =	vadd.s32 v2, v3;
	(pc) =	sbr.rel @p0 .LBB2_18-.Ltmp8, $4  }
0x104: {  	v5 =	vsel vm0, v5, v6;
	[tilespmem:s24+$0x2400] =	vst v2;
	s24 =	smov.u32 s28;
	s28 =	smov.u32 s30  }
0x105: {  	v3 =	vand.u32 $0x3FFF, v4;
	vm1 =	vgt.s32 v5, $0x211F;
	v2 =	vadd.s32 $0x7FFFDEE0, v5  }
0x106: {  	v6 =	vshrl.u32 v6, $0xE;
	v2 =	vsel vm1, v2, v5;
	v7 =	vsel vm1, $0x1, v0  }
0x107: {  	v4 =	vsub.s32 v4, v5;
	v2 =	vsel vm0, v2, v3;
	v3 =	vsel vm0, v7, v6  }
0x108: {  	vm0 =	vgt.s32 v1, $0xEFFFF;
	v5 =	vadd.s32 $0xFFF10000, v1;
	v6 =	vand.u32 $0x7FFF, v1  }
0x109: {  	v5 =	vsel vm0, v5, v6  }
0x10a: {  	vm1 =	vgt.s32 v5, $0x211F;
	v7 =	vadd.s32 $0x7FFFDEE0, v5  }
0x10b: {  	v3 =	vadd.s32 v3, v4;
	v4 =	vand.u32 $0x3FFF, v1;
	v7 =	vsel vm1, v7, v5  }
0x10c: {  	v6 =	vshrl.u32 v6, $0xE;
	v4 =	vsel vm0, v7, v4;
	v7 =	vsel vm1, $0x1, v0  }
0x10d: {  	v2 =	vshll.u32 v2, $0x1;
	v1 =	vsub.s32 v1, v5;
	v6 =	vsel vm0, v7, v6  }
0x10e: {  	v2 =	vadd.s32 v2, v3;
	v3 =	vshll.u32 v4, $0x1;
	v1 =	vadd.s32 v6, v1  }
0x10f: {  	[tilespmem:s24+$0x2400] =	vst v2;
	v1 =	vadd.s32 v3, v1  }
0x110: {  	[tilespmem:s28+$0x2400] =	vst v1  }
0x111: {  	_ =	swait.ge [sflag:s23], $0x8000  }
0x112: {  	[sflag:s23] =	ssyncset.done $0x0  }
0x113: {  	[sflag:s23] =	ssyncadd.s32 $0xFFFF8000  }
0x114: {  	[tilespmem:s19], [sflag:$0x1] =	stream.indirect.gather [hbm4b:s3+s17], $0x40, s1, s17, $0xb8;
	[tilespmem:$0x12800] =	vst v63  }
0x115: {  	_ =	swait.ge [sflag:s25], $0x8000  }
0x116: {  	[sflag:s25] =	ssyncset.done $0x0  }
0x117: {  	s30 =	simm.s32 $0x0;
	s24 =	simm.s32 $0x0;
	[sflag:s25] =	ssyncadd.s32 $0xFFFF8000  }
0x118: {  	[hbm4b:s12+s30] =	stream.linear.scatter [tilespmem:s21], [sflag:$0x4], $0x8000, $0x38;
	[tilespmem:$0x12800] =	vst v63  }
0x119: {  	v4 =	vld [tilespmem:s24+$0x1200];
	_ =	sdelay $0x4  }
0x11a: {  	vm14 =	vgt.s32 v4, $0xEFFFF;
	v1 =	vadd.s32 $0xFFF10000, v4;
	v2 =	vand.u32 $0x7FFF, v4  }
0x11b: {  	v5 =	vsel vm14, v1, v2  }
0x11c: {  	s28 =	simm.s32 $0x10;
	vm15 =	vgt.s32 v5, $0x211F;
	v1 =	vadd.s32 $0x7FFFDEE0, v5  }
0x11d: {  	v6 =	vsel vm15, v1, v5;
	v1 =	vld [tilespmem:s28+$0x1200];
	_ =	sdelay $0x2  }
0x11e: {  	v3 =	vand.u32 $0x3FFF, v4;
	v8 =	vshrl.u32 v2, $0xE;
	v7 =	vsel vm15, $0x1, v0  }
0x11f: {  	s29 =	simm.s32 $0x80;
	v4 =	vsub.s32 v4, v5;
	v2 =	vsel vm14, v6, v3;
	v3 =	vsel vm14, v7, v8  }
.LBB2_20:
0x120: {  	s30 =	sshra.s32 s29, $0x2;
	vm0 =	vgt.s32 v1, $0xEFFFF;
	v2 =	vshll.u32 v2, $0x1;
	v3 =	vadd.s32 v3, v4;
	v4 =	vmovc v1;
	p0 =	sne.s32 s29, $0x7C0  }
.Ltmp9:
0x121: {  	s29 =	sadd.s32 $0x40, s29;
	v1 =	vld [tilespmem:s30+$0x1200];
	v5 =	vadd.s32 $0xFFF10000, v4;
	v6 =	vand.u32 $0x7FFF, v4;
	v2 =	vadd.s32 v2, v3;
	(pc) =	sbr.rel @p0 .LBB2_20-.Ltmp9, $4  }
0x122: {  	v5 =	vsel vm0, v5, v6;
	[tilespmem:s24+$0x2600] =	vst v2;
	s24 =	smov.u32 s28;
	s28 =	smov.u32 s30  }
0x123: {  	v3 =	vand.u32 $0x3FFF, v4;
	vm1 =	vgt.s32 v5, $0x211F;
	v2 =	vadd.s32 $0x7FFFDEE0, v5  }
0x124: {  	v6 =	vshrl.u32 v6, $0xE;
	v2 =	vsel vm1, v2, v5;
	v7 =	vsel vm1, $0x1, v0  }
0x125: {  	v4 =	vsub.s32 v4, v5;
	v2 =	vsel vm0, v2, v3;
	v3 =	vsel vm0, v7, v6  }
0x126: {  	vm0 =	vgt.s32 v1, $0xEFFFF;
	v5 =	vadd.s32 $0xFFF10000, v1;
	v6 =	vand.u32 $0x7FFF, v1  }
0x127: {  	v3 =	vadd.s32 v3, v4;
	v62 =	vand.u32 $0x3FFF, v1;
	v5 =	vsel vm0, v5, v6  }
0x128: {  	v2 =	vshll.u32 v2, $0x1;
	vm1 =	vgt.s32 v5, $0x211F;
	v7 =	vadd.s32 $0x7FFFDEE0, v5  }
0x129: {  	v6 =	vshrl.u32 v6, $0xE;
	v7 =	vsel vm1, v7, v5;
	v63 =	vsel vm1, $0x1, v0  }
0x12a: {  	v1 =	vsub.s32 v1, v5;
	v4 =	vsel vm0, v7, v62;
	v6 =	vsel vm0, v63, v6  }
0x12b: {  	v2 =	vadd.s32 v2, v3;
	v3 =	vshll.u32 v4, $0x1;
	v1 =	vadd.s32 v6, v1  }
0x12c: {  	[tilespmem:s24+$0x2600] =	vst v2;
	v1 =	vadd.s32 v3, v1  }
0x12d: {  	[tilespmem:s28+$0x2600] =	vst v1  }
0x12e: {  	_ =	swait.ge [sflag:s26], $0x8000  }
0x12f: {  	[sflag:s26] =	ssyncset.done $0x0  }
0x130: {  	[sflag:s26] =	ssyncadd.s32 $0xFFFF8000  }
0x131: {  	[tilespmem:s21], [sflag:$0x2] =	stream.indirect.gather [hbm4b:s3+s17], $0x40, s18, s17, $0xb8;
	[tilespmem:$0x12800] =	vst v63  }
0x132: {  	_ =	swait.ge [sflag:s22], $0x8000  }
0x133: {  	[sflag:s22] =	ssyncset.done $0x0  }
0x134: {  	[sflag:s22] =	ssyncadd.s32 $0xFFFF8000  }
0x135: {  	[hbm4b:s13+s2] =	stream.linear.scatter [tilespmem:s19], [sflag:$0x3], $0x8000, $0x38;
	[tilespmem:$0x12800] =	vst v63  }
0x136: {  	_ =	swait.ge [sflag:s25], $0x8000  }
0x137: {  	[sflag:s25] =	ssyncset.done $0x0  }
0x138: {  	s20 =	sadd.s32 $0x1, s20;
	[sflag:s25] =	ssyncadd.s32 $0xFFFF8000  }
0x139: {  	[hbm4b:s14+s2] =	stream.linear.scatter [tilespmem:s21], [sflag:$0x4], $0x8000, $0x38;
	[tilespmem:$0x12800] =	vst v63  }
0x13a: {  	p0 =	sne.s32 s20, s15;
	_ =	swait.ge [sflag:s23], $0x8000  }
.Ltmp10:
0x13b: {  	[sflag:s23] =	ssyncset.done $0x0;
	(pc) =	sbr.rel @p0 .LBB2_1-.Ltmp10, $4  }
0x13c: {  	[sflag:s23] =	ssyncadd.s32 $0xFFFF8000  }
0x13d: {  	_ =	swait.ge [sflag:s26], $0x8000  }
0x13e: {  	[sflag:s26] =	ssyncset.done $0x0  }
0x13f: {  	[sflag:s26] =	ssyncadd.s32 $0xFFFF8000  }
0x140: {  	_ =	sfence.sel $0x180000  }
0x141: {  	[bflag:$0x0] =	sbarrier.arrive $0xFFFF  }
0x142: {  	_ =	strace $0x90000047  }
0x143: {  	s0 =	stileid.u32;
	[bflag:$0x2] =	sbarrier.arrive $0xFFFF  }
0x144: {  	p0 =	sne.s32 s0, $0x0;
	s0 =	rddreg [dreg:$0x2]  }
0x145: {  	s0 =	sadd.s32 @!p0 $0x100000, s0  }
0x146: {  	[sflag:s0] =	ssyncadd.tile.s32 @!p0 $0x1;
	_ =	shalt  }
.Lfunc_end2:
_tile_overlayer_lowered:
.L_overlay_start_2:
0x147: {  	(tag) =	ssettag $0x2  }
0x148: {  	s0 =	rddreg [dreg:$0x0];
	s2 =	stileid.u32  }
0x149: {  	s1 =	rddreg [dreg:$0x1];
	p0 =	sne.s32 s2, $0x0  }
0x14a: {  	s3 =	rddreg [dreg:$0x2];
	[bflag:$0x3] =	sbarrier.arrive $0xFFFF;
	s2 =	simm.s32 @!p0 $0x1C05  }
0x14b: {  	[timem:s3], [sflag:s2] =	dma.local @!p0 [hbm:s0], s1  }
0x14c: {  	s0 =	simm.s32 @!p0 $0x5  }
0x14d: {  	_ =	swait.ge @!p0 [sflag:s0], s1  }
0x14e: {  	s1 =	ssub.s32 @!p0 $0x0, s1;
	[sflag:s0] =	ssyncset.done @!p0 $0x0  }
0x14f: {  	[sflag:s0] =	ssyncadd.s32 @!p0 s1  }
0x150: {  	[bflag:$0x3] =	sbarrier.arrive $0xFFFF  }
0x151: {  	_ =	shalt  }

</sc_bundles>
